<compile_context>
chip_gen: v7x
topology: tpu7x:2x2x1
jax: 0.10.2.dev20260603
libtpu: 0.0.44.dev20260713+nightly
codegen_flags: <defaults>
</compile_context>

<pallas_src>
import functools

import jax
import jax.numpy as jnp
from jax import lax
from jax.experimental import pallas as pl
from jax.experimental.pallas import tpu as pltpu
from jax.experimental.pallas import tpu_sc as plsc

N = 10000
E = 320000
R = 8
O = 32

NB = 400
NBLK = N // NB

NW = 32
CHUNK = 128
EPAD = 327680
EROWS = EPAD // CHUNK
CPW = EROWS // NW
KBUF = 10
ACC_ROWS = 10112
RPS = ACC_ROWS // 16



def _dot(a, b):
    return jnp.dot(a, b, preferred_element_type=jnp.float32,
                   precision=jax.lax.Precision.HIGHEST)


def _proj_body(h_ref, bc_ref, kc_ref, ws_ref, tbl_ref, self_ref):
    hb = h_ref[...]
    tbl_ref[...] = _dot(_dot(hb, bc_ref[...]), kc_ref[...])
    self_ref[...] = _dot(hb, ws_ref[...])


def _proj(h, basesc, kc, wself):
    d = h.shape[1]
    return pl.pallas_call(
        _proj_body,
        grid=(NBLK,),
        in_specs=[
            pl.BlockSpec((NB, d), lambda i: (i, 0)),
            pl.BlockSpec((d, 128), lambda i: (0, 0)),
            pl.BlockSpec((128, R * O), lambda i: (0, 0)),
            pl.BlockSpec((d, O), lambda i: (0, 0)),
        ],
        out_specs=[
            pl.BlockSpec((NB, R * O), lambda i: (i, 0)),
            pl.BlockSpec((NB, O), lambda i: (i, 0)),
        ],
        out_shape=[
            jax.ShapeDtypeStruct((N, R * O), jnp.float32),
            jax.ShapeDtypeStruct((N, O), jnp.float32),
        ],
    )(h, basesc, kc, wself)


def _gidx_body(src_ref, et_ref, gidx_ref):
    gidx_ref[...] = src_ref[...] * R + et_ref[...]


def _gidx(src2d, et2d):
    return pl.pallas_call(
        _gidx_body,
        out_shape=jax.ShapeDtypeStruct((EROWS, CHUNK), jnp.int32),
    )(src2d, et2d)


def _layer2_body(p0_ref, p1_ref, s_ref, bc_ref, kc_ref, ws_ref,
                 h1_ref, tbl_ref, self_ref):
    h1 = jnp.maximum(p0_ref[...] + p1_ref[...] + s_ref[...], 0.0)
    h1_ref[...] = h1
    tbl_ref[...] = _dot(_dot(h1, bc_ref[...]), kc_ref[...])
    self_ref[...] = _dot(h1, ws_ref[...])


def _layer2(p0, p1, s, basesc, kc, wself):
    return pl.pallas_call(
        _layer2_body,
        grid=(NBLK,),
        in_specs=[
            pl.BlockSpec((NB, O), lambda i: (i, 0)),
            pl.BlockSpec((NB, O), lambda i: (i, 0)),
            pl.BlockSpec((NB, O), lambda i: (i, 0)),
            pl.BlockSpec((O, 128), lambda i: (0, 0)),
            pl.BlockSpec((128, R * O), lambda i: (0, 0)),
            pl.BlockSpec((O, O), lambda i: (0, 0)),
        ],
        out_specs=[
            pl.BlockSpec((NB, O), lambda i: (i, 0)),
            pl.BlockSpec((NB, R * O), lambda i: (i, 0)),
            pl.BlockSpec((NB, O), lambda i: (i, 0)),
        ],
        out_shape=[
            jax.ShapeDtypeStruct((N, O), jnp.float32),
            jax.ShapeDtypeStruct((N, R * O), jnp.float32),
            jax.ShapeDtypeStruct((N, O), jnp.float32),
        ],
    )(p0, p1, s, basesc, kc, wself)


def _final_body(p0_ref, p1_ref, s_ref, h1_ref, out_ref):
    h2 = jnp.maximum(p0_ref[...] + p1_ref[...] + s_ref[...], 0.0)
    out_ref[...] = jnp.concatenate([h1_ref[...], h2], axis=1)


def _final(p0, p1, s, h1):
    return pl.pallas_call(
        _final_body,
        grid=(NBLK,),
        in_specs=[pl.BlockSpec((NB, O), lambda i: (i, 0))] * 4,
        out_specs=pl.BlockSpec((NB, 2 * O), lambda i: (i, 0)),
        out_shape=jax.ShapeDtypeStruct((N, 2 * O), jnp.float32),
    )(p0, p1, s, h1)



def _sc_body(table_hbm, gidx_hbm, dst_hbm, zeros_hbm, out_hbm,
             gidx_v, dst_v, rows_v, zbuf, acc, sem, ssem):
    c = lax.axis_index("c")
    s = lax.axis_index("s")
    w = s * 2 + c
    pltpu.sync_copy(zeros_hbm.at[pl.ds(s * RPS, RPS)], zbuf)
    pltpu.sync_copy(zbuf, acc.at[pl.ds(s * RPS, RPS)])
    pltpu.sync_copy(gidx_hbm.at[pl.ds(w * CPW, CPW)], gidx_v)
    pltpu.sync_copy(dst_hbm.at[pl.ds(w * CPW, CPW)], dst_v)
    plsc.subcore_barrier()

    def body(i, carry):
        g0 = i * KBUF
        gs = [pltpu.async_copy(table_hbm.at[gidx_v.at[g0 + b]], rows_v.at[b], sem)
              for b in range(KBUF)]
        ss = []
        for b in range(KBUF):
            gs[b].wait()
            ss.append(pltpu.async_copy(rows_v.at[b], acc.at[dst_v.at[g0 + b]],
                                       ssem, add=True))
        for s2 in ss:
            s2.wait()
        return carry

    lax.fori_loop(0, CPW // KBUF, body, 0)
    plsc.subcore_barrier()
    pltpu.sync_copy(acc.at[pl.ds(s * RPS, RPS)], zbuf)
    pltpu.sync_copy(zbuf, out_hbm.at[c, pl.ds(s * RPS, RPS)])


@functools.cache
def _make_sc_edge_phase():
    return pl.kernel(
        _sc_body,
        mesh=plsc.VectorSubcoreMesh(core_axis_name="c", subcore_axis_name="s"),
        compiler_params=pltpu.CompilerParams(use_tc_tiling_on_sc=False),
        out_type=jax.ShapeDtypeStruct((2, ACC_ROWS, O), jnp.float32),
        scratch_types=[
            pltpu.VMEM((CPW, CHUNK), jnp.int32),
            pltpu.VMEM((CPW, CHUNK), jnp.int32),
            pltpu.VMEM((KBUF, CHUNK, O), jnp.float32),
            pltpu.VMEM((RPS, O), jnp.float32),
            pltpu.VMEM_SHARED((ACC_ROWS, O), jnp.float32),
            pltpu.SemaphoreType.DMA,
            pltpu.SemaphoreType.DMA,
        ],
    )


def _sc_edge_phase(table, gidx2d, dst2d, zeros):
    return _make_sc_edge_phase()(table, gidx2d, dst2d, zeros)



def kernel(x, edge_index, edge_type, edge_mask, bases1, comp1, wself1,
           bases2, comp2, wself2):
    del edge_mask
    eye = jnp.eye(O, dtype=jnp.float32)
    basesc1 = bases1.transpose(1, 0, 2).reshape(x.shape[1], 128)
    kc1 = jnp.kron(comp1.T, eye)
    basesc2 = bases2.transpose(1, 0, 2).reshape(O, 128)
    kc2 = jnp.kron(comp2.T, eye)

    pad = EPAD - E
    src2d = jnp.pad(edge_index[0], (0, pad)).reshape(EROWS, CHUNK)
    et2d = jnp.pad(edge_type, (0, pad)).reshape(EROWS, CHUNK)
    dst2d = jnp.pad(edge_index[1], (0, pad), constant_values=N).reshape(EROWS, CHUNK)
    zeros = jnp.zeros((ACC_ROWS, O), jnp.float32)

    gidx2d = _gidx(src2d, et2d)

    table1, self1 = _proj(x, basesc1, kc1, wself1)
    parts1 = _sc_edge_phase(table1.reshape(N * R, O), gidx2d, dst2d, zeros)
    h1, table2, self2 = _layer2(parts1[0, :N], parts1[1, :N], self1,
                                basesc2, kc2, wself2)
    parts2 = _sc_edge_phase(table2.reshape(N * R, O), gidx2d, dst2d, zeros)
    return _final(parts2[0, :N], parts2[1, :N], self2, h1)

# --- scband reference (transcript-rebuilt; emitter-appended) ---
"""Pipeline reference for scband-rgcn-35639638622219 (READ-ONLY COPY).

The authoritative reference and input builder live on the scoring server;
editing this copy changes nothing except your own understanding.
"""

import jax, jax.numpy as jnp
import numpy as np

N_NODES = 10000
N_EDGES = 320000
INP_DIM = 128
EMB_DIM = 32
NUM_BASES = 4
NUM_RELS = 8


def setup_inputs(seed: int = 0) -> dict:
    key = jax.random.key(seed)
    ks = jax.random.split(key, 12)
    x = jax.random.normal(ks[0], (N_NODES, INP_DIM), dtype=jnp.float32)
    edge_index = jax.random.randint(ks[1], (2, N_EDGES), 0, N_NODES, dtype=jnp.int32)
    edge_type = jax.random.randint(ks[2], (N_EDGES,), 0, NUM_RELS, dtype=jnp.int32)
    edge_mask = jnp.ones((N_EDGES,), dtype=jnp.float32)
    s1 = 1.0 / np.sqrt(INP_DIM)
    bases1 = jax.random.normal(ks[3], (NUM_BASES, INP_DIM, EMB_DIM), dtype=jnp.float32) * s1
    comp1 = jax.random.normal(ks[4], (NUM_RELS, NUM_BASES), dtype=jnp.float32)
    wself1 = jax.random.normal(ks[5], (INP_DIM, EMB_DIM), dtype=jnp.float32) * s1
    s2 = 1.0 / np.sqrt(EMB_DIM)
    bases2 = jax.random.normal(ks[6], (NUM_BASES, EMB_DIM, EMB_DIM), dtype=jnp.float32) * s2
    comp2 = jax.random.normal(ks[7], (NUM_RELS, NUM_BASES), dtype=jnp.float32)
    wself2 = jax.random.normal(ks[8], (EMB_DIM, EMB_DIM), dtype=jnp.float32) * s2
    return {"x": x, "edge_index": edge_index, "edge_type": edge_type, "edge_mask": edge_mask,
            "bases1": bases1, "comp1": comp1, "wself1": wself1,
            "bases2": bases2, "comp2": comp2, "wself2": wself2}


def _rgcn_layer(h, src, dst, etype, mask, bases, comp, wself):
    # basis decomposition: W[r] = sum_b comp[r, b] * bases[b]
    # project node feats through all bases once: [N, B, O]
    hp = jnp.einsum('ni,bio->nbo', h, bases)
    # per-edge relation coefficients: [E, B]
    coeff = jnp.take(comp, etype, axis=0)
    # message: mask_e * (h_src @ W[rel_e]) computed via basis trick
    msg = jnp.einsum('eb,ebo->eo', coeff, jnp.take(hp, src, axis=0))
    msg = msg * mask[:, None]
    # sum aggregation at destination nodes (scatter-add)
    agg = jax.ops.segment_sum(msg, dst, num_segments=h.shape[0])
    # self-loop + sum aggregator + relu activation
    return jax.nn.relu(agg + h @ wself)


def reference(x, edge_index, edge_type, edge_mask, bases1, comp1, wself1, bases2, comp2, wself2):
    src = edge_index[0]
    dst = edge_index[1]
    h1 = _rgcn_layer(x, src, dst, edge_type, edge_mask, bases1, comp1, wself1)  # input layer
    h2 = _rgcn_layer(h1, src, dst, edge_type, edge_mask, bases2, comp2, wself2)  # hidden layer
    # RGCN.message: repr = input-layer output, then concat each subsequent layer
    return jnp.concatenate([h1, h2], axis=1)

if __name__ == "__main__":
    import jax
    _d = setup_inputs()
    print(jax.jit(kernel)(*tuple(_d.values())))

</pallas_src>

<mosaic_0001>
#map = affine_map<(d0, d1) -> (0, 0)>
#map1 = affine_map<(d0, d1) -> (0, 0, 0)>
module attributes {stable_mosaic.version = 14 : i64} {
  func.func @_sc_body(%arg0: i32, %arg1: i32, %arg2: memref<80000x32xf32, #tpu.memory_space<hbm>>, %arg3: memref<2560x128xi32, #tpu.memory_space<hbm>>, %arg4: memref<2560x128xi32, #tpu.memory_space<hbm>>, %arg5: memref<10112x32xf32, #tpu.memory_space<hbm>>, %arg6: memref<2x10112x32xf32, #tpu.memory_space<hbm>>, %arg7: memref<80x128xi32, #tpu.memory_space<vmem>>, %arg8: memref<80x128xi32, #tpu.memory_space<vmem>>, %arg9: memref<10x128x32xf32, #tpu.memory_space<vmem>>, %arg10: memref<632x32xf32, #tpu.memory_space<vmem>>, %arg11: memref<10112x32xf32, #tpu.memory_space<vmem_shared>>, %arg12: memref<!tpu.dma_semaphore, #tpu.memory_space<semaphore_mem>>, %arg13: memref<!tpu.dma_semaphore, #tpu.memory_space<semaphore_mem>>) attributes {dimension_semantics = [#tpu.dimension_semantics<core_parallel>, #tpu.dimension_semantics<subcore_parallel>], iteration_bounds = array<i64: 2, 16>, scalar_prefetch = 0 : i64, scratch_operands = 7 : i64, tpu.core_type = #tpu.core_type<sc_vector_subcore>, window_params = [{transform_indices = #map}, {transform_indices = #map}, {transform_indices = #map}, {transform_indices = #map}, {transform_indices = #map1}]} {
    %mul3A = arith.constant 2 : i32
    %mul3A_0 = arith.muli %arg1, %mul3A : i32
    %add3A = arith.addi %mul3A_0, %arg0 : i32
    %mul3A_1 = arith.constant 632 : i32
    %mul3A_2 = arith.muli %arg1, %mul3A_1 : i32
    "tpu.region"() ({
      %run_scoped3A = tpu.sem_alloc : memref<!tpu.dma_semaphore, #tpu.memory_space<semaphore_mem>>
      %dma_start3A = arith.constant 0 : i32
      %dma_start3A_19 = tpu.memref_slice %arg5[%mul3A_2, %dma_start3A] : memref<10112x32xf32, #tpu.memory_space<hbm>> -> memref<632x32xf32, #tpu.memory_space<hbm>>
      %dma_start3A_20 = arith.constant 0 : i32
      %dma_start3A_21 = tpu.memref_slice %arg5[%mul3A_2, %dma_start3A_20] : memref<10112x32xf32, #tpu.memory_space<hbm>> -> memref<632x32xf32, #tpu.memory_space<hbm>>
      tpu.enqueue_dma source(%dma_start3A_21 : memref<632x32xf32, #tpu.memory_space<hbm>>) target(%arg10 : memref<632x32xf32, #tpu.memory_space<vmem>>) target_semaphore(%run_scoped3A : memref<!tpu.dma_semaphore, #tpu.memory_space<semaphore_mem>>)
      %dma_wait3A = arith.constant 0 : i32
      %dma_wait3A_22 = tpu.memref_slice %arg5[%mul3A_2, %dma_wait3A] : memref<10112x32xf32, #tpu.memory_space<hbm>> -> memref<632x32xf32, #tpu.memory_space<hbm>>
      %dma_wait3A_23 = arith.constant 0 : i32
      %dma_wait3A_24 = tpu.memref_slice %arg5[%mul3A_2, %dma_wait3A_23] : memref<10112x32xf32, #tpu.memory_space<hbm>> -> memref<632x32xf32, #tpu.memory_space<hbm>>
      tpu.wait_dma2 semaphore(%run_scoped3A : memref<!tpu.dma_semaphore, #tpu.memory_space<semaphore_mem>>) src(%dma_wait3A_24 : memref<632x32xf32, #tpu.memory_space<hbm>>) dst(%arg10 : memref<632x32xf32, #tpu.memory_space<vmem>>)
      tpu.yield
    }) : () -> ()
    %mul3A_3 = arith.constant 632 : i32
    %mul3A_4 = arith.muli %arg1, %mul3A_3 : i32
    "tpu.region"() ({
      %run_scoped3A = tpu.sem_alloc : memref<!tpu.dma_semaphore, #tpu.memory_space<semaphore_mem>>
      %dma_start3A = arith.constant 0 : i32
      %dma_start3A_19 = tpu.memref_slice %arg11[%mul3A_4, %dma_start3A] : memref<10112x32xf32, #tpu.memory_space<vmem_shared>> -> memref<632x32xf32, #tpu.memory_space<vmem_shared>>
      %dma_start3A_20 = arith.constant 0 : i32
      %dma_start3A_21 = tpu.memref_slice %arg11[%mul3A_4, %dma_start3A_20] : memref<10112x32xf32, #tpu.memory_space<vmem_shared>> -> memref<632x32xf32, #tpu.memory_space<vmem_shared>>
      tpu.enqueue_dma source(%arg10 : memref<632x32xf32, #tpu.memory_space<vmem>>) target(%dma_start3A_21 : memref<632x32xf32, #tpu.memory_space<vmem_shared>>) target_semaphore(%run_scoped3A : memref<!tpu.dma_semaphore, #tpu.memory_space<semaphore_mem>>)
      %dma_wait3A = arith.constant 0 : i32
      %dma_wait3A_22 = tpu.memref_slice %arg11[%mul3A_4, %dma_wait3A] : memref<10112x32xf32, #tpu.memory_space<vmem_shared>> -> memref<632x32xf32, #tpu.memory_space<vmem_shared>>
      %dma_wait3A_23 = arith.constant 0 : i32
      %dma_wait3A_24 = tpu.memref_slice %arg11[%mul3A_4, %dma_wait3A_23] : memref<10112x32xf32, #tpu.memory_space<vmem_shared>> -> memref<632x32xf32, #tpu.memory_space<vmem_shared>>
      tpu.wait_dma2 semaphore(%run_scoped3A : memref<!tpu.dma_semaphore, #tpu.memory_space<semaphore_mem>>) src(%arg10 : memref<632x32xf32, #tpu.memory_space<vmem>>) dst(%dma_wait3A_24 : memref<632x32xf32, #tpu.memory_space<vmem_shared>>)
      tpu.yield
    }) : () -> ()
    %mul3A_5 = arith.constant 80 : i32
    %mul3A_6 = arith.muli %add3A, %mul3A_5 : i32
    "tpu.region"() ({
      %run_scoped3A = tpu.sem_alloc : memref<!tpu.dma_semaphore, #tpu.memory_space<semaphore_mem>>
      %dma_start3A = arith.constant 0 : i32
      %dma_start3A_19 = tpu.memref_slice %arg3[%mul3A_6, %dma_start3A] : memref<2560x128xi32, #tpu.memory_space<hbm>> -> memref<80x128xi32, #tpu.memory_space<hbm>>
      %dma_start3A_20 = arith.constant 0 : i32
      %dma_start3A_21 = tpu.memref_slice %arg3[%mul3A_6, %dma_start3A_20] : memref<2560x128xi32, #tpu.memory_space<hbm>> -> memref<80x128xi32, #tpu.memory_space<hbm>>
      tpu.enqueue_dma source(%dma_start3A_21 : memref<80x128xi32, #tpu.memory_space<hbm>>) target(%arg7 : memref<80x128xi32, #tpu.memory_space<vmem>>) target_semaphore(%run_scoped3A : memref<!tpu.dma_semaphore, #tpu.memory_space<semaphore_mem>>)
      %dma_wait3A = arith.constant 0 : i32
      %dma_wait3A_22 = tpu.memref_slice %arg3[%mul3A_6, %dma_wait3A] : memref<2560x128xi32, #tpu.memory_space<hbm>> -> memref<80x128xi32, #tpu.memory_space<hbm>>
      %dma_wait3A_23 = arith.constant 0 : i32
      %dma_wait3A_24 = tpu.memref_slice %arg3[%mul3A_6, %dma_wait3A_23] : memref<2560x128xi32, #tpu.memory_space<hbm>> -> memref<80x128xi32, #tpu.memory_space<hbm>>
      tpu.wait_dma2 semaphore(%run_scoped3A : memref<!tpu.dma_semaphore, #tpu.memory_space<semaphore_mem>>) src(%dma_wait3A_24 : memref<80x128xi32, #tpu.memory_space<hbm>>) dst(%arg7 : memref<80x128xi32, #tpu.memory_space<vmem>>)
      tpu.yield
    }) : () -> ()
    %mul3A_7 = arith.constant 80 : i32
    %mul3A_8 = arith.muli %add3A, %mul3A_7 : i32
    "tpu.region"() ({
      %run_scoped3A = tpu.sem_alloc : memref<!tpu.dma_semaphore, #tpu.memory_space<semaphore_mem>>
      %dma_start3A = arith.constant 0 : i32
      %dma_start3A_19 = tpu.memref_slice %arg4[%mul3A_8, %dma_start3A] : memref<2560x128xi32, #tpu.memory_space<hbm>> -> memref<80x128xi32, #tpu.memory_space<hbm>>
      %dma_start3A_20 = arith.constant 0 : i32
      %dma_start3A_21 = tpu.memref_slice %arg4[%mul3A_8, %dma_start3A_20] : memref<2560x128xi32, #tpu.memory_space<hbm>> -> memref<80x128xi32, #tpu.memory_space<hbm>>
      tpu.enqueue_dma source(%dma_start3A_21 : memref<80x128xi32, #tpu.memory_space<hbm>>) target(%arg8 : memref<80x128xi32, #tpu.memory_space<vmem>>) target_semaphore(%run_scoped3A : memref<!tpu.dma_semaphore, #tpu.memory_space<semaphore_mem>>)
      %dma_wait3A = arith.constant 0 : i32
      %dma_wait3A_22 = tpu.memref_slice %arg4[%mul3A_8, %dma_wait3A] : memref<2560x128xi32, #tpu.memory_space<hbm>> -> memref<80x128xi32, #tpu.memory_space<hbm>>
      %dma_wait3A_23 = arith.constant 0 : i32
      %dma_wait3A_24 = tpu.memref_slice %arg4[%mul3A_8, %dma_wait3A_23] : memref<2560x128xi32, #tpu.memory_space<hbm>> -> memref<80x128xi32, #tpu.memory_space<hbm>>
      tpu.wait_dma2 semaphore(%run_scoped3A : memref<!tpu.dma_semaphore, #tpu.memory_space<semaphore_mem>>) src(%dma_wait3A_24 : memref<80x128xi32, #tpu.memory_space<hbm>>) dst(%arg8 : memref<80x128xi32, #tpu.memory_space<vmem>>)
      tpu.yield
    }) : () -> ()
    %barrier3A = arith.constant 0 : index
    tpu.barrier barrier_id(%barrier3A)
    %scan3A = arith.constant 0 : i32
    %scan3A_9 = arith.constant 0 : i32
    %scan3A_10 = arith.constant 8 : i32
    %scan3A_11 = arith.addi %scan3A_9, %scan3A_10 : i32
    %scan3A_12 = arith.constant 1 : i32
    scf.for %scan3A_19 = %scan3A_9 to %scan3A_11 step %scan3A_12  : i32 {
      %mul3A_20 = arith.constant 10 : i32
      %mul3A_21 = arith.muli %scan3A_19, %mul3A_20 : i32
      %add3A_22 = arith.constant 0 : i32
      %add3A_23 = arith.addi %mul3A_21, %add3A_22 : i32
      %dma_start3A = arith.constant 0 : i32
      %dma_start3A_24 = arith.constant 0 : i32
      %dma_start3A_25 = arith.constant 0 : i32
      %dma_start3A_26 = tpu.memref_slice %arg9[%dma_start3A, %dma_start3A_24, %dma_start3A_25] : memref<10x128x32xf32, #tpu.memory_space<vmem>> -> memref<1x128x32xf32, #tpu.memory_space<vmem>>
      %dma_start3A_27 = tpu.memref_squeeze %dma_start3A_26 : memref<1x128x32xf32, #tpu.memory_space<vmem>> -> memref<128x32xf32, #tpu.memory_space<vmem>>
      %dma_start3A_28 = arith.constant 0 : i32
      %dma_start3A_29 = tpu.memref_slice %arg7[%add3A_23, %dma_start3A_28] : memref<80x128xi32, #tpu.memory_space<vmem>> -> memref<1x128xi32, #tpu.memory_space<vmem>>
      %dma_start3A_30 = tpu.memref_squeeze %dma_start3A_29 : memref<1x128xi32, #tpu.memory_space<vmem>> -> memref<128xi32, #tpu.memory_space<vmem>>
      %dma_start3A_31 = arith.constant 0 : i32
      %dma_start3A_32 = arith.constant 0 : i32
      %dma_start3A_33 = tpu.memref_slice %arg2[%dma_start3A_31, %dma_start3A_32] : memref<80000x32xf32, #tpu.memory_space<hbm>> -> memref<80000x32xf32, #tpu.memory_space<hbm>>
      tpu.enqueue_indirect_dma source(%dma_start3A_33 : memref<80000x32xf32, #tpu.memory_space<hbm>>) target(%dma_start3A_27 : memref<128x32xf32, #tpu.memory_space<vmem>>) offsets(%dma_start3A_30 : memref<128xi32, #tpu.memory_space<vmem>>) semaphore(%arg12 : memref<!tpu.dma_semaphore, #tpu.memory_space<semaphore_mem>>)
      %add3A_34 = arith.constant 1 : i32
      %add3A_35 = arith.addi %mul3A_21, %add3A_34 : i32
      %dma_start3A_36 = arith.constant 1 : i32
      %dma_start3A_37 = arith.constant 0 : i32
      %dma_start3A_38 = arith.constant 0 : i32
      %dma_start3A_39 = tpu.memref_slice %arg9[%dma_start3A_36, %dma_start3A_37, %dma_start3A_38] : memref<10x128x32xf32, #tpu.memory_space<vmem>> -> memref<1x128x32xf32, #tpu.memory_space<vmem>>
      %dma_start3A_40 = tpu.memref_squeeze %dma_start3A_39 : memref<1x128x32xf32, #tpu.memory_space<vmem>> -> memref<128x32xf32, #tpu.memory_space<vmem>>
      %dma_start3A_41 = arith.constant 0 : i32
      %dma_start3A_42 = tpu.memref_slice %arg7[%add3A_35, %dma_start3A_41] : memref<80x128xi32, #tpu.memory_space<vmem>> -> memref<1x128xi32, #tpu.memory_space<vmem>>
      %dma_start3A_43 = tpu.memref_squeeze %dma_start3A_42 : memref<1x128xi32, #tpu.memory_space<vmem>> -> memref<128xi32, #tpu.memory_space<vmem>>
      %dma_start3A_44 = arith.constant 0 : i32
      %dma_start3A_45 = arith.constant 0 : i32
      %dma_start3A_46 = tpu.memref_slice %arg2[%dma_start3A_44, %dma_start3A_45] : memref<80000x32xf32, #tpu.memory_space<hbm>> -> memref<80000x32xf32, #tpu.memory_space<hbm>>
      tpu.enqueue_indirect_dma source(%dma_start3A_46 : memref<80000x32xf32, #tpu.memory_space<hbm>>) target(%dma_start3A_40 : memref<128x32xf32, #tpu.memory_space<vmem>>) offsets(%dma_start3A_43 : memref<128xi32, #tpu.memory_space<vmem>>) semaphore(%arg12 : memref<!tpu.dma_semaphore, #tpu.memory_space<semaphore_mem>>)
      %add3A_47 = arith.constant 2 : i32
      %add3A_48 = arith.addi %mul3A_21, %add3A_47 : i32
      %dma_start3A_49 = arith.constant 2 : i32
      %dma_start3A_50 = arith.constant 0 : i32
      %dma_start3A_51 = arith.constant 0 : i32
      %dma_start3A_52 = tpu.memref_slice %arg9[%dma_start3A_49, %dma_start3A_50, %dma_start3A_51] : memref<10x128x32xf32, #tpu.memory_space<vmem>> -> memref<1x128x32xf32, #tpu.memory_space<vmem>>
      %dma_start3A_53 = tpu.memref_squeeze %dma_start3A_52 : memref<1x128x32xf32, #tpu.memory_space<vmem>> -> memref<128x32xf32, #tpu.memory_space<vmem>>
      %dma_start3A_54 = arith.constant 0 : i32
      %dma_start3A_55 = tpu.memref_slice %arg7[%add3A_48, %dma_start3A_54] : memref<80x128xi32, #tpu.memory_space<vmem>> -> memref<1x128xi32, #tpu.memory_space<vmem>>
      %dma_start3A_56 = tpu.memref_squeeze %dma_start3A_55 : memref<1x128xi32, #tpu.memory_space<vmem>> -> memref<128xi32, #tpu.memory_space<vmem>>
      %dma_start3A_57 = arith.constant 0 : i32
      %dma_start3A_58 = arith.constant 0 : i32
      %dma_start3A_59 = tpu.memref_slice %arg2[%dma_start3A_57, %dma_start3A_58] : memref<80000x32xf32, #tpu.memory_space<hbm>> -> memref<80000x32xf32, #tpu.memory_space<hbm>>
      tpu.enqueue_indirect_dma source(%dma_start3A_59 : memref<80000x32xf32, #tpu.memory_space<hbm>>) target(%dma_start3A_53 : memref<128x32xf32, #tpu.memory_space<vmem>>) offsets(%dma_start3A_56 : memref<128xi32, #tpu.memory_space<vmem>>) semaphore(%arg12 : memref<!tpu.dma_semaphore, #tpu.memory_space<semaphore_mem>>)
      %add3A_60 = arith.constant 3 : i32
      %add3A_61 = arith.addi %mul3A_21, %add3A_60 : i32
      %dma_start3A_62 = arith.constant 3 : i32
      %dma_start3A_63 = arith.constant 0 : i32
      %dma_start3A_64 = arith.constant 0 : i32
      %dma_start3A_65 = tpu.memref_slice %arg9[%dma_start3A_62, %dma_start3A_63, %dma_start3A_64] : memref<10x128x32xf32, #tpu.memory_space<vmem>> -> memref<1x128x32xf32, #tpu.memory_space<vmem>>
      %dma_start3A_66 = tpu.memref_squeeze %dma_start3A_65 : memref<1x128x32xf32, #tpu.memory_space<vmem>> -> memref<128x32xf32, #tpu.memory_space<vmem>>
      %dma_start3A_67 = arith.constant 0 : i32
      %dma_start3A_68 = tpu.memref_slice %arg7[%add3A_61, %dma_start3A_67] : memref<80x128xi32, #tpu.memory_space<vmem>> -> memref<1x128xi32, #tpu.memory_space<vmem>>
      %dma_start3A_69 = tpu.memref_squeeze %dma_start3A_68 : memref<1x128xi32, #tpu.memory_space<vmem>> -> memref<128xi32, #tpu.memory_space<vmem>>
      %dma_start3A_70 = arith.constant 0 : i32
      %dma_start3A_71 = arith.constant 0 : i32
      %dma_start3A_72 = tpu.memref_slice %arg2[%dma_start3A_70, %dma_start3A_71] : memref<80000x32xf32, #tpu.memory_space<hbm>> -> memref<80000x32xf32, #tpu.memory_space<hbm>>
      tpu.enqueue_indirect_dma source(%dma_start3A_72 : memref<80000x32xf32, #tpu.memory_space<hbm>>) target(%dma_start3A_66 : memref<128x32xf32, #tpu.memory_space<vmem>>) offsets(%dma_start3A_69 : memref<128xi32, #tpu.memory_space<vmem>>) semaphore(%arg12 : memref<!tpu.dma_semaphore, #tpu.memory_space<semaphore_mem>>)
      %add3A_73 = arith.constant 4 : i32
      %add3A_74 = arith.addi %mul3A_21, %add3A_73 : i32
      %dma_start3A_75 = arith.constant 4 : i32
      %dma_start3A_76 = arith.constant 0 : i32
      %dma_start3A_77 = arith.constant 0 : i32
      %dma_start3A_78 = tpu.memref_slice %arg9[%dma_start3A_75, %dma_start3A_76, %dma_start3A_77] : memref<10x128x32xf32, #tpu.memory_space<vmem>> -> memref<1x128x32xf32, #tpu.memory_space<vmem>>
      %dma_start3A_79 = tpu.memref_squeeze %dma_start3A_78 : memref<1x128x32xf32, #tpu.memory_space<vmem>> -> memref<128x32xf32, #tpu.memory_space<vmem>>
      %dma_start3A_80 = arith.constant 0 : i32
      %dma_start3A_81 = tpu.memref_slice %arg7[%add3A_74, %dma_start3A_80] : memref<80x128xi32, #tpu.memory_space<vmem>> -> memref<1x128xi32, #tpu.memory_space<vmem>>
      %dma_start3A_82 = tpu.memref_squeeze %dma_start3A_81 : memref<1x128xi32, #tpu.memory_space<vmem>> -> memref<128xi32, #tpu.memory_space<vmem>>
      %dma_start3A_83 = arith.constant 0 : i32
      %dma_start3A_84 = arith.constant 0 : i32
      %dma_start3A_85 = tpu.memref_slice %arg2[%dma_start3A_83, %dma_start3A_84] : memref<80000x32xf32, #tpu.memory_space<hbm>> -> memref<80000x32xf32, #tpu.memory_space<hbm>>
      tpu.enqueue_indirect_dma source(%dma_start3A_85 : memref<80000x32xf32, #tpu.memory_space<hbm>>) target(%dma_start3A_79 : memref<128x32xf32, #tpu.memory_space<vmem>>) offsets(%dma_start3A_82 : memref<128xi32, #tpu.memory_space<vmem>>) semaphore(%arg12 : memref<!tpu.dma_semaphore, #tpu.memory_space<semaphore_mem>>)
      %add3A_86 = arith.constant 5 : i32
      %add3A_87 = arith.addi %mul3A_21, %add3A_86 : i32
      %dma_start3A_88 = arith.constant 5 : i32
      %dma_start3A_89 = arith.constant 0 : i32
      %dma_start3A_90 = arith.constant 0 : i32
      %dma_start3A_91 = tpu.memref_slice %arg9[%dma_start3A_88, %dma_start3A_89, %dma_start3A_90] : memref<10x128x32xf32, #tpu.memory_space<vmem>> -> memref<1x128x32xf32, #tpu.memory_space<vmem>>
      %dma_start3A_92 = tpu.memref_squeeze %dma_start3A_91 : memref<1x128x32xf32, #tpu.memory_space<vmem>> -> memref<128x32xf32, #tpu.memory_space<vmem>>
      %dma_start3A_93 = arith.constant 0 : i32
      %dma_start3A_94 = tpu.memref_slice %arg7[%add3A_87, %dma_start3A_93] : memref<80x128xi32, #tpu.memory_space<vmem>> -> memref<1x128xi32, #tpu.memory_space<vmem>>
      %dma_start3A_95 = tpu.memref_squeeze %dma_start3A_94 : memref<1x128xi32, #tpu.memory_space<vmem>> -> memref<128xi32, #tpu.memory_space<vmem>>
      %dma_start3A_96 = arith.constant 0 : i32
      %dma_start3A_97 = arith.constant 0 : i32
      %dma_start3A_98 = tpu.memref_slice %arg2[%dma_start3A_96, %dma_start3A_97] : memref<80000x32xf32, #tpu.memory_space<hbm>> -> memref<80000x32xf32, #tpu.memory_space<hbm>>
      tpu.enqueue_indirect_dma source(%dma_start3A_98 : memref<80000x32xf32, #tpu.memory_space<hbm>>) target(%dma_start3A_92 : memref<128x32xf32, #tpu.memory_space<vmem>>) offsets(%dma_start3A_95 : memref<128xi32, #tpu.memory_space<vmem>>) semaphore(%arg12 : memref<!tpu.dma_semaphore, #tpu.memory_space<semaphore_mem>>)
      %add3A_99 = arith.constant 6 : i32
      %add3A_100 = arith.addi %mul3A_21, %add3A_99 : i32
      %dma_start3A_101 = arith.constant 6 : i32
      %dma_start3A_102 = arith.constant 0 : i32
      %dma_start3A_103 = arith.constant 0 : i32
      %dma_start3A_104 = tpu.memref_slice %arg9[%dma_start3A_101, %dma_start3A_102, %dma_start3A_103] : memref<10x128x32xf32, #tpu.memory_space<vmem>> -> memref<1x128x32xf32, #tpu.memory_space<vmem>>
      %dma_start3A_105 = tpu.memref_squeeze %dma_start3A_104 : memref<1x128x32xf32, #tpu.memory_space<vmem>> -> memref<128x32xf32, #tpu.memory_space<vmem>>
      %dma_start3A_106 = arith.constant 0 : i32
      %dma_start3A_107 = tpu.memref_slice %arg7[%add3A_100, %dma_start3A_106] : memref<80x128xi32, #tpu.memory_space<vmem>> -> memref<1x128xi32, #tpu.memory_space<vmem>>
      %dma_start3A_108 = tpu.memref_squeeze %dma_start3A_107 : memref<1x128xi32, #tpu.memory_space<vmem>> -> memref<128xi32, #tpu.memory_space<vmem>>
      %dma_start3A_109 = arith.constant 0 : i32
      %dma_start3A_110 = arith.constant 0 : i32
      %dma_start3A_111 = tpu.memref_slice %arg2[%dma_start3A_109, %dma_start3A_110] : memref<80000x32xf32, #tpu.memory_space<hbm>> -> memref<80000x32xf32, #tpu.memory_space<hbm>>
      tpu.enqueue_indirect_dma source(%dma_start3A_111 : memref<80000x32xf32, #tpu.memory_space<hbm>>) target(%dma_start3A_105 : memref<128x32xf32, #tpu.memory_space<vmem>>) offsets(%dma_start3A_108 : memref<128xi32, #tpu.memory_space<vmem>>) semaphore(%arg12 : memref<!tpu.dma_semaphore, #tpu.memory_space<semaphore_mem>>)
      %add3A_112 = arith.constant 7 : i32
      %add3A_113 = arith.addi %mul3A_21, %add3A_112 : i32
      %dma_start3A_114 = arith.constant 7 : i32
      %dma_start3A_115 = arith.constant 0 : i32
      %dma_start3A_116 = arith.constant 0 : i32
      %dma_start3A_117 = tpu.memref_slice %arg9[%dma_start3A_114, %dma_start3A_115, %dma_start3A_116] : memref<10x128x32xf32, #tpu.memory_space<vmem>> -> memref<1x128x32xf32, #tpu.memory_space<vmem>>
      %dma_start3A_118 = tpu.memref_squeeze %dma_start3A_117 : memref<1x128x32xf32, #tpu.memory_space<vmem>> -> memref<128x32xf32, #tpu.memory_space<vmem>>
      %dma_start3A_119 = arith.constant 0 : i32
      %dma_start3A_120 = tpu.memref_slice %arg7[%add3A_113, %dma_start3A_119] : memref<80x128xi32, #tpu.memory_space<vmem>> -> memref<1x128xi32, #tpu.memory_space<vmem>>
      %dma_start3A_121 = tpu.memref_squeeze %dma_start3A_120 : memref<1x128xi32, #tpu.memory_space<vmem>> -> memref<128xi32, #tpu.memory_space<vmem>>
      %dma_start3A_122 = arith.constant 0 : i32
      %dma_start3A_123 = arith.constant 0 : i32
      %dma_start3A_124 = tpu.memref_slice %arg2[%dma_start3A_122, %dma_start3A_123] : memref<80000x32xf32, #tpu.memory_space<hbm>> -> memref<80000x32xf32, #tpu.memory_space<hbm>>
      tpu.enqueue_indirect_dma source(%dma_start3A_124 : memref<80000x32xf32, #tpu.memory_space<hbm>>) target(%dma_start3A_118 : memref<128x32xf32, #tpu.memory_space<vmem>>) offsets(%dma_start3A_121 : memref<128xi32, #tpu.memory_space<vmem>>) semaphore(%arg12 : memref<!tpu.dma_semaphore, #tpu.memory_space<semaphore_mem>>)
      %add3A_125 = arith.constant 8 : i32
      %add3A_126 = arith.addi %mul3A_21, %add3A_125 : i32
      %dma_start3A_127 = arith.constant 8 : i32
      %dma_start3A_128 = arith.constant 0 : i32
      %dma_start3A_129 = arith.constant 0 : i32
      %dma_start3A_130 = tpu.memref_slice %arg9[%dma_start3A_127, %dma_start3A_128, %dma_start3A_129] : memref<10x128x32xf32, #tpu.memory_space<vmem>> -> memref<1x128x32xf32, #tpu.memory_space<vmem>>
      %dma_start3A_131 = tpu.memref_squeeze %dma_start3A_130 : memref<1x128x32xf32, #tpu.memory_space<vmem>> -> memref<128x32xf32, #tpu.memory_space<vmem>>
      %dma_start3A_132 = arith.constant 0 : i32
      %dma_start3A_133 = tpu.memref_slice %arg7[%add3A_126, %dma_start3A_132] : memref<80x128xi32, #tpu.memory_space<vmem>> -> memref<1x128xi32, #tpu.memory_space<vmem>>
      %dma_start3A_134 = tpu.memref_squeeze %dma_start3A_133 : memref<1x128xi32, #tpu.memory_space<vmem>> -> memref<128xi32, #tpu.memory_space<vmem>>
      %dma_start3A_135 = arith.constant 0 : i32
      %dma_start3A_136 = arith.constant 0 : i32
      %dma_start3A_137 = tpu.memref_slice %arg2[%dma_start3A_135, %dma_start3A_136] : memref<80000x32xf32, #tpu.memory_space<hbm>> -> memref<80000x32xf32, #tpu.memory_space<hbm>>
      tpu.enqueue_indirect_dma source(%dma_start3A_137 : memref<80000x32xf32, #tpu.memory_space<hbm>>) target(%dma_start3A_131 : memref<128x32xf32, #tpu.memory_space<vmem>>) offsets(%dma_start3A_134 : memref<128xi32, #tpu.memory_space<vmem>>) semaphore(%arg12 : memref<!tpu.dma_semaphore, #tpu.memory_space<semaphore_mem>>)
      %add3A_138 = arith.constant 9 : i32
      %add3A_139 = arith.addi %mul3A_21, %add3A_138 : i32
      %dma_start3A_140 = arith.constant 9 : i32
      %dma_start3A_141 = arith.constant 0 : i32
      %dma_start3A_142 = arith.constant 0 : i32
      %dma_start3A_143 = tpu.memref_slice %arg9[%dma_start3A_140, %dma_start3A_141, %dma_start3A_142] : memref<10x128x32xf32, #tpu.memory_space<vmem>> -> memref<1x128x32xf32, #tpu.memory_space<vmem>>
      %dma_start3A_144 = tpu.memref_squeeze %dma_start3A_143 : memref<1x128x32xf32, #tpu.memory_space<vmem>> -> memref<128x32xf32, #tpu.memory_space<vmem>>
      %dma_start3A_145 = arith.constant 0 : i32
      %dma_start3A_146 = tpu.memref_slice %arg7[%add3A_139, %dma_start3A_145] : memref<80x128xi32, #tpu.memory_space<vmem>> -> memref<1x128xi32, #tpu.memory_space<vmem>>
      %dma_start3A_147 = tpu.memref_squeeze %dma_start3A_146 : memref<1x128xi32, #tpu.memory_space<vmem>> -> memref<128xi32, #tpu.memory_space<vmem>>
      %dma_start3A_148 = arith.constant 0 : i32
      %dma_start3A_149 = arith.constant 0 : i32
      %dma_start3A_150 = tpu.memref_slice %arg2[%dma_start3A_148, %dma_start3A_149] : memref<80000x32xf32, #tpu.memory_space<hbm>> -> memref<80000x32xf32, #tpu.memory_space<hbm>>
      tpu.enqueue_indirect_dma source(%dma_start3A_150 : memref<80000x32xf32, #tpu.memory_space<hbm>>) target(%dma_start3A_144 : memref<128x32xf32, #tpu.memory_space<vmem>>) offsets(%dma_start3A_147 : memref<128xi32, #tpu.memory_space<vmem>>) semaphore(%arg12 : memref<!tpu.dma_semaphore, #tpu.memory_space<semaphore_mem>>)
      %dma_wait3A = arith.constant 0 : i32
      %dma_wait3A_151 = arith.constant 0 : i32
      %dma_wait3A_152 = arith.constant 0 : i32
      %dma_wait3A_153 = tpu.memref_slice %arg9[%dma_wait3A, %dma_wait3A_151, %dma_wait3A_152] : memref<10x128x32xf32, #tpu.memory_space<vmem>> -> memref<1x128x32xf32, #tpu.memory_space<vmem>>
      %dma_wait3A_154 = tpu.memref_squeeze %dma_wait3A_153 : memref<1x128x32xf32, #tpu.memory_space<vmem>> -> memref<128x32xf32, #tpu.memory_space<vmem>>
      %dma_wait3A_155 = arith.constant 0 : i32
      %dma_wait3A_156 = tpu.memref_slice %arg7[%add3A_23, %dma_wait3A_155] : memref<80x128xi32, #tpu.memory_space<vmem>> -> memref<1x128xi32, #tpu.memory_space<vmem>>
      %dma_wait3A_157 = tpu.memref_squeeze %dma_wait3A_156 : memref<1x128xi32, #tpu.memory_space<vmem>> -> memref<128xi32, #tpu.memory_space<vmem>>
      %dma_wait3A_158 = arith.constant 0 : i32
      %dma_wait3A_159 = arith.constant 0 : i32
      %dma_wait3A_160 = tpu.memref_slice %arg2[%dma_wait3A_158, %dma_wait3A_159] : memref<80000x32xf32, #tpu.memory_space<hbm>> -> memref<80000x32xf32, #tpu.memory_space<hbm>>
      tpu.wait_indirect_dma semaphore(%arg12 : memref<!tpu.dma_semaphore, #tpu.memory_space<semaphore_mem>>) src(%dma_wait3A_160 : memref<80000x32xf32, #tpu.memory_space<hbm>>) dst(%dma_wait3A_154 : memref<128x32xf32, #tpu.memory_space<vmem>>)
      %add3A_161 = arith.constant 0 : i32
      %add3A_162 = arith.addi %mul3A_21, %add3A_161 : i32
      %dma_start3A_163 = arith.constant 0 : i32
      %dma_start3A_164 = arith.constant 0 : i32
      %dma_start3A_165 = arith.constant 0 : i32
      %dma_start3A_166 = tpu.memref_slice %arg9[%dma_start3A_163, %dma_start3A_164, %dma_start3A_165] : memref<10x128x32xf32, #tpu.memory_space<vmem>> -> memref<1x128x32xf32, #tpu.memory_space<vmem>>
      %dma_start3A_167 = tpu.memref_squeeze %dma_start3A_166 : memref<1x128x32xf32, #tpu.memory_space<vmem>> -> memref<128x32xf32, #tpu.memory_space<vmem>>
      %dma_start3A_168 = arith.constant 0 : i32
      %dma_start3A_169 = tpu.memref_slice %arg8[%add3A_162, %dma_start3A_168] : memref<80x128xi32, #tpu.memory_space<vmem>> -> memref<1x128xi32, #tpu.memory_space<vmem>>
      %dma_start3A_170 = tpu.memref_squeeze %dma_start3A_169 : memref<1x128xi32, #tpu.memory_space<vmem>> -> memref<128xi32, #tpu.memory_space<vmem>>
      %dma_start3A_171 = arith.constant 0 : i32
      %dma_start3A_172 = arith.constant 0 : i32
      %dma_start3A_173 = tpu.memref_slice %arg11[%dma_start3A_171, %dma_start3A_172] : memref<10112x32xf32, #tpu.memory_space<vmem_shared>> -> memref<10112x32xf32, #tpu.memory_space<vmem_shared>>
      tpu.enqueue_indirect_dma source(%dma_start3A_167 : memref<128x32xf32, #tpu.memory_space<vmem>>) target(%dma_start3A_173 : memref<10112x32xf32, #tpu.memory_space<vmem_shared>>) offsets(%dma_start3A_170 : memref<128xi32, #tpu.memory_space<vmem>>) semaphore(%arg13 : memref<!tpu.dma_semaphore, #tpu.memory_space<semaphore_mem>>) {add = true}
      %dma_wait3A_174 = arith.constant 1 : i32
      %dma_wait3A_175 = arith.constant 0 : i32
      %dma_wait3A_176 = arith.constant 0 : i32
      %dma_wait3A_177 = tpu.memref_slice %arg9[%dma_wait3A_174, %dma_wait3A_175, %dma_wait3A_176] : memref<10x128x32xf32, #tpu.memory_space<vmem>> -> memref<1x128x32xf32, #tpu.memory_space<vmem>>
      %dma_wait3A_178 = tpu.memref_squeeze %dma_wait3A_177 : memref<1x128x32xf32, #tpu.memory_space<vmem>> -> memref<128x32xf32, #tpu.memory_space<vmem>>
      %dma_wait3A_179 = arith.constant 0 : i32
      %dma_wait3A_180 = tpu.memref_slice %arg7[%add3A_35, %dma_wait3A_179] : memref<80x128xi32, #tpu.memory_space<vmem>> -> memref<1x128xi32, #tpu.memory_space<vmem>>
      %dma_wait3A_181 = tpu.memref_squeeze %dma_wait3A_180 : memref<1x128xi32, #tpu.memory_space<vmem>> -> memref<128xi32, #tpu.memory_space<vmem>>
      %dma_wait3A_182 = arith.constant 0 : i32
      %dma_wait3A_183 = arith.constant 0 : i32
      %dma_wait3A_184 = tpu.memref_slice %arg2[%dma_wait3A_182, %dma_wait3A_183] : memref<80000x32xf32, #tpu.memory_space<hbm>> -> memref<80000x32xf32, #tpu.memory_space<hbm>>
      tpu.wait_indirect_dma semaphore(%arg12 : memref<!tpu.dma_semaphore, #tpu.memory_space<semaphore_mem>>) src(%dma_wait3A_184 : memref<80000x32xf32, #tpu.memory_space<hbm>>) dst(%dma_wait3A_178 : memref<128x32xf32, #tpu.memory_space<vmem>>)
      %add3A_185 = arith.constant 1 : i32
      %add3A_186 = arith.addi %mul3A_21, %add3A_185 : i32
      %dma_start3A_187 = arith.constant 1 : i32
      %dma_start3A_188 = arith.constant 0 : i32
      %dma_start3A_189 = arith.constant 0 : i32
      %dma_start3A_190 = tpu.memref_slice %arg9[%dma_start3A_187, %dma_start3A_188, %dma_start3A_189] : memref<10x128x32xf32, #tpu.memory_space<vmem>> -> memref<1x128x32xf32, #tpu.memory_space<vmem>>
      %dma_start3A_191 = tpu.memref_squeeze %dma_start3A_190 : memref<1x128x32xf32, #tpu.memory_space<vmem>> -> memref<128x32xf32, #tpu.memory_space<vmem>>
      %dma_start3A_192 = arith.constant 0 : i32
      %dma_start3A_193 = tpu.memref_slice %arg8[%add3A_186, %dma_start3A_192] : memref<80x128xi32, #tpu.memory_space<vmem>> -> memref<1x128xi32, #tpu.memory_space<vmem>>
      %dma_start3A_194 = tpu.memref_squeeze %dma_start3A_193 : memref<1x128xi32, #tpu.memory_space<vmem>> -> memref<128xi32, #tpu.memory_space<vmem>>
      %dma_start3A_195 = arith.constant 0 : i32
      %dma_start3A_196 = arith.constant 0 : i32
      %dma_start3A_197 = tpu.memref_slice %arg11[%dma_start3A_195, %dma_start3A_196] : memref<10112x32xf32, #tpu.memory_space<vmem_shared>> -> memref<10112x32xf32, #tpu.memory_space<vmem_shared>>
      tpu.enqueue_indirect_dma source(%dma_start3A_191 : memref<128x32xf32, #tpu.memory_space<vmem>>) target(%dma_start3A_197 : memref<10112x32xf32, #tpu.memory_space<vmem_shared>>) offsets(%dma_start3A_194 : memref<128xi32, #tpu.memory_space<vmem>>) semaphore(%arg13 : memref<!tpu.dma_semaphore, #tpu.memory_space<semaphore_mem>>) {add = true}
      %dma_wait3A_198 = arith.constant 2 : i32
      %dma_wait3A_199 = arith.constant 0 : i32
      %dma_wait3A_200 = arith.constant 0 : i32
      %dma_wait3A_201 = tpu.memref_slice %arg9[%dma_wait3A_198, %dma_wait3A_199, %dma_wait3A_200] : memref<10x128x32xf32, #tpu.memory_space<vmem>> -> memref<1x128x32xf32, #tpu.memory_space<vmem>>
      %dma_wait3A_202 = tpu.memref_squeeze %dma_wait3A_201 : memref<1x128x32xf32, #tpu.memory_space<vmem>> -> memref<128x32xf32, #tpu.memory_space<vmem>>
      %dma_wait3A_203 = arith.constant 0 : i32
      %dma_wait3A_204 = tpu.memref_slice %arg7[%add3A_48, %dma_wait3A_203] : memref<80x128xi32, #tpu.memory_space<vmem>> -> memref<1x128xi32, #tpu.memory_space<vmem>>
      %dma_wait3A_205 = tpu.memref_squeeze %dma_wait3A_204 : memref<1x128xi32, #tpu.memory_space<vmem>> -> memref<128xi32, #tpu.memory_space<vmem>>
      %dma_wait3A_206 = arith.constant 0 : i32
      %dma_wait3A_207 = arith.constant 0 : i32
      %dma_wait3A_208 = tpu.memref_slice %arg2[%dma_wait3A_206, %dma_wait3A_207] : memref<80000x32xf32, #tpu.memory_space<hbm>> -> memref<80000x32xf32, #tpu.memory_space<hbm>>
      tpu.wait_indirect_dma semaphore(%arg12 : memref<!tpu.dma_semaphore, #tpu.memory_space<semaphore_mem>>) src(%dma_wait3A_208 : memref<80000x32xf32, #tpu.memory_space<hbm>>) dst(%dma_wait3A_202 : memref<128x32xf32, #tpu.memory_space<vmem>>)
      %add3A_209 = arith.constant 2 : i32
      %add3A_210 = arith.addi %mul3A_21, %add3A_209 : i32
      %dma_start3A_211 = arith.constant 2 : i32
      %dma_start3A_212 = arith.constant 0 : i32
      %dma_start3A_213 = arith.constant 0 : i32
      %dma_start3A_214 = tpu.memref_slice %arg9[%dma_start3A_211, %dma_start3A_212, %dma_start3A_213] : memref<10x128x32xf32, #tpu.memory_space<vmem>> -> memref<1x128x32xf32, #tpu.memory_space<vmem>>
      %dma_start3A_215 = tpu.memref_squeeze %dma_start3A_214 : memref<1x128x32xf32, #tpu.memory_space<vmem>> -> memref<128x32xf32, #tpu.memory_space<vmem>>
      %dma_start3A_216 = arith.constant 0 : i32
      %dma_start3A_217 = tpu.memref_slice %arg8[%add3A_210, %dma_start3A_216] : memref<80x128xi32, #tpu.memory_space<vmem>> -> memref<1x128xi32, #tpu.memory_space<vmem>>
      %dma_start3A_218 = tpu.memref_squeeze %dma_start3A_217 : memref<1x128xi32, #tpu.memory_space<vmem>> -> memref<128xi32, #tpu.memory_space<vmem>>
      %dma_start3A_219 = arith.constant 0 : i32
      %dma_start3A_220 = arith.constant 0 : i32
      %dma_start3A_221 = tpu.memref_slice %arg11[%dma_start3A_219, %dma_start3A_220] : memref<10112x32xf32, #tpu.memory_space<vmem_shared>> -> memref<10112x32xf32, #tpu.memory_space<vmem_shared>>
      tpu.enqueue_indirect_dma source(%dma_start3A_215 : memref<128x32xf32, #tpu.memory_space<vmem>>) target(%dma_start3A_221 : memref<10112x32xf32, #tpu.memory_space<vmem_shared>>) offsets(%dma_start3A_218 : memref<128xi32, #tpu.memory_space<vmem>>) semaphore(%arg13 : memref<!tpu.dma_semaphore, #tpu.memory_space<semaphore_mem>>) {add = true}
      %dma_wait3A_222 = arith.constant 3 : i32
      %dma_wait3A_223 = arith.constant 0 : i32
      %dma_wait3A_224 = arith.constant 0 : i32
      %dma_wait3A_225 = tpu.memref_slice %arg9[%dma_wait3A_222, %dma_wait3A_223, %dma_wait3A_224] : memref<10x128x32xf32, #tpu.memory_space<vmem>> -> memref<1x128x32xf32, #tpu.memory_space<vmem>>
      %dma_wait3A_226 = tpu.memref_squeeze %dma_wait3A_225 : memref<1x128x32xf32, #tpu.memory_space<vmem>> -> memref<128x32xf32, #tpu.memory_space<vmem>>
      %dma_wait3A_227 = arith.constant 0 : i32
      %dma_wait3A_228 = tpu.memref_slice %arg7[%add3A_61, %dma_wait3A_227] : memref<80x128xi32, #tpu.memory_space<vmem>> -> memref<1x128xi32, #tpu.memory_space<vmem>>
      %dma_wait3A_229 = tpu.memref_squeeze %dma_wait3A_228 : memref<1x128xi32, #tpu.memory_space<vmem>> -> memref<128xi32, #tpu.memory_space<vmem>>
      %dma_wait3A_230 = arith.constant 0 : i32
      %dma_wait3A_231 = arith.constant 0 : i32
      %dma_wait3A_232 = tpu.memref_slice %arg2[%dma_wait3A_230, %dma_wait3A_231] : memref<80000x32xf32, #tpu.memory_space<hbm>> -> memref<80000x32xf32, #tpu.memory_space<hbm>>
      tpu.wait_indirect_dma semaphore(%arg12 : memref<!tpu.dma_semaphore, #tpu.memory_space<semaphore_mem>>) src(%dma_wait3A_232 : memref<80000x32xf32, #tpu.memory_space<hbm>>) dst(%dma_wait3A_226 : memref<128x32xf32, #tpu.memory_space<vmem>>)
      %add3A_233 = arith.constant 3 : i32
      %add3A_234 = arith.addi %mul3A_21, %add3A_233 : i32
      %dma_start3A_235 = arith.constant 3 : i32
      %dma_start3A_236 = arith.constant 0 : i32
      %dma_start3A_237 = arith.constant 0 : i32
      %dma_start3A_238 = tpu.memref_slice %arg9[%dma_start3A_235, %dma_start3A_236, %dma_start3A_237] : memref<10x128x32xf32, #tpu.memory_space<vmem>> -> memref<1x128x32xf32, #tpu.memory_space<vmem>>
      %dma_start3A_239 = tpu.memref_squeeze %dma_start3A_238 : memref<1x128x32xf32, #tpu.memory_space<vmem>> -> memref<128x32xf32, #tpu.memory_space<vmem>>
      %dma_start3A_240 = arith.constant 0 : i32
      %dma_start3A_241 = tpu.memref_slice %arg8[%add3A_234, %dma_start3A_240] : memref<80x128xi32, #tpu.memory_space<vmem>> -> memref<1x128xi32, #tpu.memory_space<vmem>>
      %dma_start3A_242 = tpu.memref_squeeze %dma_start3A_241 : memref<1x128xi32, #tpu.memory_space<vmem>> -> memref<128xi32, #tpu.memory_space<vmem>>
      %dma_start3A_243 = arith.constant 0 : i32
      %dma_start3A_244 = arith.constant 0 : i32
      %dma_start3A_245 = tpu.memref_slice %arg11[%dma_start3A_243, %dma_start3A_244] : memref<10112x32xf32, #tpu.memory_space<vmem_shared>> -> memref<10112x32xf32, #tpu.memory_space<vmem_shared>>
      tpu.enqueue_indirect_dma source(%dma_start3A_239 : memref<128x32xf32, #tpu.memory_space<vmem>>) target(%dma_start3A_245 : memref<10112x32xf32, #tpu.memory_space<vmem_shared>>) offsets(%dma_start3A_242 : memref<128xi32, #tpu.memory_space<vmem>>) semaphore(%arg13 : memref<!tpu.dma_semaphore, #tpu.memory_space<semaphore_mem>>) {add = true}
      %dma_wait3A_246 = arith.constant 4 : i32
      %dma_wait3A_247 = arith.constant 0 : i32
      %dma_wait3A_248 = arith.constant 0 : i32
      %dma_wait3A_249 = tpu.memref_slice %arg9[%dma_wait3A_246, %dma_wait3A_247, %dma_wait3A_248] : memref<10x128x32xf32, #tpu.memory_space<vmem>> -> memref<1x128x32xf32, #tpu.memory_space<vmem>>
      %dma_wait3A_250 = tpu.memref_squeeze %dma_wait3A_249 : memref<1x128x32xf32, #tpu.memory_space<vmem>> -> memref<128x32xf32, #tpu.memory_space<vmem>>
      %dma_wait3A_251 = arith.constant 0 : i32
      %dma_wait3A_252 = tpu.memref_slice %arg7[%add3A_74, %dma_wait3A_251] : memref<80x128xi32, #tpu.memory_space<vmem>> -> memref<1x128xi32, #tpu.memory_space<vmem>>
      %dma_wait3A_253 = tpu.memref_squeeze %dma_wait3A_252 : memref<1x128xi32, #tpu.memory_space<vmem>> -> memref<128xi32, #tpu.memory_space<vmem>>
      %dma_wait3A_254 = arith.constant 0 : i32
      %dma_wait3A_255 = arith.constant 0 : i32
      %dma_wait3A_256 = tpu.memref_slice %arg2[%dma_wait3A_254, %dma_wait3A_255] : memref<80000x32xf32, #tpu.memory_space<hbm>> -> memref<80000x32xf32, #tpu.memory_space<hbm>>
      tpu.wait_indirect_dma semaphore(%arg12 : memref<!tpu.dma_semaphore, #tpu.memory_space<semaphore_mem>>) src(%dma_wait3A_256 : memref<80000x32xf32, #tpu.memory_space<hbm>>) dst(%dma_wait3A_250 : memref<128x32xf32, #tpu.memory_space<vmem>>)
      %add3A_257 = arith.constant 4 : i32
      %add3A_258 = arith.addi %mul3A_21, %add3A_257 : i32
      %dma_start3A_259 = arith.constant 4 : i32
      %dma_start3A_260 = arith.constant 0 : i32
      %dma_start3A_261 = arith.constant 0 : i32
      %dma_start3A_262 = tpu.memref_slice %arg9[%dma_start3A_259, %dma_start3A_260, %dma_start3A_261] : memref<10x128x32xf32, #tpu.memory_space<vmem>> -> memref<1x128x32xf32, #tpu.memory_space<vmem>>
      %dma_start3A_263 = tpu.memref_squeeze %dma_start3A_262 : memref<1x128x32xf32, #tpu.memory_space<vmem>> -> memref<128x32xf32, #tpu.memory_space<vmem>>
      %dma_start3A_264 = arith.constant 0 : i32
      %dma_start3A_265 = tpu.memref_slice %arg8[%add3A_258, %dma_start3A_264] : memref<80x128xi32, #tpu.memory_space<vmem>> -> memref<1x128xi32, #tpu.memory_space<vmem>>
      %dma_start3A_266 = tpu.memref_squeeze %dma_start3A_265 : memref<1x128xi32, #tpu.memory_space<vmem>> -> memref<128xi32, #tpu.memory_space<vmem>>
      %dma_start3A_267 = arith.constant 0 : i32
      %dma_start3A_268 = arith.constant 0 : i32
      %dma_start3A_269 = tpu.memref_slice %arg11[%dma_start3A_267, %dma_start3A_268] : memref<10112x32xf32, #tpu.memory_space<vmem_shared>> -> memref<10112x32xf32, #tpu.memory_space<vmem_shared>>
      tpu.enqueue_indirect_dma source(%dma_start3A_263 : memref<128x32xf32, #tpu.memory_space<vmem>>) target(%dma_start3A_269 : memref<10112x32xf32, #tpu.memory_space<vmem_shared>>) offsets(%dma_start3A_266 : memref<128xi32, #tpu.memory_space<vmem>>) semaphore(%arg13 : memref<!tpu.dma_semaphore, #tpu.memory_space<semaphore_mem>>) {add = true}
      %dma_wait3A_270 = arith.constant 5 : i32
      %dma_wait3A_271 = arith.constant 0 : i32
      %dma_wait3A_272 = arith.constant 0 : i32
      %dma_wait3A_273 = tpu.memref_slice %arg9[%dma_wait3A_270, %dma_wait3A_271, %dma_wait3A_272] : memref<10x128x32xf32, #tpu.memory_space<vmem>> -> memref<1x128x32xf32, #tpu.memory_space<vmem>>
      %dma_wait3A_274 = tpu.memref_squeeze %dma_wait3A_273 : memref<1x128x32xf32, #tpu.memory_space<vmem>> -> memref<128x32xf32, #tpu.memory_space<vmem>>
      %dma_wait3A_275 = arith.constant 0 : i32
      %dma_wait3A_276 = tpu.memref_slice %arg7[%add3A_87, %dma_wait3A_275] : memref<80x128xi32, #tpu.memory_space<vmem>> -> memref<1x128xi32, #tpu.memory_space<vmem>>
      %dma_wait3A_277 = tpu.memref_squeeze %dma_wait3A_276 : memref<1x128xi32, #tpu.memory_space<vmem>> -> memref<128xi32, #tpu.memory_space<vmem>>
      %dma_wait3A_278 = arith.constant 0 : i32
      %dma_wait3A_279 = arith.constant 0 : i32
      %dma_wait3A_280 = tpu.memref_slice %arg2[%dma_wait3A_278, %dma_wait3A_279] : memref<80000x32xf32, #tpu.memory_space<hbm>> -> memref<80000x32xf32, #tpu.memory_space<hbm>>
      tpu.wait_indirect_dma semaphore(%arg12 : memref<!tpu.dma_semaphore, #tpu.memory_space<semaphore_mem>>) src(%dma_wait3A_280 : memref<80000x32xf32, #tpu.memory_space<hbm>>) dst(%dma_wait3A_274 : memref<128x32xf32, #tpu.memory_space<vmem>>)
      %add3A_281 = arith.constant 5 : i32
      %add3A_282 = arith.addi %mul3A_21, %add3A_281 : i32
      %dma_start3A_283 = arith.constant 5 : i32
      %dma_start3A_284 = arith.constant 0 : i32
      %dma_start3A_285 = arith.constant 0 : i32
      %dma_start3A_286 = tpu.memref_slice %arg9[%dma_start3A_283, %dma_start3A_284, %dma_start3A_285] : memref<10x128x32xf32, #tpu.memory_space<vmem>> -> memref<1x128x32xf32, #tpu.memory_space<vmem>>
      %dma_start3A_287 = tpu.memref_squeeze %dma_start3A_286 : memref<1x128x32xf32, #tpu.memory_space<vmem>> -> memref<128x32xf32, #tpu.memory_space<vmem>>
      %dma_start3A_288 = arith.constant 0 : i32
      %dma_start3A_289 = tpu.memref_slice %arg8[%add3A_282, %dma_start3A_288] : memref<80x128xi32, #tpu.memory_space<vmem>> -> memref<1x128xi32, #tpu.memory_space<vmem>>
      %dma_start3A_290 = tpu.memref_squeeze %dma_start3A_289 : memref<1x128xi32, #tpu.memory_space<vmem>> -> memref<128xi32, #tpu.memory_space<vmem>>
      %dma_start3A_291 = arith.constant 0 : i32
      %dma_start3A_292 = arith.constant 0 : i32
      %dma_start3A_293 = tpu.memref_slice %arg11[%dma_start3A_291, %dma_start3A_292] : memref<10112x32xf32, #tpu.memory_space<vmem_shared>> -> memref<10112x32xf32, #tpu.memory_space<vmem_shared>>
      tpu.enqueue_indirect_dma source(%dma_start3A_287 : memref<128x32xf32, #tpu.memory_space<vmem>>) target(%dma_start3A_293 : memref<10112x32xf32, #tpu.memory_space<vmem_shared>>) offsets(%dma_start3A_290 : memref<128xi32, #tpu.memory_space<vmem>>) semaphore(%arg13 : memref<!tpu.dma_semaphore, #tpu.memory_space<semaphore_mem>>) {add = true}
      %dma_wait3A_294 = arith.constant 6 : i32
      %dma_wait3A_295 = arith.constant 0 : i32
      %dma_wait3A_296 = arith.constant 0 : i32
      %dma_wait3A_297 = tpu.memref_slice %arg9[%dma_wait3A_294, %dma_wait3A_295, %dma_wait3A_296] : memref<10x128x32xf32, #tpu.memory_space<vmem>> -> memref<1x128x32xf32, #tpu.memory_space<vmem>>
      %dma_wait3A_298 = tpu.memref_squeeze %dma_wait3A_297 : memref<1x128x32xf32, #tpu.memory_space<vmem>> -> memref<128x32xf32, #tpu.memory_space<vmem>>
      %dma_wait3A_299 = arith.constant 0 : i32
      %dma_wait3A_300 = tpu.memref_slice %arg7[%add3A_100, %dma_wait3A_299] : memref<80x128xi32, #tpu.memory_space<vmem>> -> memref<1x128xi32, #tpu.memory_space<vmem>>
      %dma_wait3A_301 = tpu.memref_squeeze %dma_wait3A_300 : memref<1x128xi32, #tpu.memory_space<vmem>> -> memref<128xi32, #tpu.memory_space<vmem>>
      %dma_wait3A_302 = arith.constant 0 : i32
      %dma_wait3A_303 = arith.constant 0 : i32
      %dma_wait3A_304 = tpu.memref_slice %arg2[%dma_wait3A_302, %dma_wait3A_303] : memref<80000x32xf32, #tpu.memory_space<hbm>> -> memref<80000x32xf32, #tpu.memory_space<hbm>>
      tpu.wait_indirect_dma semaphore(%arg12 : memref<!tpu.dma_semaphore, #tpu.memory_space<semaphore_mem>>) src(%dma_wait3A_304 : memref<80000x32xf32, #tpu.memory_space<hbm>>) dst(%dma_wait3A_298 : memref<128x32xf32, #tpu.memory_space<vmem>>)
      %add3A_305 = arith.constant 6 : i32
      %add3A_306 = arith.addi %mul3A_21, %add3A_305 : i32
      %dma_start3A_307 = arith.constant 6 : i32
      %dma_start3A_308 = arith.constant 0 : i32
      %dma_start3A_309 = arith.constant 0 : i32
      %dma_start3A_310 = tpu.memref_slice %arg9[%dma_start3A_307, %dma_start3A_308, %dma_start3A_309] : memref<10x128x32xf32, #tpu.memory_space<vmem>> -> memref<1x128x32xf32, #tpu.memory_space<vmem>>
      %dma_start3A_311 = tpu.memref_squeeze %dma_start3A_310 : memref<1x128x32xf32, #tpu.memory_space<vmem>> -> memref<128x32xf32, #tpu.memory_space<vmem>>
      %dma_start3A_312 = arith.constant 0 : i32
      %dma_start3A_313 = tpu.memref_slice %arg8[%add3A_306, %dma_start3A_312] : memref<80x128xi32, #tpu.memory_space<vmem>> -> memref<1x128xi32, #tpu.memory_space<vmem>>
      %dma_start3A_314 = tpu.memref_squeeze %dma_start3A_313 : memref<1x128xi32, #tpu.memory_space<vmem>> -> memref<128xi32, #tpu.memory_space<vmem>>
      %dma_start3A_315 = arith.constant 0 : i32
      %dma_start3A_316 = arith.constant 0 : i32
      %dma_start3A_317 = tpu.memref_slice %arg11[%dma_start3A_315, %dma_start3A_316] : memref<10112x32xf32, #tpu.memory_space<vmem_shared>> -> memref<10112x32xf32, #tpu.memory_space<vmem_shared>>
      tpu.enqueue_indirect_dma source(%dma_start3A_311 : memref<128x32xf32, #tpu.memory_space<vmem>>) target(%dma_start3A_317 : memref<10112x32xf32, #tpu.memory_space<vmem_shared>>) offsets(%dma_start3A_314 : memref<128xi32, #tpu.memory_space<vmem>>) semaphore(%arg13 : memref<!tpu.dma_semaphore, #tpu.memory_space<semaphore_mem>>) {add = true}
      %dma_wait3A_318 = arith.constant 7 : i32
      %dma_wait3A_319 = arith.constant 0 : i32
      %dma_wait3A_320 = arith.constant 0 : i32
      %dma_wait3A_321 = tpu.memref_slice %arg9[%dma_wait3A_318, %dma_wait3A_319, %dma_wait3A_320] : memref<10x128x32xf32, #tpu.memory_space<vmem>> -> memref<1x128x32xf32, #tpu.memory_space<vmem>>
      %dma_wait3A_322 = tpu.memref_squeeze %dma_wait3A_321 : memref<1x128x32xf32, #tpu.memory_space<vmem>> -> memref<128x32xf32, #tpu.memory_space<vmem>>
      %dma_wait3A_323 = arith.constant 0 : i32
      %dma_wait3A_324 = tpu.memref_slice %arg7[%add3A_113, %dma_wait3A_323] : memref<80x128xi32, #tpu.memory_space<vmem>> -> memref<1x128xi32, #tpu.memory_space<vmem>>
      %dma_wait3A_325 = tpu.memref_squeeze %dma_wait3A_324 : memref<1x128xi32, #tpu.memory_space<vmem>> -> memref<128xi32, #tpu.memory_space<vmem>>
      %dma_wait3A_326 = arith.constant 0 : i32
      %dma_wait3A_327 = arith.constant 0 : i32
      %dma_wait3A_328 = tpu.memref_slice %arg2[%dma_wait3A_326, %dma_wait3A_327] : memref<80000x32xf32, #tpu.memory_space<hbm>> -> memref<80000x32xf32, #tpu.memory_space<hbm>>
      tpu.wait_indirect_dma semaphore(%arg12 : memref<!tpu.dma_semaphore, #tpu.memory_space<semaphore_mem>>) src(%dma_wait3A_328 : memref<80000x32xf32, #tpu.memory_space<hbm>>) dst(%dma_wait3A_322 : memref<128x32xf32, #tpu.memory_space<vmem>>)
      %add3A_329 = arith.constant 7 : i32
      %add3A_330 = arith.addi %mul3A_21, %add3A_329 : i32
      %dma_start3A_331 = arith.constant 7 : i32
      %dma_start3A_332 = arith.constant 0 : i32
      %dma_start3A_333 = arith.constant 0 : i32
      %dma_start3A_334 = tpu.memref_slice %arg9[%dma_start3A_331, %dma_start3A_332, %dma_start3A_333] : memref<10x128x32xf32, #tpu.memory_space<vmem>> -> memref<1x128x32xf32, #tpu.memory_space<vmem>>
      %dma_start3A_335 = tpu.memref_squeeze %dma_start3A_334 : memref<1x128x32xf32, #tpu.memory_space<vmem>> -> memref<128x32xf32, #tpu.memory_space<vmem>>
      %dma_start3A_336 = arith.constant 0 : i32
      %dma_start3A_337 = tpu.memref_slice %arg8[%add3A_330, %dma_start3A_336] : memref<80x128xi32, #tpu.memory_space<vmem>> -> memref<1x128xi32, #tpu.memory_space<vmem>>
      %dma_start3A_338 = tpu.memref_squeeze %dma_start3A_337 : memref<1x128xi32, #tpu.memory_space<vmem>> -> memref<128xi32, #tpu.memory_space<vmem>>
      %dma_start3A_339 = arith.constant 0 : i32
      %dma_start3A_340 = arith.constant 0 : i32
      %dma_start3A_341 = tpu.memref_slice %arg11[%dma_start3A_339, %dma_start3A_340] : memref<10112x32xf32, #tpu.memory_space<vmem_shared>> -> memref<10112x32xf32, #tpu.memory_space<vmem_shared>>
      tpu.enqueue_indirect_dma source(%dma_start3A_335 : memref<128x32xf32, #tpu.memory_space<vmem>>) target(%dma_start3A_341 : memref<10112x32xf32, #tpu.memory_space<vmem_shared>>) offsets(%dma_start3A_338 : memref<128xi32, #tpu.memory_space<vmem>>) semaphore(%arg13 : memref<!tpu.dma_semaphore, #tpu.memory_space<semaphore_mem>>) {add = true}
      %dma_wait3A_342 = arith.constant 8 : i32
      %dma_wait3A_343 = arith.constant 0 : i32
      %dma_wait3A_344 = arith.constant 0 : i32
      %dma_wait3A_345 = tpu.memref_slice %arg9[%dma_wait3A_342, %dma_wait3A_343, %dma_wait3A_344] : memref<10x128x32xf32, #tpu.memory_space<vmem>> -> memref<1x128x32xf32, #tpu.memory_space<vmem>>
      %dma_wait3A_346 = tpu.memref_squeeze %dma_wait3A_345 : memref<1x128x32xf32, #tpu.memory_space<vmem>> -> memref<128x32xf32, #tpu.memory_space<vmem>>
      %dma_wait3A_347 = arith.constant 0 : i32
      %dma_wait3A_348 = tpu.memref_slice %arg7[%add3A_126, %dma_wait3A_347] : memref<80x128xi32, #tpu.memory_space<vmem>> -> memref<1x128xi32, #tpu.memory_space<vmem>>
      %dma_wait3A_349 = tpu.memref_squeeze %dma_wait3A_348 : memref<1x128xi32, #tpu.memory_space<vmem>> -> memref<128xi32, #tpu.memory_space<vmem>>
      %dma_wait3A_350 = arith.constant 0 : i32
      %dma_wait3A_351 = arith.constant 0 : i32
      %dma_wait3A_352 = tpu.memref_slice %arg2[%dma_wait3A_350, %dma_wait3A_351] : memref<80000x32xf32, #tpu.memory_space<hbm>> -> memref<80000x32xf32, #tpu.memory_space<hbm>>
      tpu.wait_indirect_dma semaphore(%arg12 : memref<!tpu.dma_semaphore, #tpu.memory_space<semaphore_mem>>) src(%dma_wait3A_352 : memref<80000x32xf32, #tpu.memory_space<hbm>>) dst(%dma_wait3A_346 : memref<128x32xf32, #tpu.memory_space<vmem>>)
      %add3A_353 = arith.constant 8 : i32
      %add3A_354 = arith.addi %mul3A_21, %add3A_353 : i32
      %dma_start3A_355 = arith.constant 8 : i32
      %dma_start3A_356 = arith.constant 0 : i32
      %dma_start3A_357 = arith.constant 0 : i32
      %dma_start3A_358 = tpu.memref_slice %arg9[%dma_start3A_355, %dma_start3A_356, %dma_start3A_357] : memref<10x128x32xf32, #tpu.memory_space<vmem>> -> memref<1x128x32xf32, #tpu.memory_space<vmem>>
      %dma_start3A_359 = tpu.memref_squeeze %dma_start3A_358 : memref<1x128x32xf32, #tpu.memory_space<vmem>> -> memref<128x32xf32, #tpu.memory_space<vmem>>
      %dma_start3A_360 = arith.constant 0 : i32
      %dma_start3A_361 = tpu.memref_slice %arg8[%add3A_354, %dma_start3A_360] : memref<80x128xi32, #tpu.memory_space<vmem>> -> memref<1x128xi32, #tpu.memory_space<vmem>>
      %dma_start3A_362 = tpu.memref_squeeze %dma_start3A_361 : memref<1x128xi32, #tpu.memory_space<vmem>> -> memref<128xi32, #tpu.memory_space<vmem>>
      %dma_start3A_363 = arith.constant 0 : i32
      %dma_start3A_364 = arith.constant 0 : i32
      %dma_start3A_365 = tpu.memref_slice %arg11[%dma_start3A_363, %dma_start3A_364] : memref<10112x32xf32, #tpu.memory_space<vmem_shared>> -> memref<10112x32xf32, #tpu.memory_space<vmem_shared>>
      tpu.enqueue_indirect_dma source(%dma_start3A_359 : memref<128x32xf32, #tpu.memory_space<vmem>>) target(%dma_start3A_365 : memref<10112x32xf32, #tpu.memory_space<vmem_shared>>) offsets(%dma_start3A_362 : memref<128xi32, #tpu.memory_space<vmem>>) semaphore(%arg13 : memref<!tpu.dma_semaphore, #tpu.memory_space<semaphore_mem>>) {add = true}
      %dma_wait3A_366 = arith.constant 9 : i32
      %dma_wait3A_367 = arith.constant 0 : i32
      %dma_wait3A_368 = arith.constant 0 : i32
      %dma_wait3A_369 = tpu.memref_slice %arg9[%dma_wait3A_366, %dma_wait3A_367, %dma_wait3A_368] : memref<10x128x32xf32, #tpu.memory_space<vmem>> -> memref<1x128x32xf32, #tpu.memory_space<vmem>>
      %dma_wait3A_370 = tpu.memref_squeeze %dma_wait3A_369 : memref<1x128x32xf32, #tpu.memory_space<vmem>> -> memref<128x32xf32, #tpu.memory_space<vmem>>
      %dma_wait3A_371 = arith.constant 0 : i32
      %dma_wait3A_372 = tpu.memref_slice %arg7[%add3A_139, %dma_wait3A_371] : memref<80x128xi32, #tpu.memory_space<vmem>> -> memref<1x128xi32, #tpu.memory_space<vmem>>
      %dma_wait3A_373 = tpu.memref_squeeze %dma_wait3A_372 : memref<1x128xi32, #tpu.memory_space<vmem>> -> memref<128xi32, #tpu.memory_space<vmem>>
      %dma_wait3A_374 = arith.constant 0 : i32
      %dma_wait3A_375 = arith.constant 0 : i32
      %dma_wait3A_376 = tpu.memref_slice %arg2[%dma_wait3A_374, %dma_wait3A_375] : memref<80000x32xf32, #tpu.memory_space<hbm>> -> memref<80000x32xf32, #tpu.memory_space<hbm>>
      tpu.wait_indirect_dma semaphore(%arg12 : memref<!tpu.dma_semaphore, #tpu.memory_space<semaphore_mem>>) src(%dma_wait3A_376 : memref<80000x32xf32, #tpu.memory_space<hbm>>) dst(%dma_wait3A_370 : memref<128x32xf32, #tpu.memory_space<vmem>>)
      %add3A_377 = arith.constant 9 : i32
      %add3A_378 = arith.addi %mul3A_21, %add3A_377 : i32
      %dma_start3A_379 = arith.constant 9 : i32
      %dma_start3A_380 = arith.constant 0 : i32
      %dma_start3A_381 = arith.constant 0 : i32
      %dma_start3A_382 = tpu.memref_slice %arg9[%dma_start3A_379, %dma_start3A_380, %dma_start3A_381] : memref<10x128x32xf32, #tpu.memory_space<vmem>> -> memref<1x128x32xf32, #tpu.memory_space<vmem>>
      %dma_start3A_383 = tpu.memref_squeeze %dma_start3A_382 : memref<1x128x32xf32, #tpu.memory_space<vmem>> -> memref<128x32xf32, #tpu.memory_space<vmem>>
      %dma_start3A_384 = arith.constant 0 : i32
      %dma_start3A_385 = tpu.memref_slice %arg8[%add3A_378, %dma_start3A_384] : memref<80x128xi32, #tpu.memory_space<vmem>> -> memref<1x128xi32, #tpu.memory_space<vmem>>
      %dma_start3A_386 = tpu.memref_squeeze %dma_start3A_385 : memref<1x128xi32, #tpu.memory_space<vmem>> -> memref<128xi32, #tpu.memory_space<vmem>>
      %dma_start3A_387 = arith.constant 0 : i32
      %dma_start3A_388 = arith.constant 0 : i32
      %dma_start3A_389 = tpu.memref_slice %arg11[%dma_start3A_387, %dma_start3A_388] : memref<10112x32xf32, #tpu.memory_space<vmem_shared>> -> memref<10112x32xf32, #tpu.memory_space<vmem_shared>>
      tpu.enqueue_indirect_dma source(%dma_start3A_383 : memref<128x32xf32, #tpu.memory_space<vmem>>) target(%dma_start3A_389 : memref<10112x32xf32, #tpu.memory_space<vmem_shared>>) offsets(%dma_start3A_386 : memref<128xi32, #tpu.memory_space<vmem>>) semaphore(%arg13 : memref<!tpu.dma_semaphore, #tpu.memory_space<semaphore_mem>>) {add = true}
      %dma_wait3A_390 = arith.constant 0 : i32
      %dma_wait3A_391 = arith.constant 0 : i32
      %dma_wait3A_392 = arith.constant 0 : i32
      %dma_wait3A_393 = tpu.memref_slice %arg9[%dma_wait3A_390, %dma_wait3A_391, %dma_wait3A_392] : memref<10x128x32xf32, #tpu.memory_space<vmem>> -> memref<1x128x32xf32, #tpu.memory_space<vmem>>
      %dma_wait3A_394 = tpu.memref_squeeze %dma_wait3A_393 : memref<1x128x32xf32, #tpu.memory_space<vmem>> -> memref<128x32xf32, #tpu.memory_space<vmem>>
      %dma_wait3A_395 = arith.constant 0 : i32
      %dma_wait3A_396 = tpu.memref_slice %arg8[%add3A_162, %dma_wait3A_395] : memref<80x128xi32, #tpu.memory_space<vmem>> -> memref<1x128xi32, #tpu.memory_space<vmem>>
      %dma_wait3A_397 = tpu.memref_squeeze %dma_wait3A_396 : memref<1x128xi32, #tpu.memory_space<vmem>> -> memref<128xi32, #tpu.memory_space<vmem>>
      %dma_wait3A_398 = arith.constant 0 : i32
      %dma_wait3A_399 = arith.constant 0 : i32
      %dma_wait3A_400 = tpu.memref_slice %arg11[%dma_wait3A_398, %dma_wait3A_399] : memref<10112x32xf32, #tpu.memory_space<vmem_shared>> -> memref<10112x32xf32, #tpu.memory_space<vmem_shared>>
      tpu.wait_indirect_dma semaphore(%arg13 : memref<!tpu.dma_semaphore, #tpu.memory_space<semaphore_mem>>) src(%dma_wait3A_394 : memref<128x32xf32, #tpu.memory_space<vmem>>) dst(%dma_wait3A_400 : memref<10112x32xf32, #tpu.memory_space<vmem_shared>>)
      %dma_wait3A_401 = arith.constant 1 : i32
      %dma_wait3A_402 = arith.constant 0 : i32
      %dma_wait3A_403 = arith.constant 0 : i32
      %dma_wait3A_404 = tpu.memref_slice %arg9[%dma_wait3A_401, %dma_wait3A_402, %dma_wait3A_403] : memref<10x128x32xf32, #tpu.memory_space<vmem>> -> memref<1x128x32xf32, #tpu.memory_space<vmem>>
      %dma_wait3A_405 = tpu.memref_squeeze %dma_wait3A_404 : memref<1x128x32xf32, #tpu.memory_space<vmem>> -> memref<128x32xf32, #tpu.memory_space<vmem>>
      %dma_wait3A_406 = arith.constant 0 : i32
      %dma_wait3A_407 = tpu.memref_slice %arg8[%add3A_186, %dma_wait3A_406] : memref<80x128xi32, #tpu.memory_space<vmem>> -> memref<1x128xi32, #tpu.memory_space<vmem>>
      %dma_wait3A_408 = tpu.memref_squeeze %dma_wait3A_407 : memref<1x128xi32, #tpu.memory_space<vmem>> -> memref<128xi32, #tpu.memory_space<vmem>>
      %dma_wait3A_409 = arith.constant 0 : i32
      %dma_wait3A_410 = arith.constant 0 : i32
      %dma_wait3A_411 = tpu.memref_slice %arg11[%dma_wait3A_409, %dma_wait3A_410] : memref<10112x32xf32, #tpu.memory_space<vmem_shared>> -> memref<10112x32xf32, #tpu.memory_space<vmem_shared>>
      tpu.wait_indirect_dma semaphore(%arg13 : memref<!tpu.dma_semaphore, #tpu.memory_space<semaphore_mem>>) src(%dma_wait3A_405 : memref<128x32xf32, #tpu.memory_space<vmem>>) dst(%dma_wait3A_411 : memref<10112x32xf32, #tpu.memory_space<vmem_shared>>)
      %dma_wait3A_412 = arith.constant 2 : i32
      %dma_wait3A_413 = arith.constant 0 : i32
      %dma_wait3A_414 = arith.constant 0 : i32
      %dma_wait3A_415 = tpu.memref_slice %arg9[%dma_wait3A_412, %dma_wait3A_413, %dma_wait3A_414] : memref<10x128x32xf32, #tpu.memory_space<vmem>> -> memref<1x128x32xf32, #tpu.memory_space<vmem>>
      %dma_wait3A_416 = tpu.memref_squeeze %dma_wait3A_415 : memref<1x128x32xf32, #tpu.memory_space<vmem>> -> memref<128x32xf32, #tpu.memory_space<vmem>>
      %dma_wait3A_417 = arith.constant 0 : i32
      %dma_wait3A_418 = tpu.memref_slice %arg8[%add3A_210, %dma_wait3A_417] : memref<80x128xi32, #tpu.memory_space<vmem>> -> memref<1x128xi32, #tpu.memory_space<vmem>>
      %dma_wait3A_419 = tpu.memref_squeeze %dma_wait3A_418 : memref<1x128xi32, #tpu.memory_space<vmem>> -> memref<128xi32, #tpu.memory_space<vmem>>
      %dma_wait3A_420 = arith.constant 0 : i32
      %dma_wait3A_421 = arith.constant 0 : i32
      %dma_wait3A_422 = tpu.memref_slice %arg11[%dma_wait3A_420, %dma_wait3A_421] : memref<10112x32xf32, #tpu.memory_space<vmem_shared>> -> memref<10112x32xf32, #tpu.memory_space<vmem_shared>>
      tpu.wait_indirect_dma semaphore(%arg13 : memref<!tpu.dma_semaphore, #tpu.memory_space<semaphore_mem>>) src(%dma_wait3A_416 : memref<128x32xf32, #tpu.memory_space<vmem>>) dst(%dma_wait3A_422 : memref<10112x32xf32, #tpu.memory_space<vmem_shared>>)
      %dma_wait3A_423 = arith.constant 3 : i32
      %dma_wait3A_424 = arith.constant 0 : i32
      %dma_wait3A_425 = arith.constant 0 : i32
      %dma_wait3A_426 = tpu.memref_slice %arg9[%dma_wait3A_423, %dma_wait3A_424, %dma_wait3A_425] : memref<10x128x32xf32, #tpu.memory_space<vmem>> -> memref<1x128x32xf32, #tpu.memory_space<vmem>>
      %dma_wait3A_427 = tpu.memref_squeeze %dma_wait3A_426 : memref<1x128x32xf32, #tpu.memory_space<vmem>> -> memref<128x32xf32, #tpu.memory_space<vmem>>
      %dma_wait3A_428 = arith.constant 0 : i32
      %dma_wait3A_429 = tpu.memref_slice %arg8[%add3A_234, %dma_wait3A_428] : memref<80x128xi32, #tpu.memory_space<vmem>> -> memref<1x128xi32, #tpu.memory_space<vmem>>
      %dma_wait3A_430 = tpu.memref_squeeze %dma_wait3A_429 : memref<1x128xi32, #tpu.memory_space<vmem>> -> memref<128xi32, #tpu.memory_space<vmem>>
      %dma_wait3A_431 = arith.constant 0 : i32
      %dma_wait3A_432 = arith.constant 0 : i32
      %dma_wait3A_433 = tpu.memref_slice %arg11[%dma_wait3A_431, %dma_wait3A_432] : memref<10112x32xf32, #tpu.memory_space<vmem_shared>> -> memref<10112x32xf32, #tpu.memory_space<vmem_shared>>
      tpu.wait_indirect_dma semaphore(%arg13 : memref<!tpu.dma_semaphore, #tpu.memory_space<semaphore_mem>>) src(%dma_wait3A_427 : memref<128x32xf32, #tpu.memory_space<vmem>>) dst(%dma_wait3A_433 : memref<10112x32xf32, #tpu.memory_space<vmem_shared>>)
      %dma_wait3A_434 = arith.constant 4 : i32
      %dma_wait3A_435 = arith.constant 0 : i32
      %dma_wait3A_436 = arith.constant 0 : i32
      %dma_wait3A_437 = tpu.memref_slice %arg9[%dma_wait3A_434, %dma_wait3A_435, %dma_wait3A_436] : memref<10x128x32xf32, #tpu.memory_space<vmem>> -> memref<1x128x32xf32, #tpu.memory_space<vmem>>
      %dma_wait3A_438 = tpu.memref_squeeze %dma_wait3A_437 : memref<1x128x32xf32, #tpu.memory_space<vmem>> -> memref<128x32xf32, #tpu.memory_space<vmem>>
      %dma_wait3A_439 = arith.constant 0 : i32
      %dma_wait3A_440 = tpu.memref_slice %arg8[%add3A_258, %dma_wait3A_439] : memref<80x128xi32, #tpu.memory_space<vmem>> -> memref<1x128xi32, #tpu.memory_space<vmem>>
      %dma_wait3A_441 = tpu.memref_squeeze %dma_wait3A_440 : memref<1x128xi32, #tpu.memory_space<vmem>> -> memref<128xi32, #tpu.memory_space<vmem>>
      %dma_wait3A_442 = arith.constant 0 : i32
      %dma_wait3A_443 = arith.constant 0 : i32
      %dma_wait3A_444 = tpu.memref_slice %arg11[%dma_wait3A_442, %dma_wait3A_443] : memref<10112x32xf32, #tpu.memory_space<vmem_shared>> -> memref<10112x32xf32, #tpu.memory_space<vmem_shared>>
      tpu.wait_indirect_dma semaphore(%arg13 : memref<!tpu.dma_semaphore, #tpu.memory_space<semaphore_mem>>) src(%dma_wait3A_438 : memref<128x32xf32, #tpu.memory_space<vmem>>) dst(%dma_wait3A_444 : memref<10112x32xf32, #tpu.memory_space<vmem_shared>>)
      %dma_wait3A_445 = arith.constant 5 : i32
      %dma_wait3A_446 = arith.constant 0 : i32
      %dma_wait3A_447 = arith.constant 0 : i32
      %dma_wait3A_448 = tpu.memref_slice %arg9[%dma_wait3A_445, %dma_wait3A_446, %dma_wait3A_447] : memref<10x128x32xf32, #tpu.memory_space<vmem>> -> memref<1x128x32xf32, #tpu.memory_space<vmem>>
      %dma_wait3A_449 = tpu.memref_squeeze %dma_wait3A_448 : memref<1x128x32xf32, #tpu.memory_space<vmem>> -> memref<128x32xf32, #tpu.memory_space<vmem>>
      %dma_wait3A_450 = arith.constant 0 : i32
      %dma_wait3A_451 = tpu.memref_slice %arg8[%add3A_282, %dma_wait3A_450] : memref<80x128xi32, #tpu.memory_space<vmem>> -> memref<1x128xi32, #tpu.memory_space<vmem>>
      %dma_wait3A_452 = tpu.memref_squeeze %dma_wait3A_451 : memref<1x128xi32, #tpu.memory_space<vmem>> -> memref<128xi32, #tpu.memory_space<vmem>>
      %dma_wait3A_453 = arith.constant 0 : i32
      %dma_wait3A_454 = arith.constant 0 : i32
      %dma_wait3A_455 = tpu.memref_slice %arg11[%dma_wait3A_453, %dma_wait3A_454] : memref<10112x32xf32, #tpu.memory_space<vmem_shared>> -> memref<10112x32xf32, #tpu.memory_space<vmem_shared>>
      tpu.wait_indirect_dma semaphore(%arg13 : memref<!tpu.dma_semaphore, #tpu.memory_space<semaphore_mem>>) src(%dma_wait3A_449 : memref<128x32xf32, #tpu.memory_space<vmem>>) dst(%dma_wait3A_455 : memref<10112x32xf32, #tpu.memory_space<vmem_shared>>)
      %dma_wait3A_456 = arith.constant 6 : i32
      %dma_wait3A_457 = arith.constant 0 : i32
      %dma_wait3A_458 = arith.constant 0 : i32
      %dma_wait3A_459 = tpu.memref_slice %arg9[%dma_wait3A_456, %dma_wait3A_457, %dma_wait3A_458] : memref<10x128x32xf32, #tpu.memory_space<vmem>> -> memref<1x128x32xf32, #tpu.memory_space<vmem>>
      %dma_wait3A_460 = tpu.memref_squeeze %dma_wait3A_459 : memref<1x128x32xf32, #tpu.memory_space<vmem>> -> memref<128x32xf32, #tpu.memory_space<vmem>>
      %dma_wait3A_461 = arith.constant 0 : i32
      %dma_wait3A_462 = tpu.memref_slice %arg8[%add3A_306, %dma_wait3A_461] : memref<80x128xi32, #tpu.memory_space<vmem>> -> memref<1x128xi32, #tpu.memory_space<vmem>>
      %dma_wait3A_463 = tpu.memref_squeeze %dma_wait3A_462 : memref<1x128xi32, #tpu.memory_space<vmem>> -> memref<128xi32, #tpu.memory_space<vmem>>
      %dma_wait3A_464 = arith.constant 0 : i32
      %dma_wait3A_465 = arith.constant 0 : i32
      %dma_wait3A_466 = tpu.memref_slice %arg11[%dma_wait3A_464, %dma_wait3A_465] : memref<10112x32xf32, #tpu.memory_space<vmem_shared>> -> memref<10112x32xf32, #tpu.memory_space<vmem_shared>>
      tpu.wait_indirect_dma semaphore(%arg13 : memref<!tpu.dma_semaphore, #tpu.memory_space<semaphore_mem>>) src(%dma_wait3A_460 : memref<128x32xf32, #tpu.memory_space<vmem>>) dst(%dma_wait3A_466 : memref<10112x32xf32, #tpu.memory_space<vmem_shared>>)
      %dma_wait3A_467 = arith.constant 7 : i32
      %dma_wait3A_468 = arith.constant 0 : i32
      %dma_wait3A_469 = arith.constant 0 : i32
      %dma_wait3A_470 = tpu.memref_slice %arg9[%dma_wait3A_467, %dma_wait3A_468, %dma_wait3A_469] : memref<10x128x32xf32, #tpu.memory_space<vmem>> -> memref<1x128x32xf32, #tpu.memory_space<vmem>>
      %dma_wait3A_471 = tpu.memref_squeeze %dma_wait3A_470 : memref<1x128x32xf32, #tpu.memory_space<vmem>> -> memref<128x32xf32, #tpu.memory_space<vmem>>
      %dma_wait3A_472 = arith.constant 0 : i32
      %dma_wait3A_473 = tpu.memref_slice %arg8[%add3A_330, %dma_wait3A_472] : memref<80x128xi32, #tpu.memory_space<vmem>> -> memref<1x128xi32, #tpu.memory_space<vmem>>
      %dma_wait3A_474 = tpu.memref_squeeze %dma_wait3A_473 : memref<1x128xi32, #tpu.memory_space<vmem>> -> memref<128xi32, #tpu.memory_space<vmem>>
      %dma_wait3A_475 = arith.constant 0 : i32
      %dma_wait3A_476 = arith.constant 0 : i32
      %dma_wait3A_477 = tpu.memref_slice %arg11[%dma_wait3A_475, %dma_wait3A_476] : memref<10112x32xf32, #tpu.memory_space<vmem_shared>> -> memref<10112x32xf32, #tpu.memory_space<vmem_shared>>
      tpu.wait_indirect_dma semaphore(%arg13 : memref<!tpu.dma_semaphore, #tpu.memory_space<semaphore_mem>>) src(%dma_wait3A_471 : memref<128x32xf32, #tpu.memory_space<vmem>>) dst(%dma_wait3A_477 : memref<10112x32xf32, #tpu.memory_space<vmem_shared>>)
      %dma_wait3A_478 = arith.constant 8 : i32
      %dma_wait3A_479 = arith.constant 0 : i32
      %dma_wait3A_480 = arith.constant 0 : i32
      %dma_wait3A_481 = tpu.memref_slice %arg9[%dma_wait3A_478, %dma_wait3A_479, %dma_wait3A_480] : memref<10x128x32xf32, #tpu.memory_space<vmem>> -> memref<1x128x32xf32, #tpu.memory_space<vmem>>
      %dma_wait3A_482 = tpu.memref_squeeze %dma_wait3A_481 : memref<1x128x32xf32, #tpu.memory_space<vmem>> -> memref<128x32xf32, #tpu.memory_space<vmem>>
      %dma_wait3A_483 = arith.constant 0 : i32
      %dma_wait3A_484 = tpu.memref_slice %arg8[%add3A_354, %dma_wait3A_483] : memref<80x128xi32, #tpu.memory_space<vmem>> -> memref<1x128xi32, #tpu.memory_space<vmem>>
      %dma_wait3A_485 = tpu.memref_squeeze %dma_wait3A_484 : memref<1x128xi32, #tpu.memory_space<vmem>> -> memref<128xi32, #tpu.memory_space<vmem>>
      %dma_wait3A_486 = arith.constant 0 : i32
      %dma_wait3A_487 = arith.constant 0 : i32
      %dma_wait3A_488 = tpu.memref_slice %arg11[%dma_wait3A_486, %dma_wait3A_487] : memref<10112x32xf32, #tpu.memory_space<vmem_shared>> -> memref<10112x32xf32, #tpu.memory_space<vmem_shared>>
      tpu.wait_indirect_dma semaphore(%arg13 : memref<!tpu.dma_semaphore, #tpu.memory_space<semaphore_mem>>) src(%dma_wait3A_482 : memref<128x32xf32, #tpu.memory_space<vmem>>) dst(%dma_wait3A_488 : memref<10112x32xf32, #tpu.memory_space<vmem_shared>>)
      %dma_wait3A_489 = arith.constant 9 : i32
      %dma_wait3A_490 = arith.constant 0 : i32
      %dma_wait3A_491 = arith.constant 0 : i32
      %dma_wait3A_492 = tpu.memref_slice %arg9[%dma_wait3A_489, %dma_wait3A_490, %dma_wait3A_491] : memref<10x128x32xf32, #tpu.memory_space<vmem>> -> memref<1x128x32xf32, #tpu.memory_space<vmem>>
      %dma_wait3A_493 = tpu.memref_squeeze %dma_wait3A_492 : memref<1x128x32xf32, #tpu.memory_space<vmem>> -> memref<128x32xf32, #tpu.memory_space<vmem>>
      %dma_wait3A_494 = arith.constant 0 : i32
      %dma_wait3A_495 = tpu.memref_slice %arg8[%add3A_378, %dma_wait3A_494] : memref<80x128xi32, #tpu.memory_space<vmem>> -> memref<1x128xi32, #tpu.memory_space<vmem>>
      %dma_wait3A_496 = tpu.memref_squeeze %dma_wait3A_495 : memref<1x128xi32, #tpu.memory_space<vmem>> -> memref<128xi32, #tpu.memory_space<vmem>>
      %dma_wait3A_497 = arith.constant 0 : i32
      %dma_wait3A_498 = arith.constant 0 : i32
      %dma_wait3A_499 = tpu.memref_slice %arg11[%dma_wait3A_497, %dma_wait3A_498] : memref<10112x32xf32, #tpu.memory_space<vmem_shared>> -> memref<10112x32xf32, #tpu.memory_space<vmem_shared>>
      tpu.wait_indirect_dma semaphore(%arg13 : memref<!tpu.dma_semaphore, #tpu.memory_space<semaphore_mem>>) src(%dma_wait3A_493 : memref<128x32xf32, #tpu.memory_space<vmem>>) dst(%dma_wait3A_499 : memref<10112x32xf32, #tpu.memory_space<vmem_shared>>)
    }
    %scan3A_13 = arith.constant 8 : i32
    %barrier3A_14 = arith.constant 0 : index
    tpu.barrier barrier_id(%barrier3A_14)
    %mul3A_15 = arith.constant 632 : i32
    %mul3A_16 = arith.muli %arg1, %mul3A_15 : i32
    "tpu.region"() ({
      %run_scoped3A = tpu.sem_alloc : memref<!tpu.dma_semaphore, #tpu.memory_space<semaphore_mem>>
      %dma_start3A = arith.constant 0 : i32
      %dma_start3A_19 = tpu.memref_slice %arg11[%mul3A_16, %dma_start3A] : memref<10112x32xf32, #tpu.memory_space<vmem_shared>> -> memref<632x32xf32, #tpu.memory_space<vmem_shared>>
      %dma_start3A_20 = arith.constant 0 : i32
      %dma_start3A_21 = tpu.memref_slice %arg11[%mul3A_16, %dma_start3A_20] : memref<10112x32xf32, #tpu.memory_space<vmem_shared>> -> memref<632x32xf32, #tpu.memory_space<vmem_shared>>
      tpu.enqueue_dma source(%dma_start3A_21 : memref<632x32xf32, #tpu.memory_space<vmem_shared>>) target(%arg10 : memref<632x32xf32, #tpu.memory_space<vmem>>) target_semaphore(%run_scoped3A : memref<!tpu.dma_semaphore, #tpu.memory_space<semaphore_mem>>)
      %dma_wait3A = arith.constant 0 : i32
      %dma_wait3A_22 = tpu.memref_slice %arg11[%mul3A_16, %dma_wait3A] : memref<10112x32xf32, #tpu.memory_space<vmem_shared>> -> memref<632x32xf32, #tpu.memory_space<vmem_shared>>
      %dma_wait3A_23 = arith.constant 0 : i32
      %dma_wait3A_24 = tpu.memref_slice %arg11[%mul3A_16, %dma_wait3A_23] : memref<10112x32xf32, #tpu.memory_space<vmem_shared>> -> memref<632x32xf32, #tpu.memory_space<vmem_shared>>
      tpu.wait_dma2 semaphore(%run_scoped3A : memref<!tpu.dma_semaphore, #tpu.memory_space<semaphore_mem>>) src(%dma_wait3A_24 : memref<632x32xf32, #tpu.memory_space<vmem_shared>>) dst(%arg10 : memref<632x32xf32, #tpu.memory_space<vmem>>)
      tpu.yield
    }) : () -> ()
    %mul3A_17 = arith.constant 632 : i32
    %mul3A_18 = arith.muli %arg1, %mul3A_17 : i32
    "tpu.region"() ({
      %run_scoped3A = tpu.sem_alloc : memref<!tpu.dma_semaphore, #tpu.memory_space<semaphore_mem>>
      %dma_start3A = arith.constant 0 : i32
      %dma_start3A_19 = tpu.memref_slice %arg6[%arg0, %mul3A_18, %dma_start3A] : memref<2x10112x32xf32, #tpu.memory_space<hbm>> -> memref<1x632x32xf32, #tpu.memory_space<hbm>>
      %dma_start3A_20 = tpu.memref_squeeze %dma_start3A_19 : memref<1x632x32xf32, #tpu.memory_space<hbm>> -> memref<632x32xf32, #tpu.memory_space<hbm>>
      %dma_start3A_21 = arith.constant 0 : i32
      %dma_start3A_22 = tpu.memref_slice %arg6[%arg0, %mul3A_18, %dma_start3A_21] : memref<2x10112x32xf32, #tpu.memory_space<hbm>> -> memref<1x632x32xf32, #tpu.memory_space<hbm>>
      %dma_start3A_23 = tpu.memref_squeeze %dma_start3A_22 : memref<1x632x32xf32, #tpu.memory_space<hbm>> -> memref<632x32xf32, #tpu.memory_space<hbm>>
      tpu.enqueue_dma source(%arg10 : memref<632x32xf32, #tpu.memory_space<vmem>>) target(%dma_start3A_23 : memref<632x32xf32, #tpu.memory_space<hbm>>) target_semaphore(%run_scoped3A : memref<!tpu.dma_semaphore, #tpu.memory_space<semaphore_mem>>)
      %dma_wait3A = arith.constant 0 : i32
      %dma_wait3A_24 = tpu.memref_slice %arg6[%arg0, %mul3A_18, %dma_wait3A] : memref<2x10112x32xf32, #tpu.memory_space<hbm>> -> memref<1x632x32xf32, #tpu.memory_space<hbm>>
      %dma_wait3A_25 = tpu.memref_squeeze %dma_wait3A_24 : memref<1x632x32xf32, #tpu.memory_space<hbm>> -> memref<632x32xf32, #tpu.memory_space<hbm>>
      %dma_wait3A_26 = arith.constant 0 : i32
      %dma_wait3A_27 = tpu.memref_slice %arg6[%arg0, %mul3A_18, %dma_wait3A_26] : memref<2x10112x32xf32, #tpu.memory_space<hbm>> -> memref<1x632x32xf32, #tpu.memory_space<hbm>>
      %dma_wait3A_28 = tpu.memref_squeeze %dma_wait3A_27 : memref<1x632x32xf32, #tpu.memory_space<hbm>> -> memref<632x32xf32, #tpu.memory_space<hbm>>
      tpu.wait_dma2 semaphore(%run_scoped3A : memref<!tpu.dma_semaphore, #tpu.memory_space<semaphore_mem>>) src(%arg10 : memref<632x32xf32, #tpu.memory_space<vmem>>) dst(%dma_wait3A_28 : memref<632x32xf32, #tpu.memory_space<hbm>>)
      tpu.yield
    }) : () -> ()
    return
  }
}

#map = affine_map<(d0, d1) -> (0, 0)>
#map1 = affine_map<(d0, d1) -> (0, 0, 0)>
module attributes {stable_mosaic.version = 14 : i64} {
  func.func @_sc_body(%arg0: i32, %arg1: i32, %arg2: memref<80000x32xf32, #tpu.memory_space<hbm>>, %arg3: memref<2560x128xi32, #tpu.memory_space<hbm>>, %arg4: memref<2560x128xi32, #tpu.memory_space<hbm>>, %arg5: memref<10112x32xf32, #tpu.memory_space<hbm>>, %arg6: memref<2x10112x32xf32, #tpu.memory_space<hbm>>, %arg7: memref<80x128xi32, #tpu.memory_space<vmem>>, %arg8: memref<80x128xi32, #tpu.memory_space<vmem>>, %arg9: memref<10x128x32xf32, #tpu.memory_space<vmem>>, %arg10: memref<632x32xf32, #tpu.memory_space<vmem>>, %arg11: memref<10112x32xf32, #tpu.memory_space<vmem_shared>>, %arg12: memref<!tpu.dma_semaphore, #tpu.memory_space<semaphore_mem>>, %arg13: memref<!tpu.dma_semaphore, #tpu.memory_space<semaphore_mem>>) attributes {dimension_semantics = [#tpu.dimension_semantics<core_parallel>, #tpu.dimension_semantics<subcore_parallel>], iteration_bounds = array<i64: 2, 16>, scalar_prefetch = 0 : i64, scratch_operands = 7 : i64, tpu.core_type = #tpu.core_type<sc_vector_subcore>, window_params = [{transform_indices = #map}, {transform_indices = #map}, {transform_indices = #map}, {transform_indices = #map}, {transform_indices = #map1}]} {
    %mul3A = arith.constant 2 : i32
    %mul3A_0 = arith.muli %arg1, %mul3A : i32
    %add3A = arith.addi %mul3A_0, %arg0 : i32
    %mul3A_1 = arith.constant 632 : i32
    %mul3A_2 = arith.muli %arg1, %mul3A_1 : i32
    "tpu.region"() ({
      %run_scoped3A = tpu.sem_alloc : memref<!tpu.dma_semaphore, #tpu.memory_space<semaphore_mem>>
      %dma_start3A = arith.constant 0 : i32
      %dma_start3A_19 = tpu.memref_slice %arg5[%mul3A_2, %dma_start3A] : memref<10112x32xf32, #tpu.memory_space<hbm>> -> memref<632x32xf32, #tpu.memory_space<hbm>>
      %dma_start3A_20 = arith.constant 0 : i32
      %dma_start3A_21 = tpu.memref_slice %arg5[%mul3A_2, %dma_start3A_20] : memref<10112x32xf32, #tpu.memory_space<hbm>> -> memref<632x32xf32, #tpu.memory_space<hbm>>
      tpu.enqueue_dma source(%dma_start3A_21 : memref<632x32xf32, #tpu.memory_space<hbm>>) target(%arg10 : memref<632x32xf32, #tpu.memory_space<vmem>>) target_semaphore(%run_scoped3A : memref<!tpu.dma_semaphore, #tpu.memory_space<semaphore_mem>>)
      %dma_wait3A = arith.constant 0 : i32
      %dma_wait3A_22 = tpu.memref_slice %arg5[%mul3A_2, %dma_wait3A] : memref<10112x32xf32, #tpu.memory_space<hbm>> -> memref<632x32xf32, #tpu.memory_space<hbm>>
      %dma_wait3A_23 = arith.constant 0 : i32
      %dma_wait3A_24 = tpu.memref_slice %arg5[%mul3A_2, %dma_wait3A_23] : memref<10112x32xf32, #tpu.memory_space<hbm>> -> memref<632x32xf32, #tpu.memory_space<hbm>>
      tpu.wait_dma2 semaphore(%run_scoped3A : memref<!tpu.dma_semaphore, #tpu.memory_space<semaphore_mem>>) src(%dma_wait3A_24 : memref<632x32xf32, #tpu.memory_space<hbm>>) dst(%arg10 : memref<632x32xf32, #tpu.memory_space<vmem>>)
      tpu.yield
    }) : () -> ()
    %mul3A_3 = arith.constant 632 : i32
    %mul3A_4 = arith.muli %arg1, %mul3A_3 : i32
    "tpu.region"() ({
      %run_scoped3A = tpu.sem_alloc : memref<!tpu.dma_semaphore, #tpu.memory_space<semaphore_mem>>
      %dma_start3A = arith.constant 0 : i32
      %dma_start3A_19 = tpu.memref_slice %arg11[%mul3A_4, %dma_start3A] : memref<10112x32xf32, #tpu.memory_space<vmem_shared>> -> memref<632x32xf32, #tpu.memory_space<vmem_shared>>
      %dma_start3A_20 = arith.constant 0 : i32
      %dma_start3A_21 = tpu.memref_slice %arg11[%mul3A_4, %dma_start3A_20] : memref<10112x32xf32, #tpu.memory_space<vmem_shared>> -> memref<632x32xf32, #tpu.memory_space<vmem_shared>>
      tpu.enqueue_dma source(%arg10 : memref<632x32xf32, #tpu.memory_space<vmem>>) target(%dma_start3A_21 : memref<632x32xf32, #tpu.memory_space<vmem_shared>>) target_semaphore(%run_scoped3A : memref<!tpu.dma_semaphore, #tpu.memory_space<semaphore_mem>>)
      %dma_wait3A = arith.constant 0 : i32
      %dma_wait3A_22 = tpu.memref_slice %arg11[%mul3A_4, %dma_wait3A] : memref<10112x32xf32, #tpu.memory_space<vmem_shared>> -> memref<632x32xf32, #tpu.memory_space<vmem_shared>>
      %dma_wait3A_23 = arith.constant 0 : i32
      %dma_wait3A_24 = tpu.memref_slice %arg11[%mul3A_4, %dma_wait3A_23] : memref<10112x32xf32, #tpu.memory_space<vmem_shared>> -> memref<632x32xf32, #tpu.memory_space<vmem_shared>>
      tpu.wait_dma2 semaphore(%run_scoped3A : memref<!tpu.dma_semaphore, #tpu.memory_space<semaphore_mem>>) src(%arg10 : memref<632x32xf32, #tpu.memory_space<vmem>>) dst(%dma_wait3A_24 : memref<632x32xf32, #tpu.memory_space<vmem_shared>>)
      tpu.yield
    }) : () -> ()
    %mul3A_5 = arith.constant 80 : i32
    %mul3A_6 = arith.muli %add3A, %mul3A_5 : i32
    "tpu.region"() ({
      %run_scoped3A = tpu.sem_alloc : memref<!tpu.dma_semaphore, #tpu.memory_space<semaphore_mem>>
      %dma_start3A = arith.constant 0 : i32
      %dma_start3A_19 = tpu.memref_slice %arg3[%mul3A_6, %dma_start3A] : memref<2560x128xi32, #tpu.memory_space<hbm>> -> memref<80x128xi32, #tpu.memory_space<hbm>>
      %dma_start3A_20 = arith.constant 0 : i32
      %dma_start3A_21 = tpu.memref_slice %arg3[%mul3A_6, %dma_start3A_20] : memref<2560x128xi32, #tpu.memory_space<hbm>> -> memref<80x128xi32, #tpu.memory_space<hbm>>
      tpu.enqueue_dma source(%dma_start3A_21 : memref<80x128xi32, #tpu.memory_space<hbm>>) target(%arg7 : memref<80x128xi32, #tpu.memory_space<vmem>>) target_semaphore(%run_scoped3A : memref<!tpu.dma_semaphore, #tpu.memory_space<semaphore_mem>>)
      %dma_wait3A = arith.constant 0 : i32
      %dma_wait3A_22 = tpu.memref_slice %arg3[%mul3A_6, %dma_wait3A] : memref<2560x128xi32, #tpu.memory_space<hbm>> -> memref<80x128xi32, #tpu.memory_space<hbm>>
      %dma_wait3A_23 = arith.constant 0 : i32
      %dma_wait3A_24 = tpu.memref_slice %arg3[%mul3A_6, %dma_wait3A_23] : memref<2560x128xi32, #tpu.memory_space<hbm>> -> memref<80x128xi32, #tpu.memory_space<hbm>>
      tpu.wait_dma2 semaphore(%run_scoped3A : memref<!tpu.dma_semaphore, #tpu.memory_space<semaphore_mem>>) src(%dma_wait3A_24 : memref<80x128xi32, #tpu.memory_space<hbm>>) dst(%arg7 : memref<80x128xi32, #tpu.memory_space<vmem>>)
      tpu.yield
    }) : () -> ()
    %mul3A_7 = arith.constant 80 : i32
    %mul3A_8 = arith.muli %add3A, %mul3A_7 : i32
    "tpu.region"() ({
      %run_scoped3A = tpu.sem_alloc : memref<!tpu.dma_semaphore, #tpu.memory_space<semaphore_mem>>
      %dma_start3A = arith.constant 0 : i32
      %dma_start3A_19 = tpu.memref_slice %arg4[%mul3A_8, %dma_start3A] : memref<2560x128xi32, #tpu.memory_space<hbm>> -> memref<80x128xi32, #tpu.memory_space<hbm>>
      %dma_start3A_20 = arith.constant 0 : i32
      %dma_start3A_21 = tpu.memref_slice %arg4[%mul3A_8, %dma_start3A_20] : memref<2560x128xi32, #tpu.memory_space<hbm>> -> memref<80x128xi32, #tpu.memory_space<hbm>>
      tpu.enqueue_dma source(%dma_start3A_21 : memref<80x128xi32, #tpu.memory_space<hbm>>) target(%arg8 : memref<80x128xi32, #tpu.memory_space<vmem>>) target_semaphore(%run_scoped3A : memref<!tpu.dma_semaphore, #tpu.memory_space<semaphore_mem>>)
      %dma_wait3A = arith.constant 0 : i32
      %dma_wait3A_22 = tpu.memref_slice %arg4[%mul3A_8, %dma_wait3A] : memref<2560x128xi32, #tpu.memory_space<hbm>> -> memref<80x128xi32, #tpu.memory_space<hbm>>
      %dma_wait3A_23 = arith.constant 0 : i32
      %dma_wait3A_24 = tpu.memref_slice %arg4[%mul3A_8, %dma_wait3A_23] : memref<2560x128xi32, #tpu.memory_space<hbm>> -> memref<80x128xi32, #tpu.memory_space<hbm>>
      tpu.wait_dma2 semaphore(%run_scoped3A : memref<!tpu.dma_semaphore, #tpu.memory_space<semaphore_mem>>) src(%dma_wait3A_24 : memref<80x128xi32, #tpu.memory_space<hbm>>) dst(%arg8 : memref<80x128xi32, #tpu.memory_space<vmem>>)
      tpu.yield
    }) : () -> ()
    %barrier3A = arith.constant 0 : index
    tpu.barrier barrier_id(%barrier3A)
    %scan3A = arith.constant 0 : i32
    %scan3A_9 = arith.constant 0 : i32
    %scan3A_10 = arith.constant 8 : i32
    %scan3A_11 = arith.addi %scan3A_9, %scan3A_10 : i32
    %scan3A_12 = arith.constant 1 : i32
    scf.for %scan3A_19 = %scan3A_9 to %scan3A_11 step %scan3A_12  : i32 {
      %mul3A_20 = arith.constant 10 : i32
      %mul3A_21 = arith.muli %scan3A_19, %mul3A_20 : i32
      %add3A_22 = arith.constant 0 : i32
      %add3A_23 = arith.addi %mul3A_21, %add3A_22 : i32
      %dma_start3A = arith.constant 0 : i32
      %dma_start3A_24 = arith.constant 0 : i32
      %dma_start3A_25 = arith.constant 0 : i32
      %dma_start3A_26 = tpu.memref_slice %arg9[%dma_start3A, %dma_start3A_24, %dma_start3A_25] : memref<10x128x32xf32, #tpu.memory_space<vmem>> -> memref<1x128x32xf32, #tpu.memory_space<vmem>>
      %dma_start3A_27 = tpu.memref_squeeze %dma_start3A_26 : memref<1x128x32xf32, #tpu.memory_space<vmem>> -> memref<128x32xf32, #tpu.memory_space<vmem>>
      %dma_start3A_28 = arith.constant 0 : i32
      %dma_start3A_29 = tpu.memref_slice %arg7[%add3A_23, %dma_start3A_28] : memref<80x128xi32, #tpu.memory_space<vmem>> -> memref<1x128xi32, #tpu.memory_space<vmem>>
      %dma_start3A_30 = tpu.memref_squeeze %dma_start3A_29 : memref<1x128xi32, #tpu.memory_space<vmem>> -> memref<128xi32, #tpu.memory_space<vmem>>
      %dma_start3A_31 = arith.constant 0 : i32
      %dma_start3A_32 = arith.constant 0 : i32
      %dma_start3A_33 = tpu.memref_slice %arg2[%dma_start3A_31, %dma_start3A_32] : memref<80000x32xf32, #tpu.memory_space<hbm>> -> memref<80000x32xf32, #tpu.memory_space<hbm>>
      tpu.enqueue_indirect_dma source(%dma_start3A_33 : memref<80000x32xf32, #tpu.memory_space<hbm>>) target(%dma_start3A_27 : memref<128x32xf32, #tpu.memory_space<vmem>>) offsets(%dma_start3A_30 : memref<128xi32, #tpu.memory_space<vmem>>) semaphore(%arg12 : memref<!tpu.dma_semaphore, #tpu.memory_space<semaphore_mem>>)
      %add3A_34 = arith.constant 1 : i32
      %add3A_35 = arith.addi %mul3A_21, %add3A_34 : i32
      %dma_start3A_36 = arith.constant 1 : i32
      %dma_start3A_37 = arith.constant 0 : i32
      %dma_start3A_38 = arith.constant 0 : i32
      %dma_start3A_39 = tpu.memref_slice %arg9[%dma_start3A_36, %dma_start3A_37, %dma_start3A_38] : memref<10x128x32xf32, #tpu.memory_space<vmem>> -> memref<1x128x32xf32, #tpu.memory_space<vmem>>
      %dma_start3A_40 = tpu.memref_squeeze %dma_start3A_39 : memref<1x128x32xf32, #tpu.memory_space<vmem>> -> memref<128x32xf32, #tpu.memory_space<vmem>>
      %dma_start3A_41 = arith.constant 0 : i32
      %dma_start3A_42 = tpu.memref_slice %arg7[%add3A_35, %dma_start3A_41] : memref<80x128xi32, #tpu.memory_space<vmem>> -> memref<1x128xi32, #tpu.memory_space<vmem>>
      %dma_start3A_43 = tpu.memref_squeeze %dma_start3A_42 : memref<1x128xi32, #tpu.memory_space<vmem>> -> memref<128xi32, #tpu.memory_space<vmem>>
      %dma_start3A_44 = arith.constant 0 : i32
      %dma_start3A_45 = arith.constant 0 : i32
      %dma_start3A_46 = tpu.memref_slice %arg2[%dma_start3A_44, %dma_start3A_45] : memref<80000x32xf32, #tpu.memory_space<hbm>> -> memref<80000x32xf32, #tpu.memory_space<hbm>>
      tpu.enqueue_indirect_dma source(%dma_start3A_46 : memref<80000x32xf32, #tpu.memory_space<hbm>>) target(%dma_start3A_40 : memref<128x32xf32, #tpu.memory_space<vmem>>) offsets(%dma_start3A_43 : memref<128xi32, #tpu.memory_space<vmem>>) semaphore(%arg12 : memref<!tpu.dma_semaphore, #tpu.memory_space<semaphore_mem>>)
      %add3A_47 = arith.constant 2 : i32
      %add3A_48 = arith.addi %mul3A_21, %add3A_47 : i32
      %dma_start3A_49 = arith.constant 2 : i32
      %dma_start3A_50 = arith.constant 0 : i32
      %dma_start3A_51 = arith.constant 0 : i32
      %dma_start3A_52 = tpu.memref_slice %arg9[%dma_start3A_49, %dma_start3A_50, %dma_start3A_51] : memref<10x128x32xf32, #tpu.memory_space<vmem>> -> memref<1x128x32xf32, #tpu.memory_space<vmem>>
      %dma_start3A_53 = tpu.memref_squeeze %dma_start3A_52 : memref<1x128x32xf32, #tpu.memory_space<vmem>> -> memref<128x32xf32, #tpu.memory_space<vmem>>
      %dma_start3A_54 = arith.constant 0 : i32
      %dma_start3A_55 = tpu.memref_slice %arg7[%add3A_48, %dma_start3A_54] : memref<80x128xi32, #tpu.memory_space<vmem>> -> memref<1x128xi32, #tpu.memory_space<vmem>>
      %dma_start3A_56 = tpu.memref_squeeze %dma_start3A_55 : memref<1x128xi32, #tpu.memory_space<vmem>> -> memref<128xi32, #tpu.memory_space<vmem>>
      %dma_start3A_57 = arith.constant 0 : i32
      %dma_start3A_58 = arith.constant 0 : i32
      %dma_start3A_59 = tpu.memref_slice %arg2[%dma_start3A_57, %dma_start3A_58] : memref<80000x32xf32, #tpu.memory_space<hbm>> -> memref<80000x32xf32, #tpu.memory_space<hbm>>
      tpu.enqueue_indirect_dma source(%dma_start3A_59 : memref<80000x32xf32, #tpu.memory_space<hbm>>) target(%dma_start3A_53 : memref<128x32xf32, #tpu.memory_space<vmem>>) offsets(%dma_start3A_56 : memref<128xi32, #tpu.memory_space<vmem>>) semaphore(%arg12 : memref<!tpu.dma_semaphore, #tpu.memory_space<semaphore_mem>>)
      %add3A_60 = arith.constant 3 : i32
      %add3A_61 = arith.addi %mul3A_21, %add3A_60 : i32
      %dma_start3A_62 = arith.constant 3 : i32
      %dma_start3A_63 = arith.constant 0 : i32
      %dma_start3A_64 = arith.constant 0 : i32
      %dma_start3A_65 = tpu.memref_slice %arg9[%dma_start3A_62, %dma_start3A_63, %dma_start3A_64] : memref<10x128x32xf32, #tpu.memory_space<vmem>> -> memref<1x128x32xf32, #tpu.memory_space<vmem>>
      %dma_start3A_66 = tpu.memref_squeeze %dma_start3A_65 : memref<1x128x32xf32, #tpu.memory_space<vmem>> -> memref<128x32xf32, #tpu.memory_space<vmem>>
      %dma_start3A_67 = arith.constant 0 : i32
      %dma_start3A_68 = tpu.memref_slice %arg7[%add3A_61, %dma_start3A_67] : memref<80x128xi32, #tpu.memory_space<vmem>> -> memref<1x128xi32, #tpu.memory_space<vmem>>
      %dma_start3A_69 = tpu.memref_squeeze %dma_start3A_68 : memref<1x128xi32, #tpu.memory_space<vmem>> -> memref<128xi32, #tpu.memory_space<vmem>>
      %dma_start3A_70 = arith.constant 0 : i32
      %dma_start3A_71 = arith.constant 0 : i32
      %dma_start3A_72 = tpu.memref_slice %arg2[%dma_start3A_70, %dma_start3A_71] : memref<80000x32xf32, #tpu.memory_space<hbm>> -> memref<80000x32xf32, #tpu.memory_space<hbm>>
      tpu.enqueue_indirect_dma source(%dma_start3A_72 : memref<80000x32xf32, #tpu.memory_space<hbm>>) target(%dma_start3A_66 : memref<128x32xf32, #tpu.memory_space<vmem>>) offsets(%dma_start3A_69 : memref<128xi32, #tpu.memory_space<vmem>>) semaphore(%arg12 : memref<!tpu.dma_semaphore, #tpu.memory_space<semaphore_mem>>)
      %add3A_73 = arith.constant 4 : i32
      %add3A_74 = arith.addi %mul3A_21, %add3A_73 : i32
      %dma_start3A_75 = arith.constant 4 : i32
      %dma_start3A_76 = arith.constant 0 : i32
      %dma_start3A_77 = arith.constant 0 : i32
      %dma_start3A_78 = tpu.memref_slice %arg9[%dma_start3A_75, %dma_start3A_76, %dma_start3A_77] : memref<10x128x32xf32, #tpu.memory_space<vmem>> -> memref<1x128x32xf32, #tpu.memory_space<vmem>>
      %dma_start3A_79 = tpu.memref_squeeze %dma_start3A_78 : memref<1x128x32xf32, #tpu.memory_space<vmem>> -> memref<128x32xf32, #tpu.memory_space<vmem>>
      %dma_start3A_80 = arith.constant 0 : i32
      %dma_start3A_81 = tpu.memref_slice %arg7[%add3A_74, %dma_start3A_80] : memref<80x128xi32, #tpu.memory_space<vmem>> -> memref<1x128xi32, #tpu.memory_space<vmem>>
      %dma_start3A_82 = tpu.memref_squeeze %dma_start3A_81 : memref<1x128xi32, #tpu.memory_space<vmem>> -> memref<128xi32, #tpu.memory_space<vmem>>
      %dma_start3A_83 = arith.constant 0 : i32
      %dma_start3A_84 = arith.constant 0 : i32
      %dma_start3A_85 = tpu.memref_slice %arg2[%dma_start3A_83, %dma_start3A_84] : memref<80000x32xf32, #tpu.memory_space<hbm>> -> memref<80000x32xf32, #tpu.memory_space<hbm>>
      tpu.enqueue_indirect_dma source(%dma_start3A_85 : memref<80000x32xf32, #tpu.memory_space<hbm>>) target(%dma_start3A_79 : memref<128x32xf32, #tpu.memory_space<vmem>>) offsets(%dma_start3A_82 : memref<128xi32, #tpu.memory_space<vmem>>) semaphore(%arg12 : memref<!tpu.dma_semaphore, #tpu.memory_space<semaphore_mem>>)
      %add3A_86 = arith.constant 5 : i32
      %add3A_87 = arith.addi %mul3A_21, %add3A_86 : i32
      %dma_start3A_88 = arith.constant 5 : i32
      %dma_start3A_89 = arith.constant 0 : i32
      %dma_start3A_90 = arith.constant 0 : i32
      %dma_start3A_91 = tpu.memref_slice %arg9[%dma_start3A_88, %dma_start3A_89, %dma_start3A_90] : memref<10x128x32xf32, #tpu.memory_space<vmem>> -> memref<1x128x32xf32, #tpu.memory_space<vmem>>
      %dma_start3A_92 = tpu.memref_squeeze %dma_start3A_91 : memref<1x128x32xf32, #tpu.memory_space<vmem>> -> memref<128x32xf32, #tpu.memory_space<vmem>>
      %dma_start3A_93 = arith.constant 0 : i32
      %dma_start3A_94 = tpu.memref_slice %arg7[%add3A_87, %dma_start3A_93] : memref<80x128xi32, #tpu.memory_space<vmem>> -> memref<1x128xi32, #tpu.memory_space<vmem>>
      %dma_start3A_95 = tpu.memref_squeeze %dma_start3A_94 : memref<1x128xi32, #tpu.memory_space<vmem>> -> memref<128xi32, #tpu.memory_space<vmem>>
      %dma_start3A_96 = arith.constant 0 : i32
      %dma_start3A_97 = arith.constant 0 : i32
      %dma_start3A_98 = tpu.memref_slice %arg2[%dma_start3A_96, %dma_start3A_97] : memref<80000x32xf32, #tpu.memory_space<hbm>> -> memref<80000x32xf32, #tpu.memory_space<hbm>>
      tpu.enqueue_indirect_dma source(%dma_start3A_98 : memref<80000x32xf32, #tpu.memory_space<hbm>>) target(%dma_start3A_92 : memref<128x32xf32, #tpu.memory_space<vmem>>) offsets(%dma_start3A_95 : memref<128xi32, #tpu.memory_space<vmem>>) semaphore(%arg12 : memref<!tpu.dma_semaphore, #tpu.memory_space<semaphore_mem>>)
      %add3A_99 = arith.constant 6 : i32
      %add3A_100 = arith.addi %mul3A_21, %add3A_99 : i32
      %dma_start3A_101 = arith.constant 6 : i32
      %dma_start3A_102 = arith.constant 0 : i32
      %dma_start3A_103 = arith.constant 0 : i32
      %dma_start3A_104 = tpu.memref_slice %arg9[%dma_start3A_101, %dma_start3A_102, %dma_start3A_103] : memref<10x128x32xf32, #tpu.memory_space<vmem>> -> memref<1x128x32xf32, #tpu.memory_space<vmem>>
      %dma_start3A_105 = tpu.memref_squeeze %dma_start3A_104 : memref<1x128x32xf32, #tpu.memory_space<vmem>> -> memref<128x32xf32, #tpu.memory_space<vmem>>
      %dma_start3A_106 = arith.constant 0 : i32
      %dma_start3A_107 = tpu.memref_slice %arg7[%add3A_100, %dma_start3A_106] : memref<80x128xi32, #tpu.memory_space<vmem>> -> memref<1x128xi32, #tpu.memory_space<vmem>>
      %dma_start3A_108 = tpu.memref_squeeze %dma_start3A_107 : memref<1x128xi32, #tpu.memory_space<vmem>> -> memref<128xi32, #tpu.memory_space<vmem>>
      %dma_start3A_109 = arith.constant 0 : i32
      %dma_start3A_110 = arith.constant 0 : i32
      %dma_start3A_111 = tpu.memref_slice %arg2[%dma_start3A_109, %dma_start3A_110] : memref<80000x32xf32, #tpu.memory_space<hbm>> -> memref<80000x32xf32, #tpu.memory_space<hbm>>
      tpu.enqueue_indirect_dma source(%dma_start3A_111 : memref<80000x32xf32, #tpu.memory_space<hbm>>) target(%dma_start3A_105 : memref<128x32xf32, #tpu.memory_space<vmem>>) offsets(%dma_start3A_108 : memref<128xi32, #tpu.memory_space<vmem>>) semaphore(%arg12 : memref<!tpu.dma_semaphore, #tpu.memory_space<semaphore_mem>>)
      %add3A_112 = arith.constant 7 : i32
      %add3A_113 = arith.addi %mul3A_21, %add3A_112 : i32
      %dma_start3A_114 = arith.constant 7 : i32
      %dma_start3A_115 = arith.constant 0 : i32
      %dma_start3A_116 = arith.constant 0 : i32
      %dma_start3A_117 = tpu.memref_slice %arg9[%dma_start3A_114, %dma_start3A_115, %dma_start3A_116] : memref<10x128x32xf32, #tpu.memory_space<vmem>> -> memref<1x128x32xf32, #tpu.memory_space<vmem>>
      %dma_start3A_118 = tpu.memref_squeeze %dma_start3A_117 : memref<1x128x32xf32, #tpu.memory_space<vmem>> -> memref<128x32xf32, #tpu.memory_space<vmem>>
      %dma_start3A_119 = arith.constant 0 : i32
      %dma_start3A_120 = tpu.memref_slice %arg7[%add3A_113, %dma_start3A_119] : memref<80x128xi32, #tpu.memory_space<vmem>> -> memref<1x128xi32, #tpu.memory_space<vmem>>
      %dma_start3A_121 = tpu.memref_squeeze %dma_start3A_120 : memref<1x128xi32, #tpu.memory_space<vmem>> -> memref<128xi32, #tpu.memory_space<vmem>>
      %dma_start3A_122 = arith.constant 0 : i32
      %dma_start3A_123 = arith.constant 0 : i32
      %dma_start3A_124 = tpu.memref_slice %arg2[%dma_start3A_122, %dma_start3A_123] : memref<80000x32xf32, #tpu.memory_space<hbm>> -> memref<80000x32xf32, #tpu.memory_space<hbm>>
      tpu.enqueue_indirect_dma source(%dma_start3A_124 : memref<80000x32xf32, #tpu.memory_space<hbm>>) target(%dma_start3A_118 : memref<128x32xf32, #tpu.memory_space<vmem>>) offsets(%dma_start3A_121 : memref<128xi32, #tpu.memory_space<vmem>>) semaphore(%arg12 : memref<!tpu.dma_semaphore, #tpu.memory_space<semaphore_mem>>)
      %add3A_125 = arith.constant 8 : i32
      %add3A_126 = arith.addi %mul3A_21, %add3A_125 : i32
      %dma_start3A_127 = arith.constant 8 : i32
      %dma_start3A_128 = arith.constant 0 : i32
      %dma_start3A_129 = arith.constant 0 : i32
      %dma_start3A_130 = tpu.memref_slice %arg9[%dma_start3A_127, %dma_start3A_128, %dma_start3A_129] : memref<10x128x32xf32, #tpu.memory_space<vmem>> -> memref<1x128x32xf32, #tpu.memory_space<vmem>>
      %dma_start3A_131 = tpu.memref_squeeze %dma_start3A_130 : memref<1x128x32xf32, #tpu.memory_space<vmem>> -> memref<128x32xf32, #tpu.memory_space<vmem>>
      %dma_start3A_132 = arith.constant 0 : i32
      %dma_start3A_133 = tpu.memref_slice %arg7[%add3A_126, %dma_start3A_132] : memref<80x128xi32, #tpu.memory_space<vmem>> -> memref<1x128xi32, #tpu.memory_space<vmem>>
      %dma_start3A_134 = tpu.memref_squeeze %dma_start3A_133 : memref<1x128xi32, #tpu.memory_space<vmem>> -> memref<128xi32, #tpu.memory_space<vmem>>
      %dma_start3A_135 = arith.constant 0 : i32
      %dma_start3A_136 = arith.constant 0 : i32
      %dma_start3A_137 = tpu.memref_slice %arg2[%dma_start3A_135, %dma_start3A_136] : memref<80000x32xf32, #tpu.memory_space<hbm>> -> memref<80000x32xf32, #tpu.memory_space<hbm>>
      tpu.enqueue_indirect_dma source(%dma_start3A_137 : memref<80000x32xf32, #tpu.memory_space<hbm>>) target(%dma_start3A_131 : memref<128x32xf32, #tpu.memory_space<vmem>>) offsets(%dma_start3A_134 : memref<128xi32, #tpu.memory_space<vmem>>) semaphore(%arg12 : memref<!tpu.dma_semaphore, #tpu.memory_space<semaphore_mem>>)
      %add3A_138 = arith.constant 9 : i32
      %add3A_139 = arith.addi %mul3A_21, %add3A_138 : i32
      %dma_start3A_140 = arith.constant 9 : i32
      %dma_start3A_141 = arith.constant 0 : i32
      %dma_start3A_142 = arith.constant 0 : i32
      %dma_start3A_143 = tpu.memref_slice %arg9[%dma_start3A_140, %dma_start3A_141, %dma_start3A_142] : memref<10x128x32xf32, #tpu.memory_space<vmem>> -> memref<1x128x32xf32, #tpu.memory_space<vmem>>
      %dma_start3A_144 = tpu.memref_squeeze %dma_start3A_143 : memref<1x128x32xf32, #tpu.memory_space<vmem>> -> memref<128x32xf32, #tpu.memory_space<vmem>>
      %dma_start3A_145 = arith.constant 0 : i32
      %dma_start3A_146 = tpu.memref_slice %arg7[%add3A_139, %dma_start3A_145] : memref<80x128xi32, #tpu.memory_space<vmem>> -> memref<1x128xi32, #tpu.memory_space<vmem>>
      %dma_start3A_147 = tpu.memref_squeeze %dma_start3A_146 : memref<1x128xi32, #tpu.memory_space<vmem>> -> memref<128xi32, #tpu.memory_space<vmem>>
      %dma_start3A_148 = arith.constant 0 : i32
      %dma_start3A_149 = arith.constant 0 : i32
      %dma_start3A_150 = tpu.memref_slice %arg2[%dma_start3A_148, %dma_start3A_149] : memref<80000x32xf32, #tpu.memory_space<hbm>> -> memref<80000x32xf32, #tpu.memory_space<hbm>>
      tpu.enqueue_indirect_dma source(%dma_start3A_150 : memref<80000x32xf32, #tpu.memory_space<hbm>>) target(%dma_start3A_144 : memref<128x32xf32, #tpu.memory_space<vmem>>) offsets(%dma_start3A_147 : memref<128xi32, #tpu.memory_space<vmem>>) semaphore(%arg12 : memref<!tpu.dma_semaphore, #tpu.memory_space<semaphore_mem>>)
      %dma_wait3A = arith.constant 0 : i32
      %dma_wait3A_151 = arith.constant 0 : i32
      %dma_wait3A_152 = arith.constant 0 : i32
      %dma_wait3A_153 = tpu.memref_slice %arg9[%dma_wait3A, %dma_wait3A_151, %dma_wait3A_152] : memref<10x128x32xf32, #tpu.memory_space<vmem>> -> memref<1x128x32xf32, #tpu.memory_space<vmem>>
      %dma_wait3A_154 = tpu.memref_squeeze %dma_wait3A_153 : memref<1x128x32xf32, #tpu.memory_space<vmem>> -> memref<128x32xf32, #tpu.memory_space<vmem>>
      %dma_wait3A_155 = arith.constant 0 : i32
      %dma_wait3A_156 = tpu.memref_slice %arg7[%add3A_23, %dma_wait3A_155] : memref<80x128xi32, #tpu.memory_space<vmem>> -> memref<1x128xi32, #tpu.memory_space<vmem>>
      %dma_wait3A_157 = tpu.memref_squeeze %dma_wait3A_156 : memref<1x128xi32, #tpu.memory_space<vmem>> -> memref<128xi32, #tpu.memory_space<vmem>>
      %dma_wait3A_158 = arith.constant 0 : i32
      %dma_wait3A_159 = arith.constant 0 : i32
      %dma_wait3A_160 = tpu.memref_slice %arg2[%dma_wait3A_158, %dma_wait3A_159] : memref<80000x32xf32, #tpu.memory_space<hbm>> -> memref<80000x32xf32, #tpu.memory_space<hbm>>
      tpu.wait_indirect_dma semaphore(%arg12 : memref<!tpu.dma_semaphore, #tpu.memory_space<semaphore_mem>>) src(%dma_wait3A_160 : memref<80000x32xf32, #tpu.memory_space<hbm>>) dst(%dma_wait3A_154 : memref<128x32xf32, #tpu.memory_space<vmem>>)
      %add3A_161 = arith.constant 0 : i32
      %add3A_162 = arith.addi %mul3A_21, %add3A_161 : i32
      %dma_start3A_163 = arith.constant 0 : i32
      %dma_start3A_164 = arith.constant 0 : i32
      %dma_start3A_165 = arith.constant 0 : i32
      %dma_start3A_166 = tpu.memref_slice %arg9[%dma_start3A_163, %dma_start3A_164, %dma_start3A_165] : memref<10x128x32xf32, #tpu.memory_space<vmem>> -> memref<1x128x32xf32, #tpu.memory_space<vmem>>
      %dma_start3A_167 = tpu.memref_squeeze %dma_start3A_166 : memref<1x128x32xf32, #tpu.memory_space<vmem>> -> memref<128x32xf32, #tpu.memory_space<vmem>>
      %dma_start3A_168 = arith.constant 0 : i32
      %dma_start3A_169 = tpu.memref_slice %arg8[%add3A_162, %dma_start3A_168] : memref<80x128xi32, #tpu.memory_space<vmem>> -> memref<1x128xi32, #tpu.memory_space<vmem>>
      %dma_start3A_170 = tpu.memref_squeeze %dma_start3A_169 : memref<1x128xi32, #tpu.memory_space<vmem>> -> memref<128xi32, #tpu.memory_space<vmem>>
      %dma_start3A_171 = arith.constant 0 : i32
      %dma_start3A_172 = arith.constant 0 : i32
      %dma_start3A_173 = tpu.memref_slice %arg11[%dma_start3A_171, %dma_start3A_172] : memref<10112x32xf32, #tpu.memory_space<vmem_shared>> -> memref<10112x32xf32, #tpu.memory_space<vmem_shared>>
      tpu.enqueue_indirect_dma source(%dma_start3A_167 : memref<128x32xf32, #tpu.memory_space<vmem>>) target(%dma_start3A_173 : memref<10112x32xf32, #tpu.memory_space<vmem_shared>>) offsets(%dma_start3A_170 : memref<128xi32, #tpu.memory_space<vmem>>) semaphore(%arg13 : memref<!tpu.dma_semaphore, #tpu.memory_space<semaphore_mem>>) {add = true}
      %dma_wait3A_174 = arith.constant 1 : i32
      %dma_wait3A_175 = arith.constant 0 : i32
      %dma_wait3A_176 = arith.constant 0 : i32
      %dma_wait3A_177 = tpu.memref_slice %arg9[%dma_wait3A_174, %dma_wait3A_175, %dma_wait3A_176] : memref<10x128x32xf32, #tpu.memory_space<vmem>> -> memref<1x128x32xf32, #tpu.memory_space<vmem>>
      %dma_wait3A_178 = tpu.memref_squeeze %dma_wait3A_177 : memref<1x128x32xf32, #tpu.memory_space<vmem>> -> memref<128x32xf32, #tpu.memory_space<vmem>>
      %dma_wait3A_179 = arith.constant 0 : i32
      %dma_wait3A_180 = tpu.memref_slice %arg7[%add3A_35, %dma_wait3A_179] : memref<80x128xi32, #tpu.memory_space<vmem>> -> memref<1x128xi32, #tpu.memory_space<vmem>>
      %dma_wait3A_181 = tpu.memref_squeeze %dma_wait3A_180 : memref<1x128xi32, #tpu.memory_space<vmem>> -> memref<128xi32, #tpu.memory_space<vmem>>
      %dma_wait3A_182 = arith.constant 0 : i32
      %dma_wait3A_183 = arith.constant 0 : i32
      %dma_wait3A_184 = tpu.memref_slice %arg2[%dma_wait3A_182, %dma_wait3A_183] : memref<80000x32xf32, #tpu.memory_space<hbm>> -> memref<80000x32xf32, #tpu.memory_space<hbm>>
      tpu.wait_indirect_dma semaphore(%arg12 : memref<!tpu.dma_semaphore, #tpu.memory_space<semaphore_mem>>) src(%dma_wait3A_184 : memref<80000x32xf32, #tpu.memory_space<hbm>>) dst(%dma_wait3A_178 : memref<128x32xf32, #tpu.memory_space<vmem>>)
      %add3A_185 = arith.constant 1 : i32
      %add3A_186 = arith.addi %mul3A_21, %add3A_185 : i32
      %dma_start3A_187 = arith.constant 1 : i32
      %dma_start3A_188 = arith.constant 0 : i32
      %dma_start3A_189 = arith.constant 0 : i32
      %dma_start3A_190 = tpu.memref_slice %arg9[%dma_start3A_187, %dma_start3A_188, %dma_start3A_189] : memref<10x128x32xf32, #tpu.memory_space<vmem>> -> memref<1x128x32xf32, #tpu.memory_space<vmem>>
      %dma_start3A_191 = tpu.memref_squeeze %dma_start3A_190 : memref<1x128x32xf32, #tpu.memory_space<vmem>> -> memref<128x32xf32, #tpu.memory_space<vmem>>
      %dma_start3A_192 = arith.constant 0 : i32
      %dma_start3A_193 = tpu.memref_slice %arg8[%add3A_186, %dma_start3A_192] : memref<80x128xi32, #tpu.memory_space<vmem>> -> memref<1x128xi32, #tpu.memory_space<vmem>>
      %dma_start3A_194 = tpu.memref_squeeze %dma_start3A_193 : memref<1x128xi32, #tpu.memory_space<vmem>> -> memref<128xi32, #tpu.memory_space<vmem>>
      %dma_start3A_195 = arith.constant 0 : i32
      %dma_start3A_196 = arith.constant 0 : i32
      %dma_start3A_197 = tpu.memref_slice %arg11[%dma_start3A_195, %dma_start3A_196] : memref<10112x32xf32, #tpu.memory_space<vmem_shared>> -> memref<10112x32xf32, #tpu.memory_space<vmem_shared>>
      tpu.enqueue_indirect_dma source(%dma_start3A_191 : memref<128x32xf32, #tpu.memory_space<vmem>>) target(%dma_start3A_197 : memref<10112x32xf32, #tpu.memory_space<vmem_shared>>) offsets(%dma_start3A_194 : memref<128xi32, #tpu.memory_space<vmem>>) semaphore(%arg13 : memref<!tpu.dma_semaphore, #tpu.memory_space<semaphore_mem>>) {add = true}
      %dma_wait3A_198 = arith.constant 2 : i32
      %dma_wait3A_199 = arith.constant 0 : i32
      %dma_wait3A_200 = arith.constant 0 : i32
      %dma_wait3A_201 = tpu.memref_slice %arg9[%dma_wait3A_198, %dma_wait3A_199, %dma_wait3A_200] : memref<10x128x32xf32, #tpu.memory_space<vmem>> -> memref<1x128x32xf32, #tpu.memory_space<vmem>>
      %dma_wait3A_202 = tpu.memref_squeeze %dma_wait3A_201 : memref<1x128x32xf32, #tpu.memory_space<vmem>> -> memref<128x32xf32, #tpu.memory_space<vmem>>
      %dma_wait3A_203 = arith.constant 0 : i32
      %dma_wait3A_204 = tpu.memref_slice %arg7[%add3A_48, %dma_wait3A_203] : memref<80x128xi32, #tpu.memory_space<vmem>> -> memref<1x128xi32, #tpu.memory_space<vmem>>
      %dma_wait3A_205 = tpu.memref_squeeze %dma_wait3A_204 : memref<1x128xi32, #tpu.memory_space<vmem>> -> memref<128xi32, #tpu.memory_space<vmem>>
      %dma_wait3A_206 = arith.constant 0 : i32
      %dma_wait3A_207 = arith.constant 0 : i32
      %dma_wait3A_208 = tpu.memref_slice %arg2[%dma_wait3A_206, %dma_wait3A_207] : memref<80000x32xf32, #tpu.memory_space<hbm>> -> memref<80000x32xf32, #tpu.memory_space<hbm>>
      tpu.wait_indirect_dma semaphore(%arg12 : memref<!tpu.dma_semaphore, #tpu.memory_space<semaphore_mem>>) src(%dma_wait3A_208 : memref<80000x32xf32, #tpu.memory_space<hbm>>) dst(%dma_wait3A_202 : memref<128x32xf32, #tpu.memory_space<vmem>>)
      %add3A_209 = arith.constant 2 : i32
      %add3A_210 = arith.addi %mul3A_21, %add3A_209 : i32
      %dma_start3A_211 = arith.constant 2 : i32
      %dma_start3A_212 = arith.constant 0 : i32
      %dma_start3A_213 = arith.constant 0 : i32
      %dma_start3A_214 = tpu.memref_slice %arg9[%dma_start3A_211, %dma_start3A_212, %dma_start3A_213] : memref<10x128x32xf32, #tpu.memory_space<vmem>> -> memref<1x128x32xf32, #tpu.memory_space<vmem>>
      %dma_start3A_215 = tpu.memref_squeeze %dma_start3A_214 : memref<1x128x32xf32, #tpu.memory_space<vmem>> -> memref<128x32xf32, #tpu.memory_space<vmem>>
      %dma_start3A_216 = arith.constant 0 : i32
      %dma_start3A_217 = tpu.memref_slice %arg8[%add3A_210, %dma_start3A_216] : memref<80x128xi32, #tpu.memory_space<vmem>> -> memref<1x128xi32, #tpu.memory_space<vmem>>
      %dma_start3A_218 = tpu.memref_squeeze %dma_start3A_217 : memref<1x128xi32, #tpu.memory_space<vmem>> -> memref<128xi32, #tpu.memory_space<vmem>>
      %dma_start3A_219 = arith.constant 0 : i32
      %dma_start3A_220 = arith.constant 0 : i32
      %dma_start3A_221 = tpu.memref_slice %arg11[%dma_start3A_219, %dma_start3A_220] : memref<10112x32xf32, #tpu.memory_space<vmem_shared>> -> memref<10112x32xf32, #tpu.memory_space<vmem_shared>>
      tpu.enqueue_indirect_dma source(%dma_start3A_215 : memref<128x32xf32, #tpu.memory_space<vmem>>) target(%dma_start3A_221 : memref<10112x32xf32, #tpu.memory_space<vmem_shared>>) offsets(%dma_start3A_218 : memref<128xi32, #tpu.memory_space<vmem>>) semaphore(%arg13 : memref<!tpu.dma_semaphore, #tpu.memory_space<semaphore_mem>>) {add = true}
      %dma_wait3A_222 = arith.constant 3 : i32
      %dma_wait3A_223 = arith.constant 0 : i32
      %dma_wait3A_224 = arith.constant 0 : i32
      %dma_wait3A_225 = tpu.memref_slice %arg9[%dma_wait3A_222, %dma_wait3A_223, %dma_wait3A_224] : memref<10x128x32xf32, #tpu.memory_space<vmem>> -> memref<1x128x32xf32, #tpu.memory_space<vmem>>
      %dma_wait3A_226 = tpu.memref_squeeze %dma_wait3A_225 : memref<1x128x32xf32, #tpu.memory_space<vmem>> -> memref<128x32xf32, #tpu.memory_space<vmem>>
      %dma_wait3A_227 = arith.constant 0 : i32
      %dma_wait3A_228 = tpu.memref_slice %arg7[%add3A_61, %dma_wait3A_227] : memref<80x128xi32, #tpu.memory_space<vmem>> -> memref<1x128xi32, #tpu.memory_space<vmem>>
      %dma_wait3A_229 = tpu.memref_squeeze %dma_wait3A_228 : memref<1x128xi32, #tpu.memory_space<vmem>> -> memref<128xi32, #tpu.memory_space<vmem>>
      %dma_wait3A_230 = arith.constant 0 : i32
      %dma_wait3A_231 = arith.constant 0 : i32
      %dma_wait3A_232 = tpu.memref_slice %arg2[%dma_wait3A_230, %dma_wait3A_231] : memref<80000x32xf32, #tpu.memory_space<hbm>> -> memref<80000x32xf32, #tpu.memory_space<hbm>>
      tpu.wait_indirect_dma semaphore(%arg12 : memref<!tpu.dma_semaphore, #tpu.memory_space<semaphore_mem>>) src(%dma_wait3A_232 : memref<80000x32xf32, #tpu.memory_space<hbm>>) dst(%dma_wait3A_226 : memref<128x32xf32, #tpu.memory_space<vmem>>)
      %add3A_233 = arith.constant 3 : i32
      %add3A_234 = arith.addi %mul3A_21, %add3A_233 : i32
      %dma_start3A_235 = arith.constant 3 : i32
      %dma_start3A_236 = arith.constant 0 : i32
      %dma_start3A_237 = arith.constant 0 : i32
      %dma_start3A_238 = tpu.memref_slice %arg9[%dma_start3A_235, %dma_start3A_236, %dma_start3A_237] : memref<10x128x32xf32, #tpu.memory_space<vmem>> -> memref<1x128x32xf32, #tpu.memory_space<vmem>>
      %dma_start3A_239 = tpu.memref_squeeze %dma_start3A_238 : memref<1x128x32xf32, #tpu.memory_space<vmem>> -> memref<128x32xf32, #tpu.memory_space<vmem>>
      %dma_start3A_240 = arith.constant 0 : i32
      %dma_start3A_241 = tpu.memref_slice %arg8[%add3A_234, %dma_start3A_240] : memref<80x128xi32, #tpu.memory_space<vmem>> -> memref<1x128xi32, #tpu.memory_space<vmem>>
      %dma_start3A_242 = tpu.memref_squeeze %dma_start3A_241 : memref<1x128xi32, #tpu.memory_space<vmem>> -> memref<128xi32, #tpu.memory_space<vmem>>
      %dma_start3A_243 = arith.constant 0 : i32
      %dma_start3A_244 = arith.constant 0 : i32
      %dma_start3A_245 = tpu.memref_slice %arg11[%dma_start3A_243, %dma_start3A_244] : memref<10112x32xf32, #tpu.memory_space<vmem_shared>> -> memref<10112x32xf32, #tpu.memory_space<vmem_shared>>
      tpu.enqueue_indirect_dma source(%dma_start3A_239 : memref<128x32xf32, #tpu.memory_space<vmem>>) target(%dma_start3A_245 : memref<10112x32xf32, #tpu.memory_space<vmem_shared>>) offsets(%dma_start3A_242 : memref<128xi32, #tpu.memory_space<vmem>>) semaphore(%arg13 : memref<!tpu.dma_semaphore, #tpu.memory_space<semaphore_mem>>) {add = true}
      %dma_wait3A_246 = arith.constant 4 : i32
      %dma_wait3A_247 = arith.constant 0 : i32
      %dma_wait3A_248 = arith.constant 0 : i32
      %dma_wait3A_249 = tpu.memref_slice %arg9[%dma_wait3A_246, %dma_wait3A_247, %dma_wait3A_248] : memref<10x128x32xf32, #tpu.memory_space<vmem>> -> memref<1x128x32xf32, #tpu.memory_space<vmem>>
      %dma_wait3A_250 = tpu.memref_squeeze %dma_wait3A_249 : memref<1x128x32xf32, #tpu.memory_space<vmem>> -> memref<128x32xf32, #tpu.memory_space<vmem>>
      %dma_wait3A_251 = arith.constant 0 : i32
      %dma_wait3A_252 = tpu.memref_slice %arg7[%add3A_74, %dma_wait3A_251] : memref<80x128xi32, #tpu.memory_space<vmem>> -> memref<1x128xi32, #tpu.memory_space<vmem>>
      %dma_wait3A_253 = tpu.memref_squeeze %dma_wait3A_252 : memref<1x128xi32, #tpu.memory_space<vmem>> -> memref<128xi32, #tpu.memory_space<vmem>>
      %dma_wait3A_254 = arith.constant 0 : i32
      %dma_wait3A_255 = arith.constant 0 : i32
      %dma_wait3A_256 = tpu.memref_slice %arg2[%dma_wait3A_254, %dma_wait3A_255] : memref<80000x32xf32, #tpu.memory_space<hbm>> -> memref<80000x32xf32, #tpu.memory_space<hbm>>
      tpu.wait_indirect_dma semaphore(%arg12 : memref<!tpu.dma_semaphore, #tpu.memory_space<semaphore_mem>>) src(%dma_wait3A_256 : memref<80000x32xf32, #tpu.memory_space<hbm>>) dst(%dma_wait3A_250 : memref<128x32xf32, #tpu.memory_space<vmem>>)
      %add3A_257 = arith.constant 4 : i32
      %add3A_258 = arith.addi %mul3A_21, %add3A_257 : i32
      %dma_start3A_259 = arith.constant 4 : i32
      %dma_start3A_260 = arith.constant 0 : i32
      %dma_start3A_261 = arith.constant 0 : i32
      %dma_start3A_262 = tpu.memref_slice %arg9[%dma_start3A_259, %dma_start3A_260, %dma_start3A_261] : memref<10x128x32xf32, #tpu.memory_space<vmem>> -> memref<1x128x32xf32, #tpu.memory_space<vmem>>
      %dma_start3A_263 = tpu.memref_squeeze %dma_start3A_262 : memref<1x128x32xf32, #tpu.memory_space<vmem>> -> memref<128x32xf32, #tpu.memory_space<vmem>>
      %dma_start3A_264 = arith.constant 0 : i32
      %dma_start3A_265 = tpu.memref_slice %arg8[%add3A_258, %dma_start3A_264] : memref<80x128xi32, #tpu.memory_space<vmem>> -> memref<1x128xi32, #tpu.memory_space<vmem>>
      %dma_start3A_266 = tpu.memref_squeeze %dma_start3A_265 : memref<1x128xi32, #tpu.memory_space<vmem>> -> memref<128xi32, #tpu.memory_space<vmem>>
      %dma_start3A_267 = arith.constant 0 : i32
      %dma_start3A_268 = arith.constant 0 : i32
      %dma_start3A_269 = tpu.memref_slice %arg11[%dma_start3A_267, %dma_start3A_268] : memref<10112x32xf32, #tpu.memory_space<vmem_shared>> -> memref<10112x32xf32, #tpu.memory_space<vmem_shared>>
      tpu.enqueue_indirect_dma source(%dma_start3A_263 : memref<128x32xf32, #tpu.memory_space<vmem>>) target(%dma_start3A_269 : memref<10112x32xf32, #tpu.memory_space<vmem_shared>>) offsets(%dma_start3A_266 : memref<128xi32, #tpu.memory_space<vmem>>) semaphore(%arg13 : memref<!tpu.dma_semaphore, #tpu.memory_space<semaphore_mem>>) {add = true}
      %dma_wait3A_270 = arith.constant 5 : i32
      %dma_wait3A_271 = arith.constant 0 : i32
      %dma_wait3A_272 = arith.constant 0 : i32
      %dma_wait3A_273 = tpu.memref_slice %arg9[%dma_wait3A_270, %dma_wait3A_271, %dma_wait3A_272] : memref<10x128x32xf32, #tpu.memory_space<vmem>> -> memref<1x128x32xf32, #tpu.memory_space<vmem>>
      %dma_wait3A_274 = tpu.memref_squeeze %dma_wait3A_273 : memref<1x128x32xf32, #tpu.memory_space<vmem>> -> memref<128x32xf32, #tpu.memory_space<vmem>>
      %dma_wait3A_275 = arith.constant 0 : i32
      %dma_wait3A_276 = tpu.memref_slice %arg7[%add3A_87, %dma_wait3A_275] : memref<80x128xi32, #tpu.memory_space<vmem>> -> memref<1x128xi32, #tpu.memory_space<vmem>>
      %dma_wait3A_277 = tpu.memref_squeeze %dma_wait3A_276 : memref<1x128xi32, #tpu.memory_space<vmem>> -> memref<128xi32, #tpu.memory_space<vmem>>
      %dma_wait3A_278 = arith.constant 0 : i32
      %dma_wait3A_279 = arith.constant 0 : i32
      %dma_wait3A_280 = tpu.memref_slice %arg2[%dma_wait3A_278, %dma_wait3A_279] : memref<80000x32xf32, #tpu.memory_space<hbm>> -> memref<80000x32xf32, #tpu.memory_space<hbm>>
      tpu.wait_indirect_dma semaphore(%arg12 : memref<!tpu.dma_semaphore, #tpu.memory_space<semaphore_mem>>) src(%dma_wait3A_280 : memref<80000x32xf32, #tpu.memory_space<hbm>>) dst(%dma_wait3A_274 : memref<128x32xf32, #tpu.memory_space<vmem>>)
      %add3A_281 = arith.constant 5 : i32
      %add3A_282 = arith.addi %mul3A_21, %add3A_281 : i32
      %dma_start3A_283 = arith.constant 5 : i32
      %dma_start3A_284 = arith.constant 0 : i32
      %dma_start3A_285 = arith.constant 0 : i32
      %dma_start3A_286 = tpu.memref_slice %arg9[%dma_start3A_283, %dma_start3A_284, %dma_start3A_285] : memref<10x128x32xf32, #tpu.memory_space<vmem>> -> memref<1x128x32xf32, #tpu.memory_space<vmem>>
      %dma_start3A_287 = tpu.memref_squeeze %dma_start3A_286 : memref<1x128x32xf32, #tpu.memory_space<vmem>> -> memref<128x32xf32, #tpu.memory_space<vmem>>
      %dma_start3A_288 = arith.constant 0 : i32
      %dma_start3A_289 = tpu.memref_slice %arg8[%add3A_282, %dma_start3A_288] : memref<80x128xi32, #tpu.memory_space<vmem>> -> memref<1x128xi32, #tpu.memory_space<vmem>>
      %dma_start3A_290 = tpu.memref_squeeze %dma_start3A_289 : memref<1x128xi32, #tpu.memory_space<vmem>> -> memref<128xi32, #tpu.memory_space<vmem>>
      %dma_start3A_291 = arith.constant 0 : i32
      %dma_start3A_292 = arith.constant 0 : i32
      %dma_start3A_293 = tpu.memref_slice %arg11[%dma_start3A_291, %dma_start3A_292] : memref<10112x32xf32, #tpu.memory_space<vmem_shared>> -> memref<10112x32xf32, #tpu.memory_space<vmem_shared>>
      tpu.enqueue_indirect_dma source(%dma_start3A_287 : memref<128x32xf32, #tpu.memory_space<vmem>>) target(%dma_start3A_293 : memref<10112x32xf32, #tpu.memory_space<vmem_shared>>) offsets(%dma_start3A_290 : memref<128xi32, #tpu.memory_space<vmem>>) semaphore(%arg13 : memref<!tpu.dma_semaphore, #tpu.memory_space<semaphore_mem>>) {add = true}
      %dma_wait3A_294 = arith.constant 6 : i32
      %dma_wait3A_295 = arith.constant 0 : i32
      %dma_wait3A_296 = arith.constant 0 : i32
      %dma_wait3A_297 = tpu.memref_slice %arg9[%dma_wait3A_294, %dma_wait3A_295, %dma_wait3A_296] : memref<10x128x32xf32, #tpu.memory_space<vmem>> -> memref<1x128x32xf32, #tpu.memory_space<vmem>>
      %dma_wait3A_298 = tpu.memref_squeeze %dma_wait3A_297 : memref<1x128x32xf32, #tpu.memory_space<vmem>> -> memref<128x32xf32, #tpu.memory_space<vmem>>
      %dma_wait3A_299 = arith.constant 0 : i32
      %dma_wait3A_300 = tpu.memref_slice %arg7[%add3A_100, %dma_wait3A_299] : memref<80x128xi32, #tpu.memory_space<vmem>> -> memref<1x128xi32, #tpu.memory_space<vmem>>
      %dma_wait3A_301 = tpu.memref_squeeze %dma_wait3A_300 : memref<1x128xi32, #tpu.memory_space<vmem>> -> memref<128xi32, #tpu.memory_space<vmem>>
      %dma_wait3A_302 = arith.constant 0 : i32
      %dma_wait3A_303 = arith.constant 0 : i32
      %dma_wait3A_304 = tpu.memref_slice %arg2[%dma_wait3A_302, %dma_wait3A_303] : memref<80000x32xf32, #tpu.memory_space<hbm>> -> memref<80000x32xf32, #tpu.memory_space<hbm>>
      tpu.wait_indirect_dma semaphore(%arg12 : memref<!tpu.dma_semaphore, #tpu.memory_space<semaphore_mem>>) src(%dma_wait3A_304 : memref<80000x32xf32, #tpu.memory_space<hbm>>) dst(%dma_wait3A_298 : memref<128x32xf32, #tpu.memory_space<vmem>>)
      %add3A_305 = arith.constant 6 : i32
      %add3A_306 = arith.addi %mul3A_21, %add3A_305 : i32
      %dma_start3A_307 = arith.constant 6 : i32
      %dma_start3A_308 = arith.constant 0 : i32
      %dma_start3A_309 = arith.constant 0 : i32
      %dma_start3A_310 = tpu.memref_slice %arg9[%dma_start3A_307, %dma_start3A_308, %dma_start3A_309] : memref<10x128x32xf32, #tpu.memory_space<vmem>> -> memref<1x128x32xf32, #tpu.memory_space<vmem>>
      %dma_start3A_311 = tpu.memref_squeeze %dma_start3A_310 : memref<1x128x32xf32, #tpu.memory_space<vmem>> -> memref<128x32xf32, #tpu.memory_space<vmem>>
      %dma_start3A_312 = arith.constant 0 : i32
      %dma_start3A_313 = tpu.memref_slice %arg8[%add3A_306, %dma_start3A_312] : memref<80x128xi32, #tpu.memory_space<vmem>> -> memref<1x128xi32, #tpu.memory_space<vmem>>
      %dma_start3A_314 = tpu.memref_squeeze %dma_start3A_313 : memref<1x128xi32, #tpu.memory_space<vmem>> -> memref<128xi32, #tpu.memory_space<vmem>>
      %dma_start3A_315 = arith.constant 0 : i32
      %dma_start3A_316 = arith.constant 0 : i32
      %dma_start3A_317 = tpu.memref_slice %arg11[%dma_start3A_315, %dma_start3A_316] : memref<10112x32xf32, #tpu.memory_space<vmem_shared>> -> memref<10112x32xf32, #tpu.memory_space<vmem_shared>>
      tpu.enqueue_indirect_dma source(%dma_start3A_311 : memref<128x32xf32, #tpu.memory_space<vmem>>) target(%dma_start3A_317 : memref<10112x32xf32, #tpu.memory_space<vmem_shared>>) offsets(%dma_start3A_314 : memref<128xi32, #tpu.memory_space<vmem>>) semaphore(%arg13 : memref<!tpu.dma_semaphore, #tpu.memory_space<semaphore_mem>>) {add = true}
      %dma_wait3A_318 = arith.constant 7 : i32
      %dma_wait3A_319 = arith.constant 0 : i32
      %dma_wait3A_320 = arith.constant 0 : i32
      %dma_wait3A_321 = tpu.memref_slice %arg9[%dma_wait3A_318, %dma_wait3A_319, %dma_wait3A_320] : memref<10x128x32xf32, #tpu.memory_space<vmem>> -> memref<1x128x32xf32, #tpu.memory_space<vmem>>
      %dma_wait3A_322 = tpu.memref_squeeze %dma_wait3A_321 : memref<1x128x32xf32, #tpu.memory_space<vmem>> -> memref<128x32xf32, #tpu.memory_space<vmem>>
      %dma_wait3A_323 = arith.constant 0 : i32
      %dma_wait3A_324 = tpu.memref_slice %arg7[%add3A_113, %dma_wait3A_323] : memref<80x128xi32, #tpu.memory_space<vmem>> -> memref<1x128xi32, #tpu.memory_space<vmem>>
      %dma_wait3A_325 = tpu.memref_squeeze %dma_wait3A_324 : memref<1x128xi32, #tpu.memory_space<vmem>> -> memref<128xi32, #tpu.memory_space<vmem>>
      %dma_wait3A_326 = arith.constant 0 : i32
      %dma_wait3A_327 = arith.constant 0 : i32
      %dma_wait3A_328 = tpu.memref_slice %arg2[%dma_wait3A_326, %dma_wait3A_327] : memref<80000x32xf32, #tpu.memory_space<hbm>> -> memref<80000x32xf32, #tpu.memory_space<hbm>>
      tpu.wait_indirect_dma semaphore(%arg12 : memref<!tpu.dma_semaphore, #tpu.memory_space<semaphore_mem>>) src(%dma_wait3A_328 : memref<80000x32xf32, #tpu.memory_space<hbm>>) dst(%dma_wait3A_322 : memref<128x32xf32, #tpu.memory_space<vmem>>)
      %add3A_329 = arith.constant 7 : i32
      %add3A_330 = arith.addi %mul3A_21, %add3A_329 : i32
      %dma_start3A_331 = arith.constant 7 : i32
      %dma_start3A_332 = arith.constant 0 : i32
      %dma_start3A_333 = arith.constant 0 : i32
      %dma_start3A_334 = tpu.memref_slice %arg9[%dma_start3A_331, %dma_start3A_332, %dma_start3A_333] : memref<10x128x32xf32, #tpu.memory_space<vmem>> -> memref<1x128x32xf32, #tpu.memory_space<vmem>>
      %dma_start3A_335 = tpu.memref_squeeze %dma_start3A_334 : memref<1x128x32xf32, #tpu.memory_space<vmem>> -> memref<128x32xf32, #tpu.memory_space<vmem>>
      %dma_start3A_336 = arith.constant 0 : i32
      %dma_start3A_337 = tpu.memref_slice %arg8[%add3A_330, %dma_start3A_336] : memref<80x128xi32, #tpu.memory_space<vmem>> -> memref<1x128xi32, #tpu.memory_space<vmem>>
      %dma_start3A_338 = tpu.memref_squeeze %dma_start3A_337 : memref<1x128xi32, #tpu.memory_space<vmem>> -> memref<128xi32, #tpu.memory_space<vmem>>
      %dma_start3A_339 = arith.constant 0 : i32
      %dma_start3A_340 = arith.constant 0 : i32
      %dma_start3A_341 = tpu.memref_slice %arg11[%dma_start3A_339, %dma_start3A_340] : memref<10112x32xf32, #tpu.memory_space<vmem_shared>> -> memref<10112x32xf32, #tpu.memory_space<vmem_shared>>
      tpu.enqueue_indirect_dma source(%dma_start3A_335 : memref<128x32xf32, #tpu.memory_space<vmem>>) target(%dma_start3A_341 : memref<10112x32xf32, #tpu.memory_space<vmem_shared>>) offsets(%dma_start3A_338 : memref<128xi32, #tpu.memory_space<vmem>>) semaphore(%arg13 : memref<!tpu.dma_semaphore, #tpu.memory_space<semaphore_mem>>) {add = true}
      %dma_wait3A_342 = arith.constant 8 : i32
      %dma_wait3A_343 = arith.constant 0 : i32
      %dma_wait3A_344 = arith.constant 0 : i32
      %dma_wait3A_345 = tpu.memref_slice %arg9[%dma_wait3A_342, %dma_wait3A_343, %dma_wait3A_344] : memref<10x128x32xf32, #tpu.memory_space<vmem>> -> memref<1x128x32xf32, #tpu.memory_space<vmem>>
      %dma_wait3A_346 = tpu.memref_squeeze %dma_wait3A_345 : memref<1x128x32xf32, #tpu.memory_space<vmem>> -> memref<128x32xf32, #tpu.memory_space<vmem>>
      %dma_wait3A_347 = arith.constant 0 : i32
      %dma_wait3A_348 = tpu.memref_slice %arg7[%add3A_126, %dma_wait3A_347] : memref<80x128xi32, #tpu.memory_space<vmem>> -> memref<1x128xi32, #tpu.memory_space<vmem>>
      %dma_wait3A_349 = tpu.memref_squeeze %dma_wait3A_348 : memref<1x128xi32, #tpu.memory_space<vmem>> -> memref<128xi32, #tpu.memory_space<vmem>>
      %dma_wait3A_350 = arith.constant 0 : i32
      %dma_wait3A_351 = arith.constant 0 : i32
      %dma_wait3A_352 = tpu.memref_slice %arg2[%dma_wait3A_350, %dma_wait3A_351] : memref<80000x32xf32, #tpu.memory_space<hbm>> -> memref<80000x32xf32, #tpu.memory_space<hbm>>
      tpu.wait_indirect_dma semaphore(%arg12 : memref<!tpu.dma_semaphore, #tpu.memory_space<semaphore_mem>>) src(%dma_wait3A_352 : memref<80000x32xf32, #tpu.memory_space<hbm>>) dst(%dma_wait3A_346 : memref<128x32xf32, #tpu.memory_space<vmem>>)
      %add3A_353 = arith.constant 8 : i32
      %add3A_354 = arith.addi %mul3A_21, %add3A_353 : i32
      %dma_start3A_355 = arith.constant 8 : i32
      %dma_start3A_356 = arith.constant 0 : i32
      %dma_start3A_357 = arith.constant 0 : i32
      %dma_start3A_358 = tpu.memref_slice %arg9[%dma_start3A_355, %dma_start3A_356, %dma_start3A_357] : memref<10x128x32xf32, #tpu.memory_space<vmem>> -> memref<1x128x32xf32, #tpu.memory_space<vmem>>
      %dma_start3A_359 = tpu.memref_squeeze %dma_start3A_358 : memref<1x128x32xf32, #tpu.memory_space<vmem>> -> memref<128x32xf32, #tpu.memory_space<vmem>>
      %dma_start3A_360 = arith.constant 0 : i32
      %dma_start3A_361 = tpu.memref_slice %arg8[%add3A_354, %dma_start3A_360] : memref<80x128xi32, #tpu.memory_space<vmem>> -> memref<1x128xi32, #tpu.memory_space<vmem>>
      %dma_start3A_362 = tpu.memref_squeeze %dma_start3A_361 : memref<1x128xi32, #tpu.memory_space<vmem>> -> memref<128xi32, #tpu.memory_space<vmem>>
      %dma_start3A_363 = arith.constant 0 : i32
      %dma_start3A_364 = arith.constant 0 : i32
      %dma_start3A_365 = tpu.memref_slice %arg11[%dma_start3A_363, %dma_start3A_364] : memref<10112x32xf32, #tpu.memory_space<vmem_shared>> -> memref<10112x32xf32, #tpu.memory_space<vmem_shared>>
      tpu.enqueue_indirect_dma source(%dma_start3A_359 : memref<128x32xf32, #tpu.memory_space<vmem>>) target(%dma_start3A_365 : memref<10112x32xf32, #tpu.memory_space<vmem_shared>>) offsets(%dma_start3A_362 : memref<128xi32, #tpu.memory_space<vmem>>) semaphore(%arg13 : memref<!tpu.dma_semaphore, #tpu.memory_space<semaphore_mem>>) {add = true}
      %dma_wait3A_366 = arith.constant 9 : i32
      %dma_wait3A_367 = arith.constant 0 : i32
      %dma_wait3A_368 = arith.constant 0 : i32
      %dma_wait3A_369 = tpu.memref_slice %arg9[%dma_wait3A_366, %dma_wait3A_367, %dma_wait3A_368] : memref<10x128x32xf32, #tpu.memory_space<vmem>> -> memref<1x128x32xf32, #tpu.memory_space<vmem>>
      %dma_wait3A_370 = tpu.memref_squeeze %dma_wait3A_369 : memref<1x128x32xf32, #tpu.memory_space<vmem>> -> memref<128x32xf32, #tpu.memory_space<vmem>>
      %dma_wait3A_371 = arith.constant 0 : i32
      %dma_wait3A_372 = tpu.memref_slice %arg7[%add3A_139, %dma_wait3A_371] : memref<80x128xi32, #tpu.memory_space<vmem>> -> memref<1x128xi32, #tpu.memory_space<vmem>>
      %dma_wait3A_373 = tpu.memref_squeeze %dma_wait3A_372 : memref<1x128xi32, #tpu.memory_space<vmem>> -> memref<128xi32, #tpu.memory_space<vmem>>
      %dma_wait3A_374 = arith.constant 0 : i32
      %dma_wait3A_375 = arith.constant 0 : i32
      %dma_wait3A_376 = tpu.memref_slice %arg2[%dma_wait3A_374, %dma_wait3A_375] : memref<80000x32xf32, #tpu.memory_space<hbm>> -> memref<80000x32xf32, #tpu.memory_space<hbm>>
      tpu.wait_indirect_dma semaphore(%arg12 : memref<!tpu.dma_semaphore, #tpu.memory_space<semaphore_mem>>) src(%dma_wait3A_376 : memref<80000x32xf32, #tpu.memory_space<hbm>>) dst(%dma_wait3A_370 : memref<128x32xf32, #tpu.memory_space<vmem>>)
      %add3A_377 = arith.constant 9 : i32
      %add3A_378 = arith.addi %mul3A_21, %add3A_377 : i32
      %dma_start3A_379 = arith.constant 9 : i32
      %dma_start3A_380 = arith.constant 0 : i32
      %dma_start3A_381 = arith.constant 0 : i32
      %dma_start3A_382 = tpu.memref_slice %arg9[%dma_start3A_379, %dma_start3A_380, %dma_start3A_381] : memref<10x128x32xf32, #tpu.memory_space<vmem>> -> memref<1x128x32xf32, #tpu.memory_space<vmem>>
      %dma_start3A_383 = tpu.memref_squeeze %dma_start3A_382 : memref<1x128x32xf32, #tpu.memory_space<vmem>> -> memref<128x32xf32, #tpu.memory_space<vmem>>
      %dma_start3A_384 = arith.constant 0 : i32
      %dma_start3A_385 = tpu.memref_slice %arg8[%add3A_378, %dma_start3A_384] : memref<80x128xi32, #tpu.memory_space<vmem>> -> memref<1x128xi32, #tpu.memory_space<vmem>>
      %dma_start3A_386 = tpu.memref_squeeze %dma_start3A_385 : memref<1x128xi32, #tpu.memory_space<vmem>> -> memref<128xi32, #tpu.memory_space<vmem>>
      %dma_start3A_387 = arith.constant 0 : i32
      %dma_start3A_388 = arith.constant 0 : i32
      %dma_start3A_389 = tpu.memref_slice %arg11[%dma_start3A_387, %dma_start3A_388] : memref<10112x32xf32, #tpu.memory_space<vmem_shared>> -> memref<10112x32xf32, #tpu.memory_space<vmem_shared>>
      tpu.enqueue_indirect_dma source(%dma_start3A_383 : memref<128x32xf32, #tpu.memory_space<vmem>>) target(%dma_start3A_389 : memref<10112x32xf32, #tpu.memory_space<vmem_shared>>) offsets(%dma_start3A_386 : memref<128xi32, #tpu.memory_space<vmem>>) semaphore(%arg13 : memref<!tpu.dma_semaphore, #tpu.memory_space<semaphore_mem>>) {add = true}
      %dma_wait3A_390 = arith.constant 0 : i32
      %dma_wait3A_391 = arith.constant 0 : i32
      %dma_wait3A_392 = arith.constant 0 : i32
      %dma_wait3A_393 = tpu.memref_slice %arg9[%dma_wait3A_390, %dma_wait3A_391, %dma_wait3A_392] : memref<10x128x32xf32, #tpu.memory_space<vmem>> -> memref<1x128x32xf32, #tpu.memory_space<vmem>>
      %dma_wait3A_394 = tpu.memref_squeeze %dma_wait3A_393 : memref<1x128x32xf32, #tpu.memory_space<vmem>> -> memref<128x32xf32, #tpu.memory_space<vmem>>
      %dma_wait3A_395 = arith.constant 0 : i32
      %dma_wait3A_396 = tpu.memref_slice %arg8[%add3A_162, %dma_wait3A_395] : memref<80x128xi32, #tpu.memory_space<vmem>> -> memref<1x128xi32, #tpu.memory_space<vmem>>
      %dma_wait3A_397 = tpu.memref_squeeze %dma_wait3A_396 : memref<1x128xi32, #tpu.memory_space<vmem>> -> memref<128xi32, #tpu.memory_space<vmem>>
      %dma_wait3A_398 = arith.constant 0 : i32
      %dma_wait3A_399 = arith.constant 0 : i32
      %dma_wait3A_400 = tpu.memref_slice %arg11[%dma_wait3A_398, %dma_wait3A_399] : memref<10112x32xf32, #tpu.memory_space<vmem_shared>> -> memref<10112x32xf32, #tpu.memory_space<vmem_shared>>
      tpu.wait_indirect_dma semaphore(%arg13 : memref<!tpu.dma_semaphore, #tpu.memory_space<semaphore_mem>>) src(%dma_wait3A_394 : memref<128x32xf32, #tpu.memory_space<vmem>>) dst(%dma_wait3A_400 : memref<10112x32xf32, #tpu.memory_space<vmem_shared>>)
      %dma_wait3A_401 = arith.constant 1 : i32
      %dma_wait3A_402 = arith.constant 0 : i32
      %dma_wait3A_403 = arith.constant 0 : i32
      %dma_wait3A_404 = tpu.memref_slice %arg9[%dma_wait3A_401, %dma_wait3A_402, %dma_wait3A_403] : memref<10x128x32xf32, #tpu.memory_space<vmem>> -> memref<1x128x32xf32, #tpu.memory_space<vmem>>
      %dma_wait3A_405 = tpu.memref_squeeze %dma_wait3A_404 : memref<1x128x32xf32, #tpu.memory_space<vmem>> -> memref<128x32xf32, #tpu.memory_space<vmem>>
      %dma_wait3A_406 = arith.constant 0 : i32
      %dma_wait3A_407 = tpu.memref_slice %arg8[%add3A_186, %dma_wait3A_406] : memref<80x128xi32, #tpu.memory_space<vmem>> -> memref<1x128xi32, #tpu.memory_space<vmem>>
      %dma_wait3A_408 = tpu.memref_squeeze %dma_wait3A_407 : memref<1x128xi32, #tpu.memory_space<vmem>> -> memref<128xi32, #tpu.memory_space<vmem>>
      %dma_wait3A_409 = arith.constant 0 : i32
      %dma_wait3A_410 = arith.constant 0 : i32
      %dma_wait3A_411 = tpu.memref_slice %arg11[%dma_wait3A_409, %dma_wait3A_410] : memref<10112x32xf32, #tpu.memory_space<vmem_shared>> -> memref<10112x32xf32, #tpu.memory_space<vmem_shared>>
      tpu.wait_indirect_dma semaphore(%arg13 : memref<!tpu.dma_semaphore, #tpu.memory_space<semaphore_mem>>) src(%dma_wait3A_405 : memref<128x32xf32, #tpu.memory_space<vmem>>) dst(%dma_wait3A_411 : memref<10112x32xf32, #tpu.memory_space<vmem_shared>>)
      %dma_wait3A_412 = arith.constant 2 : i32
      %dma_wait3A_413 = arith.constant 0 : i32
      %dma_wait3A_414 = arith.constant 0 : i32
      %dma_wait3A_415 = tpu.memref_slice %arg9[%dma_wait3A_412, %dma_wait3A_413, %dma_wait3A_414] : memref<10x128x32xf32, #tpu.memory_space<vmem>> -> memref<1x128x32xf32, #tpu.memory_space<vmem>>
      %dma_wait3A_416 = tpu.memref_squeeze %dma_wait3A_415 : memref<1x128x32xf32, #tpu.memory_space<vmem>> -> memref<128x32xf32, #tpu.memory_space<vmem>>
      %dma_wait3A_417 = arith.constant 0 : i32
      %dma_wait3A_418 = tpu.memref_slice %arg8[%add3A_210, %dma_wait3A_417] : memref<80x128xi32, #tpu.memory_space<vmem>> -> memref<1x128xi32, #tpu.memory_space<vmem>>
      %dma_wait3A_419 = tpu.memref_squeeze %dma_wait3A_418 : memref<1x128xi32, #tpu.memory_space<vmem>> -> memref<128xi32, #tpu.memory_space<vmem>>
      %dma_wait3A_420 = arith.constant 0 : i32
      %dma_wait3A_421 = arith.constant 0 : i32
      %dma_wait3A_422 = tpu.memref_slice %arg11[%dma_wait3A_420, %dma_wait3A_421] : memref<10112x32xf32, #tpu.memory_space<vmem_shared>> -> memref<10112x32xf32, #tpu.memory_space<vmem_shared>>
      tpu.wait_indirect_dma semaphore(%arg13 : memref<!tpu.dma_semaphore, #tpu.memory_space<semaphore_mem>>) src(%dma_wait3A_416 : memref<128x32xf32, #tpu.memory_space<vmem>>) dst(%dma_wait3A_422 : memref<10112x32xf32, #tpu.memory_space<vmem_shared>>)
      %dma_wait3A_423 = arith.constant 3 : i32
      %dma_wait3A_424 = arith.constant 0 : i32
      %dma_wait3A_425 = arith.constant 0 : i32
      %dma_wait3A_426 = tpu.memref_slice %arg9[%dma_wait3A_423, %dma_wait3A_424, %dma_wait3A_425] : memref<10x128x32xf32, #tpu.memory_space<vmem>> -> memref<1x128x32xf32, #tpu.memory_space<vmem>>
      %dma_wait3A_427 = tpu.memref_squeeze %dma_wait3A_426 : memref<1x128x32xf32, #tpu.memory_space<vmem>> -> memref<128x32xf32, #tpu.memory_space<vmem>>
      %dma_wait3A_428 = arith.constant 0 : i32
      %dma_wait3A_429 = tpu.memref_slice %arg8[%add3A_234, %dma_wait3A_428] : memref<80x128xi32, #tpu.memory_space<vmem>> -> memref<1x128xi32, #tpu.memory_space<vmem>>
      %dma_wait3A_430 = tpu.memref_squeeze %dma_wait3A_429 : memref<1x128xi32, #tpu.memory_space<vmem>> -> memref<128xi32, #tpu.memory_space<vmem>>
      %dma_wait3A_431 = arith.constant 0 : i32
      %dma_wait3A_432 = arith.constant 0 : i32
      %dma_wait3A_433 = tpu.memref_slice %arg11[%dma_wait3A_431, %dma_wait3A_432] : memref<10112x32xf32, #tpu.memory_space<vmem_shared>> -> memref<10112x32xf32, #tpu.memory_space<vmem_shared>>
      tpu.wait_indirect_dma semaphore(%arg13 : memref<!tpu.dma_semaphore, #tpu.memory_space<semaphore_mem>>) src(%dma_wait3A_427 : memref<128x32xf32, #tpu.memory_space<vmem>>) dst(%dma_wait3A_433 : memref<10112x32xf32, #tpu.memory_space<vmem_shared>>)
      %dma_wait3A_434 = arith.constant 4 : i32
      %dma_wait3A_435 = arith.constant 0 : i32
      %dma_wait3A_436 = arith.constant 0 : i32
      %dma_wait3A_437 = tpu.memref_slice %arg9[%dma_wait3A_434, %dma_wait3A_435, %dma_wait3A_436] : memref<10x128x32xf32, #tpu.memory_space<vmem>> -> memref<1x128x32xf32, #tpu.memory_space<vmem>>
      %dma_wait3A_438 = tpu.memref_squeeze %dma_wait3A_437 : memref<1x128x32xf32, #tpu.memory_space<vmem>> -> memref<128x32xf32, #tpu.memory_space<vmem>>
      %dma_wait3A_439 = arith.constant 0 : i32
      %dma_wait3A_440 = tpu.memref_slice %arg8[%add3A_258, %dma_wait3A_439] : memref<80x128xi32, #tpu.memory_space<vmem>> -> memref<1x128xi32, #tpu.memory_space<vmem>>
      %dma_wait3A_441 = tpu.memref_squeeze %dma_wait3A_440 : memref<1x128xi32, #tpu.memory_space<vmem>> -> memref<128xi32, #tpu.memory_space<vmem>>
      %dma_wait3A_442 = arith.constant 0 : i32
      %dma_wait3A_443 = arith.constant 0 : i32
      %dma_wait3A_444 = tpu.memref_slice %arg11[%dma_wait3A_442, %dma_wait3A_443] : memref<10112x32xf32, #tpu.memory_space<vmem_shared>> -> memref<10112x32xf32, #tpu.memory_space<vmem_shared>>
      tpu.wait_indirect_dma semaphore(%arg13 : memref<!tpu.dma_semaphore, #tpu.memory_space<semaphore_mem>>) src(%dma_wait3A_438 : memref<128x32xf32, #tpu.memory_space<vmem>>) dst(%dma_wait3A_444 : memref<10112x32xf32, #tpu.memory_space<vmem_shared>>)
      %dma_wait3A_445 = arith.constant 5 : i32
      %dma_wait3A_446 = arith.constant 0 : i32
      %dma_wait3A_447 = arith.constant 0 : i32
      %dma_wait3A_448 = tpu.memref_slice %arg9[%dma_wait3A_445, %dma_wait3A_446, %dma_wait3A_447] : memref<10x128x32xf32, #tpu.memory_space<vmem>> -> memref<1x128x32xf32, #tpu.memory_space<vmem>>
      %dma_wait3A_449 = tpu.memref_squeeze %dma_wait3A_448 : memref<1x128x32xf32, #tpu.memory_space<vmem>> -> memref<128x32xf32, #tpu.memory_space<vmem>>
      %dma_wait3A_450 = arith.constant 0 : i32
      %dma_wait3A_451 = tpu.memref_slice %arg8[%add3A_282, %dma_wait3A_450] : memref<80x128xi32, #tpu.memory_space<vmem>> -> memref<1x128xi32, #tpu.memory_space<vmem>>
      %dma_wait3A_452 = tpu.memref_squeeze %dma_wait3A_451 : memref<1x128xi32, #tpu.memory_space<vmem>> -> memref<128xi32, #tpu.memory_space<vmem>>
      %dma_wait3A_453 = arith.constant 0 : i32
      %dma_wait3A_454 = arith.constant 0 : i32
      %dma_wait3A_455 = tpu.memref_slice %arg11[%dma_wait3A_453, %dma_wait3A_454] : memref<10112x32xf32, #tpu.memory_space<vmem_shared>> -> memref<10112x32xf32, #tpu.memory_space<vmem_shared>>
      tpu.wait_indirect_dma semaphore(%arg13 : memref<!tpu.dma_semaphore, #tpu.memory_space<semaphore_mem>>) src(%dma_wait3A_449 : memref<128x32xf32, #tpu.memory_space<vmem>>) dst(%dma_wait3A_455 : memref<10112x32xf32, #tpu.memory_space<vmem_shared>>)
      %dma_wait3A_456 = arith.constant 6 : i32
      %dma_wait3A_457 = arith.constant 0 : i32
      %dma_wait3A_458 = arith.constant 0 : i32
      %dma_wait3A_459 = tpu.memref_slice %arg9[%dma_wait3A_456, %dma_wait3A_457, %dma_wait3A_458] : memref<10x128x32xf32, #tpu.memory_space<vmem>> -> memref<1x128x32xf32, #tpu.memory_space<vmem>>
      %dma_wait3A_460 = tpu.memref_squeeze %dma_wait3A_459 : memref<1x128x32xf32, #tpu.memory_space<vmem>> -> memref<128x32xf32, #tpu.memory_space<vmem>>
      %dma_wait3A_461 = arith.constant 0 : i32
      %dma_wait3A_462 = tpu.memref_slice %arg8[%add3A_306, %dma_wait3A_461] : memref<80x128xi32, #tpu.memory_space<vmem>> -> memref<1x128xi32, #tpu.memory_space<vmem>>
      %dma_wait3A_463 = tpu.memref_squeeze %dma_wait3A_462 : memref<1x128xi32, #tpu.memory_space<vmem>> -> memref<128xi32, #tpu.memory_space<vmem>>
      %dma_wait3A_464 = arith.constant 0 : i32
      %dma_wait3A_465 = arith.constant 0 : i32
      %dma_wait3A_466 = tpu.memref_slice %arg11[%dma_wait3A_464, %dma_wait3A_465] : memref<10112x32xf32, #tpu.memory_space<vmem_shared>> -> memref<10112x32xf32, #tpu.memory_space<vmem_shared>>
      tpu.wait_indirect_dma semaphore(%arg13 : memref<!tpu.dma_semaphore, #tpu.memory_space<semaphore_mem>>) src(%dma_wait3A_460 : memref<128x32xf32, #tpu.memory_space<vmem>>) dst(%dma_wait3A_466 : memref<10112x32xf32, #tpu.memory_space<vmem_shared>>)
      %dma_wait3A_467 = arith.constant 7 : i32
      %dma_wait3A_468 = arith.constant 0 : i32
      %dma_wait3A_469 = arith.constant 0 : i32
      %dma_wait3A_470 = tpu.memref_slice %arg9[%dma_wait3A_467, %dma_wait3A_468, %dma_wait3A_469] : memref<10x128x32xf32, #tpu.memory_space<vmem>> -> memref<1x128x32xf32, #tpu.memory_space<vmem>>
      %dma_wait3A_471 = tpu.memref_squeeze %dma_wait3A_470 : memref<1x128x32xf32, #tpu.memory_space<vmem>> -> memref<128x32xf32, #tpu.memory_space<vmem>>
      %dma_wait3A_472 = arith.constant 0 : i32
      %dma_wait3A_473 = tpu.memref_slice %arg8[%add3A_330, %dma_wait3A_472] : memref<80x128xi32, #tpu.memory_space<vmem>> -> memref<1x128xi32, #tpu.memory_space<vmem>>
      %dma_wait3A_474 = tpu.memref_squeeze %dma_wait3A_473 : memref<1x128xi32, #tpu.memory_space<vmem>> -> memref<128xi32, #tpu.memory_space<vmem>>
      %dma_wait3A_475 = arith.constant 0 : i32
      %dma_wait3A_476 = arith.constant 0 : i32
      %dma_wait3A_477 = tpu.memref_slice %arg11[%dma_wait3A_475, %dma_wait3A_476] : memref<10112x32xf32, #tpu.memory_space<vmem_shared>> -> memref<10112x32xf32, #tpu.memory_space<vmem_shared>>
      tpu.wait_indirect_dma semaphore(%arg13 : memref<!tpu.dma_semaphore, #tpu.memory_space<semaphore_mem>>) src(%dma_wait3A_471 : memref<128x32xf32, #tpu.memory_space<vmem>>) dst(%dma_wait3A_477 : memref<10112x32xf32, #tpu.memory_space<vmem_shared>>)
      %dma_wait3A_478 = arith.constant 8 : i32
      %dma_wait3A_479 = arith.constant 0 : i32
      %dma_wait3A_480 = arith.constant 0 : i32
      %dma_wait3A_481 = tpu.memref_slice %arg9[%dma_wait3A_478, %dma_wait3A_479, %dma_wait3A_480] : memref<10x128x32xf32, #tpu.memory_space<vmem>> -> memref<1x128x32xf32, #tpu.memory_space<vmem>>
      %dma_wait3A_482 = tpu.memref_squeeze %dma_wait3A_481 : memref<1x128x32xf32, #tpu.memory_space<vmem>> -> memref<128x32xf32, #tpu.memory_space<vmem>>
      %dma_wait3A_483 = arith.constant 0 : i32
      %dma_wait3A_484 = tpu.memref_slice %arg8[%add3A_354, %dma_wait3A_483] : memref<80x128xi32, #tpu.memory_space<vmem>> -> memref<1x128xi32, #tpu.memory_space<vmem>>
      %dma_wait3A_485 = tpu.memref_squeeze %dma_wait3A_484 : memref<1x128xi32, #tpu.memory_space<vmem>> -> memref<128xi32, #tpu.memory_space<vmem>>
      %dma_wait3A_486 = arith.constant 0 : i32
      %dma_wait3A_487 = arith.constant 0 : i32
      %dma_wait3A_488 = tpu.memref_slice %arg11[%dma_wait3A_486, %dma_wait3A_487] : memref<10112x32xf32, #tpu.memory_space<vmem_shared>> -> memref<10112x32xf32, #tpu.memory_space<vmem_shared>>
      tpu.wait_indirect_dma semaphore(%arg13 : memref<!tpu.dma_semaphore, #tpu.memory_space<semaphore_mem>>) src(%dma_wait3A_482 : memref<128x32xf32, #tpu.memory_space<vmem>>) dst(%dma_wait3A_488 : memref<10112x32xf32, #tpu.memory_space<vmem_shared>>)
      %dma_wait3A_489 = arith.constant 9 : i32
      %dma_wait3A_490 = arith.constant 0 : i32
      %dma_wait3A_491 = arith.constant 0 : i32
      %dma_wait3A_492 = tpu.memref_slice %arg9[%dma_wait3A_489, %dma_wait3A_490, %dma_wait3A_491] : memref<10x128x32xf32, #tpu.memory_space<vmem>> -> memref<1x128x32xf32, #tpu.memory_space<vmem>>
      %dma_wait3A_493 = tpu.memref_squeeze %dma_wait3A_492 : memref<1x128x32xf32, #tpu.memory_space<vmem>> -> memref<128x32xf32, #tpu.memory_space<vmem>>
      %dma_wait3A_494 = arith.constant 0 : i32
      %dma_wait3A_495 = tpu.memref_slice %arg8[%add3A_378, %dma_wait3A_494] : memref<80x128xi32, #tpu.memory_space<vmem>> -> memref<1x128xi32, #tpu.memory_space<vmem>>
      %dma_wait3A_496 = tpu.memref_squeeze %dma_wait3A_495 : memref<1x128xi32, #tpu.memory_space<vmem>> -> memref<128xi32, #tpu.memory_space<vmem>>
      %dma_wait3A_497 = arith.constant 0 : i32
      %dma_wait3A_498 = arith.constant 0 : i32
      %dma_wait3A_499 = tpu.memref_slice %arg11[%dma_wait3A_497, %dma_wait3A_498] : memref<10112x32xf32, #tpu.memory_space<vmem_shared>> -> memref<10112x32xf32, #tpu.memory_space<vmem_shared>>
      tpu.wait_indirect_dma semaphore(%arg13 : memref<!tpu.dma_semaphore, #tpu.memory_space<semaphore_mem>>) src(%dma_wait3A_493 : memref<128x32xf32, #tpu.memory_space<vmem>>) dst(%dma_wait3A_499 : memref<10112x32xf32, #tpu.memory_space<vmem_shared>>)
    }
    %scan3A_13 = arith.constant 8 : i32
    %barrier3A_14 = arith.constant 0 : index
    tpu.barrier barrier_id(%barrier3A_14)
    %mul3A_15 = arith.constant 632 : i32
    %mul3A_16 = arith.muli %arg1, %mul3A_15 : i32
    "tpu.region"() ({
      %run_scoped3A = tpu.sem_alloc : memref<!tpu.dma_semaphore, #tpu.memory_space<semaphore_mem>>
      %dma_start3A = arith.constant 0 : i32
      %dma_start3A_19 = tpu.memref_slice %arg11[%mul3A_16, %dma_start3A] : memref<10112x32xf32, #tpu.memory_space<vmem_shared>> -> memref<632x32xf32, #tpu.memory_space<vmem_shared>>
      %dma_start3A_20 = arith.constant 0 : i32
      %dma_start3A_21 = tpu.memref_slice %arg11[%mul3A_16, %dma_start3A_20] : memref<10112x32xf32, #tpu.memory_space<vmem_shared>> -> memref<632x32xf32, #tpu.memory_space<vmem_shared>>
      tpu.enqueue_dma source(%dma_start3A_21 : memref<632x32xf32, #tpu.memory_space<vmem_shared>>) target(%arg10 : memref<632x32xf32, #tpu.memory_space<vmem>>) target_semaphore(%run_scoped3A : memref<!tpu.dma_semaphore, #tpu.memory_space<semaphore_mem>>)
      %dma_wait3A = arith.constant 0 : i32
      %dma_wait3A_22 = tpu.memref_slice %arg11[%mul3A_16, %dma_wait3A] : memref<10112x32xf32, #tpu.memory_space<vmem_shared>> -> memref<632x32xf32, #tpu.memory_space<vmem_shared>>
      %dma_wait3A_23 = arith.constant 0 : i32
      %dma_wait3A_24 = tpu.memref_slice %arg11[%mul3A_16, %dma_wait3A_23] : memref<10112x32xf32, #tpu.memory_space<vmem_shared>> -> memref<632x32xf32, #tpu.memory_space<vmem_shared>>
      tpu.wait_dma2 semaphore(%run_scoped3A : memref<!tpu.dma_semaphore, #tpu.memory_space<semaphore_mem>>) src(%dma_wait3A_24 : memref<632x32xf32, #tpu.memory_space<vmem_shared>>) dst(%arg10 : memref<632x32xf32, #tpu.memory_space<vmem>>)
      tpu.yield
    }) : () -> ()
    %mul3A_17 = arith.constant 632 : i32
    %mul3A_18 = arith.muli %arg1, %mul3A_17 : i32
    "tpu.region"() ({
      %run_scoped3A = tpu.sem_alloc : memref<!tpu.dma_semaphore, #tpu.memory_space<semaphore_mem>>
      %dma_start3A = arith.constant 0 : i32
      %dma_start3A_19 = tpu.memref_slice %arg6[%arg0, %mul3A_18, %dma_start3A] : memref<2x10112x32xf32, #tpu.memory_space<hbm>> -> memref<1x632x32xf32, #tpu.memory_space<hbm>>
      %dma_start3A_20 = tpu.memref_squeeze %dma_start3A_19 : memref<1x632x32xf32, #tpu.memory_space<hbm>> -> memref<632x32xf32, #tpu.memory_space<hbm>>
      %dma_start3A_21 = arith.constant 0 : i32
      %dma_start3A_22 = tpu.memref_slice %arg6[%arg0, %mul3A_18, %dma_start3A_21] : memref<2x10112x32xf32, #tpu.memory_space<hbm>> -> memref<1x632x32xf32, #tpu.memory_space<hbm>>
      %dma_start3A_23 = tpu.memref_squeeze %dma_start3A_22 : memref<1x632x32xf32, #tpu.memory_space<hbm>> -> memref<632x32xf32, #tpu.memory_space<hbm>>
      tpu.enqueue_dma source(%arg10 : memref<632x32xf32, #tpu.memory_space<vmem>>) target(%dma_start3A_23 : memref<632x32xf32, #tpu.memory_space<hbm>>) target_semaphore(%run_scoped3A : memref<!tpu.dma_semaphore, #tpu.memory_space<semaphore_mem>>)
      %dma_wait3A = arith.constant 0 : i32
      %dma_wait3A_24 = tpu.memref_slice %arg6[%arg0, %mul3A_18, %dma_wait3A] : memref<2x10112x32xf32, #tpu.memory_space<hbm>> -> memref<1x632x32xf32, #tpu.memory_space<hbm>>
      %dma_wait3A_25 = tpu.memref_squeeze %dma_wait3A_24 : memref<1x632x32xf32, #tpu.memory_space<hbm>> -> memref<632x32xf32, #tpu.memory_space<hbm>>
      %dma_wait3A_26 = arith.constant 0 : i32
      %dma_wait3A_27 = tpu.memref_slice %arg6[%arg0, %mul3A_18, %dma_wait3A_26] : memref<2x10112x32xf32, #tpu.memory_space<hbm>> -> memref<1x632x32xf32, #tpu.memory_space<hbm>>
      %dma_wait3A_28 = tpu.memref_squeeze %dma_wait3A_27 : memref<1x632x32xf32, #tpu.memory_space<hbm>> -> memref<632x32xf32, #tpu.memory_space<hbm>>
      tpu.wait_dma2 semaphore(%run_scoped3A : memref<!tpu.dma_semaphore, #tpu.memory_space<semaphore_mem>>) src(%arg10 : memref<632x32xf32, #tpu.memory_space<vmem>>) dst(%dma_wait3A_28 : memref<632x32xf32, #tpu.memory_space<hbm>>)
      tpu.yield
    }) : () -> ()
    return
  }
}

module attributes {stable_mosaic.version = 14 : i64} {
  func.func @_proj_body(%arg0: i32, %arg1: memref<400x128xf32, #tpu.memory_space<vmem>>, %arg2: memref<128x128xf32, #tpu.memory_space<vmem>>, %arg3: memref<128x256xf32, #tpu.memory_space<vmem>>, %arg4: memref<128x32xf32, #tpu.memory_space<vmem>>, %arg5: memref<400x256xf32, #tpu.memory_space<vmem>>, %arg6: memref<400x32xf32, #tpu.memory_space<vmem>>) attributes {dimension_semantics = [#tpu.dimension_semantics<arbitrary>], iteration_bounds = array<i64: 25>, scalar_prefetch = 0 : i64, scratch_operands = 0 : i64, tpu.core_type = #tpu.core_type<tc>, window_params = [{transform_indices = @transform_0, window_bounds = array<i64: 400, 128>}, {pipeline_mode = #tpu.pipeline_mode<synchronous>, transform_indices = @transform_1, window_bounds = array<i64: 128, 128>}, {pipeline_mode = #tpu.pipeline_mode<synchronous>, transform_indices = @transform_2, window_bounds = array<i64: 128, 256>}, {pipeline_mode = #tpu.pipeline_mode<synchronous>, transform_indices = @transform_3, window_bounds = array<i64: 128, 32>}, {transform_indices = @transform_4, window_bounds = array<i64: 400, 256>}, {transform_indices = @transform_5, window_bounds = array<i64: 400, 32>}]} {
    %get3A = arith.constant 0 : index
    %get3A_0 = arith.constant 0 : index
    %get3A_1 = vector.load %arg1[%get3A, %get3A_0] : memref<400x128xf32, #tpu.memory_space<vmem>>, vector<400x128xf32>
    %get3A_2 = arith.constant 0 : index
    %get3A_3 = arith.constant 0 : index
    %get3A_4 = vector.load %arg2[%get3A_2, %get3A_3] : memref<128x128xf32, #tpu.memory_space<vmem>>, vector<128x128xf32>
    %dot_general3A = arith.constant dense<0.000000e+00> : vector<400x128xf32>
    %dot_general3A_5 = tpu.matmul %get3A_1, %get3A_4, %dot_general3A {dimension_numbers = #tpu.dot_dimension_numbers<[1], [0], [0], [1], [0, 0, 1, 1], [], []>, precision = #tpu.contract_precision<fp32>, transpose_lhs_hint = false} : vector<400x128xf32>, vector<128x128xf32>, vector<400x128xf32> -> vector<400x128xf32>
    %get3A_6 = arith.constant 0 : index
    %get3A_7 = arith.constant 0 : index
    %get3A_8 = vector.load %arg3[%get3A_6, %get3A_7] : memref<128x256xf32, #tpu.memory_space<vmem>>, vector<128x256xf32>
    %dot_general3A_9 = arith.constant dense<0.000000e+00> : vector<400x256xf32>
    %dot_general3A_10 = tpu.matmul %dot_general3A_5, %get3A_8, %dot_general3A_9 {dimension_numbers = #tpu.dot_dimension_numbers<[1], [0], [0], [1], [0, 0, 1, 1], [], []>, precision = #tpu.contract_precision<fp32>, transpose_lhs_hint = false} : vector<400x128xf32>, vector<128x256xf32>, vector<400x256xf32> -> vector<400x256xf32>
    %swap3A = arith.constant 0 : index
    %swap3A_11 = arith.constant 0 : index
    %swap3A_12 = vector.load %arg5[%swap3A, %swap3A_11] : memref<400x256xf32, #tpu.memory_space<vmem>>, vector<400x256xf32>
    tpu.vector_store %arg5[%swap3A, %swap3A_11], %dot_general3A_10 {strides = array<i32>} : memref<400x256xf32, #tpu.memory_space<vmem>>, vector<400x256xf32>,
    %get3A_13 = arith.constant 0 : index
    %get3A_14 = arith.constant 0 : index
    %get3A_15 = vector.load %arg4[%get3A_13, %get3A_14] : memref<128x32xf32, #tpu.memory_space<vmem>>, vector<128x32xf32>
    %dot_general3A_16 = arith.constant dense<0.000000e+00> : vector<400x32xf32>
    %dot_general3A_17 = tpu.matmul %get3A_1, %get3A_15, %dot_general3A_16 {dimension_numbers = #tpu.dot_dimension_numbers<[1], [0], [0], [1], [0, 0, 1, 1], [], []>, precision = #tpu.contract_precision<fp32>, transpose_lhs_hint = false} : vector<400x128xf32>, vector<128x32xf32>, vector<400x32xf32> -> vector<400x32xf32>
    %swap3A_18 = arith.constant 0 : index
    %swap3A_19 = arith.constant 0 : index
    %swap3A_20 = vector.load %arg6[%swap3A_18, %swap3A_19] : memref<400x32xf32, #tpu.memory_space<vmem>>, vector<400x32xf32>
    tpu.vector_store %arg6[%swap3A_18, %swap3A_19], %dot_general3A_17 {strides = array<i32>} : memref<400x32xf32, #tpu.memory_space<vmem>>, vector<400x32xf32>,
    return
  }
  func.func @transform_0(%arg0: i32) -> (i32, i32) {
    %c0_i32 = arith.constant 0 : i32
    %c0_i32_0 = arith.constant 0 : i32
    return %arg0, %c0_i32 : i32, i32
  }
  func.func @transform_1(%arg0: i32) -> (i32, i32) {
    %c0_i32 = arith.constant 0 : i32
    %c0_i32_0 = arith.constant 0 : i32
    %c0_i32_1 = arith.constant 0 : i32
    return %c0_i32, %c0_i32_0 : i32, i32
  }
  func.func @transform_2(%arg0: i32) -> (i32, i32) {
    %c0_i32 = arith.constant 0 : i32
    %c0_i32_0 = arith.constant 0 : i32
    %c0_i32_1 = arith.constant 0 : i32
    return %c0_i32, %c0_i32_0 : i32, i32
  }
  func.func @transform_3(%arg0: i32) -> (i32, i32) {
    %c0_i32 = arith.constant 0 : i32
    %c0_i32_0 = arith.constant 0 : i32
    %c0_i32_1 = arith.constant 0 : i32
    return %c0_i32, %c0_i32_0 : i32, i32
  }
  func.func @transform_4(%arg0: i32) -> (i32, i32) {
    %c0_i32 = arith.constant 0 : i32
    %c0_i32_0 = arith.constant 0 : i32
    return %arg0, %c0_i32 : i32, i32
  }
  func.func @transform_5(%arg0: i32) -> (i32, i32) {
    %c0_i32 = arith.constant 0 : i32
    %c0_i32_0 = arith.constant 0 : i32
    return %arg0, %c0_i32 : i32, i32
  }
}

module attributes {stable_mosaic.version = 14 : i64} {
  func.func @_gidx_body(%arg0: memref<2560x128xi32, #tpu.memory_space<vmem>>, %arg1: memref<2560x128xi32, #tpu.memory_space<vmem>>, %arg2: memref<2560x128xi32, #tpu.memory_space<vmem>>) attributes {dimension_semantics = [], scalar_prefetch = 0 : i64, scratch_operands = 0 : i64, tpu.core_type = #tpu.core_type<tc>} {
    %get3A = arith.constant 0 : index
    %get3A_0 = arith.constant 0 : index
    %get3A_1 = vector.load %arg0[%get3A, %get3A_0] : memref<2560x128xi32, #tpu.memory_space<vmem>>, vector<2560x128xi32>
    %mul3A = arith.constant 8 : i32
    %mul3A_2 = vector.broadcast %mul3A : i32 to vector<2560x128xi32>
    %mul3A_3 = arith.muli %get3A_1, %mul3A_2 : vector<2560x128xi32>
    %get3A_4 = arith.constant 0 : index
    %get3A_5 = arith.constant 0 : index
    %get3A_6 = vector.load %arg1[%get3A_4, %get3A_5] : memref<2560x128xi32, #tpu.memory_space<vmem>>, vector<2560x128xi32>
    %add3A = arith.addi %mul3A_3, %get3A_6 : vector<2560x128xi32>
    %swap3A = arith.constant 0 : index
    %swap3A_7 = arith.constant 0 : index
    %swap3A_8 = vector.load %arg2[%swap3A, %swap3A_7] : memref<2560x128xi32, #tpu.memory_space<vmem>>, vector<2560x128xi32>
    tpu.vector_store %arg2[%swap3A, %swap3A_7], %add3A {strides = array<i32>} : memref<2560x128xi32, #tpu.memory_space<vmem>>, vector<2560x128xi32>,
    return
  }
}

module attributes {stable_mosaic.version = 14 : i64} {
  func.func @_layer2_body(%arg0: i32, %arg1: memref<400x32xf32, #tpu.memory_space<vmem>>, %arg2: memref<400x32xf32, #tpu.memory_space<vmem>>, %arg3: memref<400x32xf32, #tpu.memory_space<vmem>>, %arg4: memref<32x128xf32, #tpu.memory_space<vmem>>, %arg5: memref<128x256xf32, #tpu.memory_space<vmem>>, %arg6: memref<32x32xf32, #tpu.memory_space<vmem>>, %arg7: memref<400x32xf32, #tpu.memory_space<vmem>>, %arg8: memref<400x256xf32, #tpu.memory_space<vmem>>, %arg9: memref<400x32xf32, #tpu.memory_space<vmem>>) attributes {dimension_semantics = [#tpu.dimension_semantics<arbitrary>], iteration_bounds = array<i64: 25>, scalar_prefetch = 0 : i64, scratch_operands = 0 : i64, tpu.core_type = #tpu.core_type<tc>, window_params = [{transform_indices = @transform_0, window_bounds = array<i64: 400, 32>}, {transform_indices = @transform_1, window_bounds = array<i64: 400, 32>}, {transform_indices = @transform_2, window_bounds = array<i64: 400, 32>}, {pipeline_mode = #tpu.pipeline_mode<synchronous>, transform_indices = @transform_3, window_bounds = array<i64: 32, 128>}, {pipeline_mode = #tpu.pipeline_mode<synchronous>, transform_indices = @transform_4, window_bounds = array<i64: 128, 256>}, {pipeline_mode = #tpu.pipeline_mode<synchronous>, transform_indices = @transform_5, window_bounds = array<i64: 32, 32>}, {transform_indices = @transform_6, window_bounds = array<i64: 400, 32>}, {transform_indices = @transform_7, window_bounds = array<i64: 400, 256>}, {transform_indices = @transform_8, window_bounds = array<i64: 400, 32>}]} {
    %get3A = arith.constant 0 : index
    %get3A_0 = arith.constant 0 : index
    %get3A_1 = vector.load %arg1[%get3A, %get3A_0] : memref<400x32xf32, #tpu.memory_space<vmem>>, vector<400x32xf32>
    %get3A_2 = arith.constant 0 : index
    %get3A_3 = arith.constant 0 : index
    %get3A_4 = vector.load %arg2[%get3A_2, %get3A_3] : memref<400x32xf32, #tpu.memory_space<vmem>>, vector<400x32xf32>
    %add3A = arith.addf %get3A_1, %get3A_4 : vector<400x32xf32>
    %get3A_5 = arith.constant 0 : index
    %get3A_6 = arith.constant 0 : index
    %get3A_7 = vector.load %arg3[%get3A_5, %get3A_6] : memref<400x32xf32, #tpu.memory_space<vmem>>, vector<400x32xf32>
    %add3A_8 = arith.addf %add3A, %get3A_7 : vector<400x32xf32>
    %max3A = arith.constant 0.000000e+00 : f32
    %max3A_9 = vector.broadcast %max3A : f32 to vector<400x32xf32>
    %max3A_10 = arith.maximumf %add3A_8, %max3A_9 : vector<400x32xf32>
    %swap3A = arith.constant 0 : index
    %swap3A_11 = arith.constant 0 : index
    %swap3A_12 = vector.load %arg7[%swap3A, %swap3A_11] : memref<400x32xf32, #tpu.memory_space<vmem>>, vector<400x32xf32>
    tpu.vector_store %arg7[%swap3A, %swap3A_11], %max3A_10 {strides = array<i32>} : memref<400x32xf32, #tpu.memory_space<vmem>>, vector<400x32xf32>,
    %get3A_13 = arith.constant 0 : index
    %get3A_14 = arith.constant 0 : index
    %get3A_15 = vector.load %arg4[%get3A_13, %get3A_14] : memref<32x128xf32, #tpu.memory_space<vmem>>, vector<32x128xf32>
    %dot_general3A = arith.constant dense<0.000000e+00> : vector<400x128xf32>
    %dot_general3A_16 = tpu.matmul %max3A_10, %get3A_15, %dot_general3A {dimension_numbers = #tpu.dot_dimension_numbers<[1], [0], [0], [1], [0, 0, 1, 1], [], []>, precision = #tpu.contract_precision<fp32>, transpose_lhs_hint = false} : vector<400x32xf32>, vector<32x128xf32>, vector<400x128xf32> -> vector<400x128xf32>
    %get3A_17 = arith.constant 0 : index
    %get3A_18 = arith.constant 0 : index
    %get3A_19 = vector.load %arg5[%get3A_17, %get3A_18] : memref<128x256xf32, #tpu.memory_space<vmem>>, vector<128x256xf32>
    %dot_general3A_20 = arith.constant dense<0.000000e+00> : vector<400x256xf32>
    %dot_general3A_21 = tpu.matmul %dot_general3A_16, %get3A_19, %dot_general3A_20 {dimension_numbers = #tpu.dot_dimension_numbers<[1], [0], [0], [1], [0, 0, 1, 1], [], []>, precision = #tpu.contract_precision<fp32>, transpose_lhs_hint = false} : vector<400x128xf32>, vector<128x256xf32>, vector<400x256xf32> -> vector<400x256xf32>
    %swap3A_22 = arith.constant 0 : index
    %swap3A_23 = arith.constant 0 : index
    %swap3A_24 = vector.load %arg8[%swap3A_22, %swap3A_23] : memref<400x256xf32, #tpu.memory_space<vmem>>, vector<400x256xf32>
    tpu.vector_store %arg8[%swap3A_22, %swap3A_23], %dot_general3A_21 {strides = array<i32>} : memref<400x256xf32, #tpu.memory_space<vmem>>, vector<400x256xf32>,
    %get3A_25 = arith.constant 0 : index
    %get3A_26 = arith.constant 0 : index
    %get3A_27 = vector.load %arg6[%get3A_25, %get3A_26] : memref<32x32xf32, #tpu.memory_space<vmem>>, vector<32x32xf32>
    %dot_general3A_28 = arith.constant dense<0.000000e+00> : vector<400x32xf32>
    %dot_general3A_29 = tpu.matmul %max3A_10, %get3A_27, %dot_general3A_28 {dimension_numbers = #tpu.dot_dimension_numbers<[1], [0], [0], [1], [0, 0, 1, 1], [], []>, precision = #tpu.contract_precision<fp32>, transpose_lhs_hint = false} : vector<400x32xf32>, vector<32x32xf32>, vector<400x32xf32> -> vector<400x32xf32>
    %swap3A_30 = arith.constant 0 : index
    %swap3A_31 = arith.constant 0 : index
    %swap3A_32 = vector.load %arg9[%swap3A_30, %swap3A_31] : memref<400x32xf32, #tpu.memory_space<vmem>>, vector<400x32xf32>
    tpu.vector_store %arg9[%swap3A_30, %swap3A_31], %dot_general3A_29 {strides = array<i32>} : memref<400x32xf32, #tpu.memory_space<vmem>>, vector<400x32xf32>,
    return
  }
  func.func @transform_0(%arg0: i32) -> (i32, i32) {
    %c0_i32 = arith.constant 0 : i32
    %c0_i32_0 = arith.constant 0 : i32
    return %arg0, %c0_i32 : i32, i32
  }
  func.func @transform_1(%arg0: i32) -> (i32, i32) {
    %c0_i32 = arith.constant 0 : i32
    %c0_i32_0 = arith.constant 0 : i32
    return %arg0, %c0_i32 : i32, i32
  }
  func.func @transform_2(%arg0: i32) -> (i32, i32) {
    %c0_i32 = arith.constant 0 : i32
    %c0_i32_0 = arith.constant 0 : i32
    return %arg0, %c0_i32 : i32, i32
  }
  func.func @transform_3(%arg0: i32) -> (i32, i32) {
    %c0_i32 = arith.constant 0 : i32
    %c0_i32_0 = arith.constant 0 : i32
    %c0_i32_1 = arith.constant 0 : i32
    return %c0_i32, %c0_i32_0 : i32, i32
  }
  func.func @transform_4(%arg0: i32) -> (i32, i32) {
    %c0_i32 = arith.constant 0 : i32
    %c0_i32_0 = arith.constant 0 : i32
    %c0_i32_1 = arith.constant 0 : i32
    return %c0_i32, %c0_i32_0 : i32, i32
  }
  func.func @transform_5(%arg0: i32) -> (i32, i32) {
    %c0_i32 = arith.constant 0 : i32
    %c0_i32_0 = arith.constant 0 : i32
    %c0_i32_1 = arith.constant 0 : i32
    return %c0_i32, %c0_i32_0 : i32, i32
  }
  func.func @transform_6(%arg0: i32) -> (i32, i32) {
    %c0_i32 = arith.constant 0 : i32
    %c0_i32_0 = arith.constant 0 : i32
    return %arg0, %c0_i32 : i32, i32
  }
  func.func @transform_7(%arg0: i32) -> (i32, i32) {
    %c0_i32 = arith.constant 0 : i32
    %c0_i32_0 = arith.constant 0 : i32
    return %arg0, %c0_i32 : i32, i32
  }
  func.func @transform_8(%arg0: i32) -> (i32, i32) {
    %c0_i32 = arith.constant 0 : i32
    %c0_i32_0 = arith.constant 0 : i32
    return %arg0, %c0_i32 : i32, i32
  }
}

module attributes {stable_mosaic.version = 14 : i64} {
  func.func @_final_body(%arg0: i32, %arg1: memref<400x32xf32, #tpu.memory_space<vmem>>, %arg2: memref<400x32xf32, #tpu.memory_space<vmem>>, %arg3: memref<400x32xf32, #tpu.memory_space<vmem>>, %arg4: memref<400x32xf32, #tpu.memory_space<vmem>>, %arg5: memref<400x64xf32, #tpu.memory_space<vmem>>) attributes {dimension_semantics = [#tpu.dimension_semantics<arbitrary>], iteration_bounds = array<i64: 25>, scalar_prefetch = 0 : i64, scratch_operands = 0 : i64, tpu.core_type = #tpu.core_type<tc>, window_params = [{transform_indices = @transform_0, window_bounds = array<i64: 400, 32>}, {transform_indices = @transform_1, window_bounds = array<i64: 400, 32>}, {transform_indices = @transform_2, window_bounds = array<i64: 400, 32>}, {transform_indices = @transform_3, window_bounds = array<i64: 400, 32>}, {transform_indices = @transform_4, window_bounds = array<i64: 400, 64>}]} {
    %get3A = arith.constant 0 : index
    %get3A_0 = arith.constant 0 : index
    %get3A_1 = vector.load %arg1[%get3A, %get3A_0] : memref<400x32xf32, #tpu.memory_space<vmem>>, vector<400x32xf32>
    %get3A_2 = arith.constant 0 : index
    %get3A_3 = arith.constant 0 : index
    %get3A_4 = vector.load %arg2[%get3A_2, %get3A_3] : memref<400x32xf32, #tpu.memory_space<vmem>>, vector<400x32xf32>
    %add3A = arith.addf %get3A_1, %get3A_4 : vector<400x32xf32>
    %get3A_5 = arith.constant 0 : index
    %get3A_6 = arith.constant 0 : index
    %get3A_7 = vector.load %arg3[%get3A_5, %get3A_6] : memref<400x32xf32, #tpu.memory_space<vmem>>, vector<400x32xf32>
    %add3A_8 = arith.addf %add3A, %get3A_7 : vector<400x32xf32>
    %max3A = arith.constant 0.000000e+00 : f32
    %max3A_9 = vector.broadcast %max3A : f32 to vector<400x32xf32>
    %max3A_10 = arith.maximumf %add3A_8, %max3A_9 : vector<400x32xf32>
    %get3A_11 = arith.constant 0 : index
    %get3A_12 = arith.constant 0 : index
    %get3A_13 = vector.load %arg4[%get3A_11, %get3A_12] : memref<400x32xf32, #tpu.memory_space<vmem>>, vector<400x32xf32>
    %concatenate3A = tpu.concatenate %get3A_13, %max3A_10 in 1 : vector<400x32xf32>, vector<400x32xf32> -> vector<400x64xf32>
    %swap3A = arith.constant 0 : index
    %swap3A_14 = arith.constant 0 : index
    %swap3A_15 = vector.load %arg5[%swap3A, %swap3A_14] : memref<400x64xf32, #tpu.memory_space<vmem>>, vector<400x64xf32>
    tpu.vector_store %arg5[%swap3A, %swap3A_14], %concatenate3A {strides = array<i32>} : memref<400x64xf32, #tpu.memory_space<vmem>>, vector<400x64xf32>,
    return
  }
  func.func @transform_0(%arg0: i32) -> (i32, i32) {
    %c0_i32 = arith.constant 0 : i32
    %c0_i32_0 = arith.constant 0 : i32
    return %arg0, %c0_i32 : i32, i32
  }
  func.func @transform_1(%arg0: i32) -> (i32, i32) {
    %c0_i32 = arith.constant 0 : i32
    %c0_i32_0 = arith.constant 0 : i32
    return %arg0, %c0_i32 : i32, i32
  }
  func.func @transform_2(%arg0: i32) -> (i32, i32) {
    %c0_i32 = arith.constant 0 : i32
    %c0_i32_0 = arith.constant 0 : i32
    return %arg0, %c0_i32 : i32, i32
  }
  func.func @transform_3(%arg0: i32) -> (i32, i32) {
    %c0_i32 = arith.constant 0 : i32
    %c0_i32_0 = arith.constant 0 : i32
    return %arg0, %c0_i32 : i32, i32
  }
  func.func @transform_4(%arg0: i32) -> (i32, i32) {
    %c0_i32 = arith.constant 0 : i32
    %c0_i32_0 = arith.constant 0 : i32
    return %arg0, %c0_i32 : i32, i32
  }
}

</mosaic_0001>

<sc_bundles>
// kernel: kernel.11.cloned.1.call-start
scs
__scs_entry_jumppad:
0x0: {  	(pc) =	sbr.rel $0x88, $3  }
0x1: {  	(tag) =	ssettag $0x0;
	lr =	simm.s32 $0x1  }
0x2: {  	[smem:$0x3F98] =	sst lr;
	_ =	strace $0xD0000000  }
0x3: {  	_ = 	snop  }
0x4: {  	_ = 	snop  }
0x5: {  	_ = 	snop  }
0x6: {  	_ = 	snop  }
0x7: {  	_ = 	snop  }
__scs_overlays_trampoline_lowered:
0x8: {  	[smem:$0x3FA7] =	sst s0  }
0x9: {  	[smem:$0x3FA8] =	sst s1  }
0xa: {  	[smem:$0x3FA9] =	sst s2  }
0xb: {  	[smem:$0x3FAA] =	sst s3  }
0xc: {  	[smem:$0x3FAB] =	sst s4  }
0xd: {  	[smem:$0x3FAC] =	sst s5  }
0xe: {  	[smem:$0x3FAD] =	sst s6  }
0xf: {  	[smem:$0x3FAE] =	sst s7  }
0x10: {  	[smem:$0x3FAF] =	sst s8  }
0x11: {  	[smem:$0x3FB0] =	sst s9;
	s0 =	simm.s32 @!p0 $0x0  }
0x12: {  	s1 =	sld [smem:$0x3F96];
	s0 =	simm.s32 @p0 $0x1  }
0x13: {  	[smem:$0x3FB1] =	sst s0;
	s0 =	simm.s32 @!p1 $0x0  }
0x14: {  	s2 =	sld [smem:$0x3F95];
	s0 =	simm.s32 @p1 $0x1  }
0x15: {  	[smem:$0x3FB2] =	sst s0;
	s0 =	simm.s32 @!p2 $0x0  }
0x16: {  	s3 =	sld [smem:$0x3FDB];
	s0 =	simm.s32 @p2 $0x1  }
0x17: {  	s4 =	simm.s32 $0x1BF5;
	[smem:$0x3FB4] =	sst s0  }
0x18: {  	s0 =	sld [smem:$0x3F97];
	_ =	swait.ge [sflag:s4], $0x0  }
0x19: {  	s7 =	sld [smem:$0x3F98]  }
0x1a: {  	s8 =	sadd.s32 $0xFFFFE003, lr  }
0x1b: {  	s9 =	sadd.s32 $0xFFFFFEF7, lr;
	s5 =	simm.s32 $0xFFFFFFFF;
	p2 =	slt.u32 s8, $0xFFFFF086  }
0x1c: {  	p1 =	slt.u32 s9, $0xF7A;
	s5 =	simm.s32 @!p2 $0x0  }
0x1d: {  	s5 =	simm.s32 @p1 $0x1;
	p0 =	seq.s32 s7, s2  }
0x1e: {  	s7 =	smul.u32 @!p0 $0xF7A, s2;
	p2 =	seq.s32 @!p0 s5, $0x0  }
0x1f: {  	s9 =	smul.u32 $0xF7A, s1;
	s8 =	simm.s32 @!p0 $0x1BF5;
	p2 =	por !p2, p0  }
0x20: {  	[sflag:s8] =	ssyncset.s32 @!p0 $0xFFFFF086;
	s6 =	sadd.s32 @!p0 s3, s7;
	s7 =	simm.s32 @!p0 $0x108  }
0x21: {  	s3 =	sadd.s32 s3, s9;
	s6 =	sadd.s32 @!p0 $0x88, s6;
	s7 =	simm.s32 @p2 $0x1082  }
0x22: {  	[simem:s7], [sflag:s8] =	dma.local @!p0 [hbm:s6], $0xF7A  }
0x23: {  	s9 =	sor.u32 $0xD0000000, s2;
	s6 =	simm.s32 $0x108;
	_ =	swait.ge @!p0 [sflag:s8], $0x0  }
0x24: {  	s3 =	sadd.s32 $0x88, s3;
	s6 =	simm.s32 @!p1 $0x1082;
	[sflag:s4] =	ssyncset.s32 $0xFFFFF086  }
0x25: {  	[simem:s6], [sflag:s4] =	dma.local [hbm:s3], $0xF7A  }
0x26: {  	[smem:$0x3F98] =	sst s1;
	(tag) =	ssettag s2;
	_ =	strace s9  }
0x27: {  	s1 =	sld [smem:$0x3FA8]  }
0x28: {  	s2 =	sld [smem:$0x3FA9]  }
0x29: {  	s4 =	sld [smem:$0x3FAB]  }
0x2a: {  	p0 =	seq.s32 s5, $0x0;
	s5 =	sld [smem:$0x3FAC]  }
0x2b: {  	s6 =	sld [smem:$0x3FAD]  }
0x2c: {  	s7 =	sld [smem:$0x3FAE]  }
0x2d: {  	s3 =	simm.s32 $0x108;
	s8 =	sld [smem:$0x3FAF]  }
0x2e: {  	s3 =	simm.s32 @!p0 $0x1082;
	s9 =	sld [smem:$0x3FB0]  }
0x2f: {  	lr =	sadd.s32 s0, s3;
	s0 =	sld [smem:$0x3FA7]  }
0x30: {  	s3 =	sld [smem:$0x3FAA]  }
0x31: {  	[smem:$0x3FB3] =	sst s10  }
0x32: {  	s10 =	sld [smem:$0x3FB1];
	_ =	sdelay $0x3  }
0x33: {  	p0 =	seq.s32 s10, $0x1;
	s10 =	sld [smem:$0x3FB3];
	_ =	sdelay $0x3  }
0x34: {  	[smem:$0x3FB3] =	sst s10  }
0x35: {  	s10 =	sld [smem:$0x3FB2];
	_ =	sdelay $0x3  }
0x36: {  	p1 =	seq.s32 s10, $0x1;
	s10 =	sld [smem:$0x3FB3];
	_ =	sdelay $0x3  }
0x37: {  	[smem:$0x3FB3] =	sst s10  }
0x38: {  	s10 =	sld [smem:$0x3FB4]  }
0x39: {  	_ = 	snop;
	(pc) =	sbr.ind lr, $3  }
0x3a: {  	_ = 	snop  }
0x3b: {  	_ = 	snop  }
0x3c: {  	p2 =	seq.s32 s10, $0x1;
	s10 =	sld [smem:$0x3FB3]  }
0x3d: {  	_ =	shalt  }
0x3e: {  	_ =	shalt  }
0x3f: {  	_ =	shalt  }
0x40: {  	_ =	shalt  }
0x41: {  	_ =	shalt  }
0x42: {  	_ =	shalt  }
0x43: {  	_ =	shalt  }
0x44: {  	_ =	shalt  }
0x45: {  	_ =	shalt  }
0x46: {  	_ =	shalt  }
0x47: {  	_ =	shalt  }
0x48: {  	_ =	shalt  }
0x49: {  	_ =	shalt  }
0x4a: {  	_ =	shalt  }
0x4b: {  	_ =	shalt  }
0x4c: {  	_ =	shalt  }
0x4d: {  	_ =	shalt  }
0x4e: {  	_ =	shalt  }
0x4f: {  	_ =	shalt  }
0x50: {  	_ =	shalt  }
0x51: {  	_ =	shalt  }
0x52: {  	_ =	shalt  }
0x53: {  	_ =	shalt  }
0x54: {  	_ =	shalt  }
0x55: {  	_ =	shalt  }
0x56: {  	_ =	shalt  }
0x57: {  	_ =	shalt  }
0x58: {  	_ =	shalt  }
0x59: {  	_ =	shalt  }
0x5a: {  	_ =	shalt  }
0x5b: {  	_ =	shalt  }
0x5c: {  	_ =	shalt  }
0x5d: {  	_ =	shalt  }
0x5e: {  	_ =	shalt  }
0x5f: {  	_ =	shalt  }
0x60: {  	_ =	shalt  }
0x61: {  	_ =	shalt  }
0x62: {  	_ =	shalt  }
0x63: {  	_ =	shalt  }
0x64: {  	_ =	shalt  }
0x65: {  	_ =	shalt  }
0x66: {  	_ =	shalt  }
0x67: {  	_ =	shalt  }
0x68: {  	_ =	shalt  }
0x69: {  	_ =	shalt  }
0x6a: {  	_ =	shalt  }
0x6b: {  	_ =	shalt  }
0x6c: {  	_ =	shalt  }
0x6d: {  	_ =	shalt  }
0x6e: {  	_ =	shalt  }
0x6f: {  	_ =	shalt  }
0x70: {  	_ =	shalt  }
0x71: {  	_ =	shalt  }
0x72: {  	_ =	shalt  }
0x73: {  	_ =	shalt  }
0x74: {  	_ =	shalt  }
0x75: {  	_ =	shalt  }
0x76: {  	_ =	shalt  }
0x77: {  	_ =	shalt  }
0x78: {  	_ =	shalt  }
0x79: {  	_ =	shalt  }
0x7a: {  	_ =	shalt  }
0x7b: {  	_ =	shalt  }
0x7c: {  	_ =	shalt  }
0x7d: {  	_ =	shalt  }
0x7e: {  	_ =	shalt  }
0x7f: {  	_ =	shalt  }
0x80: {  	_ =	shalt  }
0x81: {  	_ =	shalt  }
0x82: {  	_ =	shalt  }
0x83: {  	_ =	shalt  }
0x84: {  	_ =	shalt  }
0x85: {  	_ =	shalt  }
0x86: {  	_ =	shalt  }
0x87: {  	_ =	shalt  }
.Lfunc_end0:
.L_simem_size_0:
called_computation.1_lowered:
.L_overlay_start_0:
0x88: {  	s2 =	sld [smem:$0x3FD9]  }
0x89: {  	s3 =	sld [smem:$0x3FFE];
	_ =	sdelay $0x1  }
0x8a: {  	s1 =	srdreg.scid  }
0x8b: {  	s0 =	sand.u32 $0x1, s1  }
0x8c: {  	s17 =	sshll.u32 s0, $0xA;
	s2 =	sadd.s32 s3, s2  }
0x8d: {  	s2 =	sadd.s32 s2, s17  }
0x8e: {  	[smem:$0x3FBF] =	sst s2  }
0x8f: {  	_ = 	snop  }
0x90: {  	s2 =	sld [smem:$0x3FD0];
	(tm) =	ssettm $0x1  }
0x91: {  	s18 =	sld [smem:$0x3FFB];
	_ =	sdelay $0x3  }
0x92: {  	_ =	strace s18  }
0x93: {  	s3 =	sld [smem:$0x3FFC];
	_ =	sdelay $0x3  }
0x94: {  	_ =	strace s3  }
0x95: {  	s3 =	sld [smem:$0x3FFD];
	_ =	sdelay $0x3  }
0x96: {  	_ =	strace s3  }
0x97: {  	_ =	strace $0x8FFFFFFF  }
0x98: {  	s19 =	sld [smem:$0x3FDB];
	_ =	sdelay $0x1  }
0x99: {  	s4 =	simm.s32 $_scs_section_size  }
0x9a: {  	s5 =	simm.s32 $_size__tile_overlayer_lowered;
	s6 =	simm.s32 $_tile_overlayer_lowered  }
0x9b: {  	s22 =	simm.s32 $0x1BFF;
	s21 =	sshll.u32 s6, $0x1;
	s3 =	sadd.s32 s4, s19  }
0x9c: {  	s7 =	simm.s32 $0x0;
	s20 =	sshll.u32 s5, $0x1;
	s5 =	sadd.s32 s21, s3  }
0x9d: {  	[timem:s7], [sflag:s22] =	dma.local [hbm:s5], s20  }
0x9e: {  	_ =	swait.ge [sflag:s22], s20  }
0x9f: {  	s4 =	ssub.s32 $0x0, s20;
	[sflag:s22] =	ssyncset.done $0x0  }
0xa0: {  	[sflag:s22] =	ssyncadd.s32 s4;
	_ =	sdelay $0x1  }
0xa1: {  	s23 =	simm.s32 $0x1B8B  }
0xa2: {  	_ =	swait.ge [sflag:s23], $0x1  }
0xa3: {  	[sflag:s23] =	ssyncset.done $0x0  }
0xa4: {  	s25 =	simm.s32 $0x1B8E;
	s24 =	sld [smem:$0x3FFE];
	[sflag:s23] =	ssyncadd.s32 $0xFFFFFFFF  }
0xa5: {  	s26 =	simm.s32 $execute0_lowered;
	[smem:$0x3FD2] =	sst s25  }
0xa6: {  	s5 =	sshll.u32 s26, $0x1;
	_ =	strace $0x80000049;
	[dreg:$0x1] =	wrdreg $0xFFFFFFFF  }
0xa7: {  	s28 =	simm.s32 $_size_execute0_lowered;
	s3 =	sadd.s32 s3, s5;
	[dreg:$0x0] =	wrdreg $0x0  }
0xa8: {  	s5 =	sshll.u32 s28, $0x1;
	[dreg:$0x2] =	wrdreg s3  }
0xa9: {  	[dreg:$0x3] =	wrdreg s5  }
0xaa: {  	[dreg:$0x4] =	wrdreg $0xC0  }
0xab: {  	_ =	task [dreg:s7], $0x5FFFF  }
0xac: {  	[dreg:$0x1] =	wrdreg $0xFFFFFFFF  }
0xad: {  	[dreg:$0x0] =	wrdreg $0x60  }
0xae: {  	[dreg:$0x2] =	wrdreg s24  }
0xaf: {  	[dreg:$0x3] =	wrdreg s2  }
0xb0: {  	[dreg:$0x4] =	wrdreg $0x13F000  }
0xb1: {  	[dreg:$0x5] =	wrdreg $0x9  }
0xb2: {  	_ =	task.clear_ibuf [dreg:s7], $0x6FFFF;
	_ =	strace $0x90000049  }
0xb3: {  	s29 =	simm.s32 $0x9;
	_ =	strace $0x8000004B  }
0xb4: {  	_ =	swait.ge [sflag:s29], $0x1  }
0xb5: {  	[sflag:s29] =	ssyncadd.s32 $0xFFFFFFFF  }
0xb6: {  	_ =	strace $0x9000004B  }
0xb7: {  	_ =	sfence  }
0xb8: {  	s30 =	sld [smem:$0x0];
	_ =	sdelay $0x2  }
0xb9: {  	s31 =	sshll.u32 s1, $0xD;
	s1 =	sshrl.u32 s1, $0x2  }
0xba: {  	s3 =	sand.u32 $0x4000, s31;
	s1 =	sadd.s32 s1, s30  }
0xbb: {  	s0 =	sor.u32 s3, s0;
	s1 =	sshll.u32 s1, $0x11  }
0xbc: {  	s0 =	sor.u32 s1, s0  }
0xbd: {  	s0 =	sadd.s32 $0x8F2B, s0  }
0xbe: {  	[sflag:s0] =	ssyncadd.remote.s32 $0x1  }
0xbf: {  	_ =	sfence.sel $0xFFFF  }
0xc0: {  	[dreg:$0x0] =	wrdreg $0xFFFFFFFF;
	(pc) =	sbr.abs _section_cstart, $3  }
0xc1: {  	[dreg:$0x1] =	wrdreg $0xFFFFFFFF  }
0xc2: {  	_ =	task.clear_ibuf [dreg:s7], $0x2FFFF;
	_ =	strace $0x9FFFFFFF  }
0xc3: {  	(tm) =	ssettm $0x7FFFFFFF  }
tec
execute0_lowered:
.L_overlay_start_1:
0x0: {  	(tag) =	ssettag $0x1  }
0x1: {  	s1 =	rddreg [dreg:$0x0]  }
0x2: {  	s9 =	rddreg [dreg:$0x1]  }
0x3: {  	s3 =	srdreg.scid;
	s0 =	stileid.u32  }
0x4: {  	s2 =	rddreg [dreg:$0x2];
	s12 =	simm.s32 $0x3;
	s13 =	simm.s32 $0x2800  }
0x5: {  	s14 =	simm.s32 $0x80;
	s15 =	simm.s32 $0x5000;
	s16 =	simm.s32 $0x6000  }
0x6: {  	s17 =	simm.s32 $0x7000;
	s18 =	simm.s32 $0x8000;
	s19 =	simm.s32 $0x9000  }
0x7: {  	s20 =	simm.s32 $0xA000;
	s21 =	simm.s32 $0xB000;
	s22 =	simm.s32 $0xC000  }
0x8: {  	s23 =	simm.s32 $0xD000;
	s24 =	simm.s32 $0xE000;
	s25 =	simm.s32 $0x1  }
0x9: {  	s26 =	simm.s32 $0x2;
	s5 =	sand.u32 $0x1, s3;
	s4 =	sshll.u32 s0, $0x1  }
0xa: {  	s3 =	simm.s32 $0x0;
	s7 =	smul.u32 $0x4F00, s0;
	s4 =	sor.u32 s5, s4  }
0xb: {  	[smem:$0x7FF] =	sst s3;
	s8 =	ssub.s32 $0x2, s5;
	s5 =	smul.u32 $0x4F000, s5  }
0xc: {  	s28 =	simm.s32 $0x0;
	s6 =	smul.u32 $0x500, s4;
	_ =	strace $0x8000004A  }
0xd: {  	s4 =	sadd.s32 $0x94C00, s1;
	s29 =	sshrl.u32 s7, $0x3;
	s11 =	sshrl.u32 s8, $0x1  }
0xe: {  	s11 =	ssub.s32 s8, s11;
	s30 =	sadd.s32 s7, s5;
	s10 =	sadd.s32 s6, s1  }
0xf: {  	s1 =	sadd.s32 s29, s1;
	s6 =	sadd.s32 s7, s2;
	s31 =	sshrl.u32 s30, $0x3  }
0x10: {  	s5 =	sadd.s32 $0x8AE00, s1;
	s7 =	sadd.s32 $0x80E00, s10;
	s8 =	sadd.s32 $0x76E00, s10  }
0x11: {  	s9 =	sadd.s32 s9, s31;
	s10 =	smax.u32 s11, $0x1;
	s11 =	simm.s32 $0xF000  }
.LBB2_1:
0x12: {  	[tilespmem:s11], [sflag:$0x3] =	stream.linear.gather [hbm4b:s5+s3], $0x4F00, $0x38;
	[tilespmem:$0x18E00] =	vst v63  }
0x13: {  	_ =	swait.ge [sflag:s12], $0x4F00  }
0x14: {  	[sflag:s12] =	ssyncset.done $0x0  }
0x15: {  	[sflag:s12] =	ssyncadd.s32 $0xFFFFB100  }
0x16: {  	[spmem:s6] =	stream.linear.scatter [tilespmem:s11], [sflag:$0x3], $0x4F00, $0x38;
	[tilespmem:$0x18E00] =	vst v63  }
0x17: {  	_ =	swait.ge [sflag:s12], $0x4F00  }
0x18: {  	[sflag:s12] =	ssyncset.done $0x0  }
0x19: {  	[sflag:s12] =	ssyncadd.s32 $0xFFFFB100  }
0x1a: {  	[tilespmem:s3], [sflag:$0x3] =	stream.linear.gather [hbm4b:s7+s3], $0x2800, $0x38;
	[tilespmem:$0x18E00] =	vst v63  }
0x1b: {  	_ =	swait.ge [sflag:s12], $0x2800  }
0x1c: {  	[sflag:s12] =	ssyncset.done $0x0  }
0x1d: {  	[sflag:s12] =	ssyncadd.s32 $0xFFFFD800  }
0x1e: {  	[tilespmem:s13], [sflag:$0x3] =	stream.linear.gather [hbm4b:s8+s3], $0x2800, $0x38;
	[tilespmem:$0x18E00] =	vst v63  }
0x1f: {  	_ =	swait.ge [sflag:s12], $0x2800  }
0x20: {  	[sflag:s12] =	ssyncset.done $0x0  }
0x21: {  	[sflag:s12] =	ssyncadd.s32 $0xFFFFD800  }
0x22: {  	s1 =	simm.s32 $0x0;
	[bflag:$0x0] =	sbarrier.arrive $0xFFFF  }
0x23: {  	[tilespmem:s15], [sflag:$0x1] =	stream.indirect.gather [hbm4b:s4+s14], $0x20, s1, s14, $0xb8;
	[tilespmem:$0x18E00] =	vst v63  }
0x24: {  	s31 =	simm.s32 $0x80  }
0x25: {  	[tilespmem:s16], [sflag:$0x1] =	stream.indirect.gather [hbm4b:s4+s14], $0x20, s31, s14, $0xb8;
	[tilespmem:$0x18E00] =	vst v63  }
0x26: {  	s31 =	simm.s32 $0x100  }
0x27: {  	[tilespmem:s17], [sflag:$0x1] =	stream.indirect.gather [hbm4b:s4+s14], $0x20, s31, s14, $0xb8;
	[tilespmem:$0x18E00] =	vst v63  }
0x28: {  	s31 =	simm.s32 $0x180  }
0x29: {  	[tilespmem:s18], [sflag:$0x1] =	stream.indirect.gather [hbm4b:s4+s14], $0x20, s31, s14, $0xb8;
	[tilespmem:$0x18E00] =	vst v63  }
0x2a: {  	s31 =	simm.s32 $0x200  }
0x2b: {  	[tilespmem:s19], [sflag:$0x1] =	stream.indirect.gather [hbm4b:s4+s14], $0x20, s31, s14, $0xb8;
	[tilespmem:$0x18E00] =	vst v63  }
0x2c: {  	s31 =	simm.s32 $0x280  }
0x2d: {  	[tilespmem:s20], [sflag:$0x1] =	stream.indirect.gather [hbm4b:s4+s14], $0x20, s31, s14, $0xb8;
	[tilespmem:$0x18E00] =	vst v63  }
0x2e: {  	s31 =	simm.s32 $0x300  }
0x2f: {  	[tilespmem:s21], [sflag:$0x1] =	stream.indirect.gather [hbm4b:s4+s14], $0x20, s31, s14, $0xb8;
	[tilespmem:$0x18E00] =	vst v63  }
0x30: {  	s31 =	simm.s32 $0x380  }
0x31: {  	[tilespmem:s22], [sflag:$0x1] =	stream.indirect.gather [hbm4b:s4+s14], $0x20, s31, s14, $0xb8;
	[tilespmem:$0x18E00] =	vst v63  }
0x32: {  	s31 =	simm.s32 $0x400  }
0x33: {  	[tilespmem:s23], [sflag:$0x1] =	stream.indirect.gather [hbm4b:s4+s14], $0x20, s31, s14, $0xb8;
	[tilespmem:$0x18E00] =	vst v63  }
0x34: {  	s31 =	simm.s32 $0x480  }
0x35: {  	[tilespmem:s24], [sflag:$0x1] =	stream.indirect.gather [hbm4b:s4+s14], $0x20, s31, s14, $0xb8;
	[tilespmem:$0x18E00] =	vst v63  }
0x36: {  	_ =	swait.ge [sflag:s25], $0x1000  }
0x37: {  	[sflag:s25] =	ssyncset.done $0x0  }
0x38: {  	s31 =	simm.s32 $0x2800;
	[sflag:s25] =	ssyncadd.s32 $0xFFFFF000  }
0x39: {  	[spmem:s2] =	stream.indirect.scatter.add.f32 [tilespmem:s15], [sflag:$0x2], $0x20, s31, s14, $0xb8;
	[tilespmem:$0x18E00] =	vst v63  }
0x3a: {  	_ =	swait.ge [sflag:s25], $0x1000  }
0x3b: {  	[sflag:s25] =	ssyncset.done $0x0  }
0x3c: {  	s31 =	simm.s32 $0x2880;
	[sflag:s25] =	ssyncadd.s32 $0xFFFFF000  }
0x3d: {  	[spmem:s2] =	stream.indirect.scatter.add.f32 [tilespmem:s16], [sflag:$0x2], $0x20, s31, s14, $0xb8;
	[tilespmem:$0x18E00] =	vst v63  }
0x3e: {  	_ =	swait.ge [sflag:s25], $0x1000  }
0x3f: {  	[sflag:s25] =	ssyncset.done $0x0  }
0x40: {  	s31 =	simm.s32 $0x2900;
	[sflag:s25] =	ssyncadd.s32 $0xFFFFF000  }
0x41: {  	[spmem:s2] =	stream.indirect.scatter.add.f32 [tilespmem:s17], [sflag:$0x2], $0x20, s31, s14, $0xb8;
	[tilespmem:$0x18E00] =	vst v63  }
0x42: {  	_ =	swait.ge [sflag:s25], $0x1000  }
0x43: {  	[sflag:s25] =	ssyncset.done $0x0  }
0x44: {  	s31 =	simm.s32 $0x2980;
	[sflag:s25] =	ssyncadd.s32 $0xFFFFF000  }
0x45: {  	[spmem:s2] =	stream.indirect.scatter.add.f32 [tilespmem:s18], [sflag:$0x2], $0x20, s31, s14, $0xb8;
	[tilespmem:$0x18E00] =	vst v63  }
0x46: {  	_ =	swait.ge [sflag:s25], $0x1000  }
0x47: {  	[sflag:s25] =	ssyncset.done $0x0  }
0x48: {  	s31 =	simm.s32 $0x2A00;
	[sflag:s25] =	ssyncadd.s32 $0xFFFFF000  }
0x49: {  	[spmem:s2] =	stream.indirect.scatter.add.f32 [tilespmem:s19], [sflag:$0x2], $0x20, s31, s14, $0xb8;
	[tilespmem:$0x18E00] =	vst v63  }
0x4a: {  	_ =	swait.ge [sflag:s25], $0x1000  }
0x4b: {  	[sflag:s25] =	ssyncset.done $0x0  }
0x4c: {  	s31 =	simm.s32 $0x2A80;
	[sflag:s25] =	ssyncadd.s32 $0xFFFFF000  }
0x4d: {  	[spmem:s2] =	stream.indirect.scatter.add.f32 [tilespmem:s20], [sflag:$0x2], $0x20, s31, s14, $0xb8;
	[tilespmem:$0x18E00] =	vst v63  }
0x4e: {  	_ =	swait.ge [sflag:s25], $0x1000  }
0x4f: {  	[sflag:s25] =	ssyncset.done $0x0  }
0x50: {  	s31 =	simm.s32 $0x2B00;
	[sflag:s25] =	ssyncadd.s32 $0xFFFFF000  }
0x51: {  	[spmem:s2] =	stream.indirect.scatter.add.f32 [tilespmem:s21], [sflag:$0x2], $0x20, s31, s14, $0xb8;
	[tilespmem:$0x18E00] =	vst v63  }
0x52: {  	_ =	swait.ge [sflag:s25], $0x1000  }
0x53: {  	[sflag:s25] =	ssyncset.done $0x0  }
0x54: {  	s31 =	simm.s32 $0x2B80;
	[sflag:s25] =	ssyncadd.s32 $0xFFFFF000  }
0x55: {  	[spmem:s2] =	stream.indirect.scatter.add.f32 [tilespmem:s22], [sflag:$0x2], $0x20, s31, s14, $0xb8;
	[tilespmem:$0x18E00] =	vst v63  }
0x56: {  	_ =	swait.ge [sflag:s25], $0x1000  }
0x57: {  	[sflag:s25] =	ssyncset.done $0x0  }
0x58: {  	s31 =	simm.s32 $0x2C00;
	[sflag:s25] =	ssyncadd.s32 $0xFFFFF000  }
0x59: {  	[spmem:s2] =	stream.indirect.scatter.add.f32 [tilespmem:s23], [sflag:$0x2], $0x20, s31, s14, $0xb8;
	[tilespmem:$0x18E00] =	vst v63  }
0x5a: {  	_ =	swait.ge [sflag:s25], $0x1000  }
0x5b: {  	[sflag:s25] =	ssyncset.done $0x0  }
0x5c: {  	s31 =	simm.s32 $0x2C80;
	[sflag:s25] =	ssyncadd.s32 $0xFFFFF000  }
0x5d: {  	[spmem:s2] =	stream.indirect.scatter.add.f32 [tilespmem:s24], [sflag:$0x2], $0x20, s31, s14, $0xb8;
	[tilespmem:$0x18E00] =	vst v63  }
0x5e: {  	_ =	swait.ge [sflag:s26], $0x1000  }
0x5f: {  	[sflag:s26] =	ssyncset.done $0x0  }
0x60: {  	[sflag:s26] =	ssyncadd.s32 $0xFFFFF000  }
0x61: {  	_ =	swait.ge [sflag:s26], $0x1000  }
0x62: {  	[sflag:s26] =	ssyncset.done $0x0  }
0x63: {  	[sflag:s26] =	ssyncadd.s32 $0xFFFFF000  }
0x64: {  	_ =	swait.ge [sflag:s26], $0x1000  }
0x65: {  	[sflag:s26] =	ssyncset.done $0x0  }
0x66: {  	[sflag:s26] =	ssyncadd.s32 $0xFFFFF000  }
0x67: {  	_ =	swait.ge [sflag:s26], $0x1000  }
0x68: {  	[sflag:s26] =	ssyncset.done $0x0  }
0x69: {  	[sflag:s26] =	ssyncadd.s32 $0xFFFFF000  }
0x6a: {  	_ =	swait.ge [sflag:s26], $0x1000  }
0x6b: {  	[sflag:s26] =	ssyncset.done $0x0  }
0x6c: {  	[sflag:s26] =	ssyncadd.s32 $0xFFFFF000  }
0x6d: {  	_ =	swait.ge [sflag:s26], $0x1000  }
0x6e: {  	[sflag:s26] =	ssyncset.done $0x0  }
0x6f: {  	[sflag:s26] =	ssyncadd.s32 $0xFFFFF000  }
0x70: {  	_ =	swait.ge [sflag:s26], $0x1000  }
0x71: {  	[sflag:s26] =	ssyncset.done $0x0  }
0x72: {  	[sflag:s26] =	ssyncadd.s32 $0xFFFFF000  }
0x73: {  	_ =	swait.ge [sflag:s26], $0x1000  }
0x74: {  	[sflag:s26] =	ssyncset.done $0x0  }
0x75: {  	[sflag:s26] =	ssyncadd.s32 $0xFFFFF000  }
0x76: {  	_ =	swait.ge [sflag:s26], $0x1000  }
0x77: {  	[sflag:s26] =	ssyncset.done $0x0  }
0x78: {  	[sflag:s26] =	ssyncadd.s32 $0xFFFFF000  }
0x79: {  	_ =	swait.ge [sflag:s26], $0x1000  }
0x7a: {  	s29 =	simm.s32 $0x1400;
	s30 =	simm.s32 $0x2800;
	[sflag:s26] =	ssyncset.done $0x0  }
.LBB2_2:
0x7b: {  	s31 =	sshra.s32 s29, $0x2  }
0x7c: {  	[sflag:s26] =	ssyncadd.s32 $0xFFFFF000;
	s29 =	smov.u32 s30;
	s1 =	sadd.s32 $0x1400, s30  }
0x7d: {  	[tilespmem:s15], [sflag:$0x1] =	stream.indirect.gather [hbm4b:s4+s14], $0x20, s31, s14, $0xb8;
	[tilespmem:$0x18E00] =	vst v63  }
0x7e: {  	p0 =	sne.s32 s30, $0x8C00;
	s30 =	sadd.s32 $0x80, s31  }
0x7f: {  	[tilespmem:s16], [sflag:$0x1] =	stream.indirect.gather [hbm4b:s4+s14], $0x20, s30, s14, $0xb8;
	[tilespmem:$0x18E00] =	vst v63  }
0x80: {  	s30 =	sadd.s32 $0x100, s31  }
0x81: {  	[tilespmem:s17], [sflag:$0x1] =	stream.indirect.gather [hbm4b:s4+s14], $0x20, s30, s14, $0xb8;
	[tilespmem:$0x18E00] =	vst v63  }
0x82: {  	s30 =	sadd.s32 $0x180, s31  }
0x83: {  	[tilespmem:s18], [sflag:$0x1] =	stream.indirect.gather [hbm4b:s4+s14], $0x20, s30, s14, $0xb8;
	[tilespmem:$0x18E00] =	vst v63  }
0x84: {  	s30 =	sadd.s32 $0x200, s31  }
0x85: {  	[tilespmem:s19], [sflag:$0x1] =	stream.indirect.gather [hbm4b:s4+s14], $0x20, s30, s14, $0xb8;
	[tilespmem:$0x18E00] =	vst v63  }
0x86: {  	s30 =	sadd.s32 $0x280, s31  }
0x87: {  	[tilespmem:s20], [sflag:$0x1] =	stream.indirect.gather [hbm4b:s4+s14], $0x20, s30, s14, $0xb8;
	[tilespmem:$0x18E00] =	vst v63  }
0x88: {  	s30 =	sadd.s32 $0x300, s31  }
0x89: {  	[tilespmem:s21], [sflag:$0x1] =	stream.indirect.gather [hbm4b:s4+s14], $0x20, s30, s14, $0xb8;
	[tilespmem:$0x18E00] =	vst v63  }
0x8a: {  	s30 =	sadd.s32 $0x380, s31  }
0x8b: {  	[tilespmem:s22], [sflag:$0x1] =	stream.indirect.gather [hbm4b:s4+s14], $0x20, s30, s14, $0xb8;
	[tilespmem:$0x18E00] =	vst v63  }
0x8c: {  	s30 =	sadd.s32 $0x400, s31  }
0x8d: {  	[tilespmem:s23], [sflag:$0x1] =	stream.indirect.gather [hbm4b:s4+s14], $0x20, s30, s14, $0xb8;
	[tilespmem:$0x18E00] =	vst v63  }
0x8e: {  	s30 =	sadd.s32 $0x480, s31  }
0x8f: {  	[tilespmem:s24], [sflag:$0x1] =	stream.indirect.gather [hbm4b:s4+s14], $0x20, s30, s14, $0xb8;
	[tilespmem:$0x18E00] =	vst v63  }
0x90: {  	_ =	swait.ge [sflag:s25], $0x1000  }
0x91: {  	[sflag:s25] =	ssyncset.done $0x0  }
0x92: {  	s30 =	sadd.s32 $0x2800, s31;
	[sflag:s25] =	ssyncadd.s32 $0xFFFFF000  }
0x93: {  	[spmem:s2] =	stream.indirect.scatter.add.f32 [tilespmem:s15], [sflag:$0x2], $0x20, s30, s14, $0xb8;
	[tilespmem:$0x18E00] =	vst v63  }
0x94: {  	_ =	swait.ge [sflag:s25], $0x1000  }
0x95: {  	[sflag:s25] =	ssyncset.done $0x0  }
0x96: {  	s30 =	sadd.s32 $0x2880, s31;
	[sflag:s25] =	ssyncadd.s32 $0xFFFFF000  }
0x97: {  	[spmem:s2] =	stream.indirect.scatter.add.f32 [tilespmem:s16], [sflag:$0x2], $0x20, s30, s14, $0xb8;
	[tilespmem:$0x18E00] =	vst v63  }
0x98: {  	_ =	swait.ge [sflag:s25], $0x1000  }
0x99: {  	[sflag:s25] =	ssyncset.done $0x0  }
0x9a: {  	s30 =	sadd.s32 $0x2900, s31;
	[sflag:s25] =	ssyncadd.s32 $0xFFFFF000  }
0x9b: {  	[spmem:s2] =	stream.indirect.scatter.add.f32 [tilespmem:s17], [sflag:$0x2], $0x20, s30, s14, $0xb8;
	[tilespmem:$0x18E00] =	vst v63  }
0x9c: {  	_ =	swait.ge [sflag:s25], $0x1000  }
0x9d: {  	[sflag:s25] =	ssyncset.done $0x0  }
0x9e: {  	s30 =	sadd.s32 $0x2980, s31;
	[sflag:s25] =	ssyncadd.s32 $0xFFFFF000  }
0x9f: {  	[spmem:s2] =	stream.indirect.scatter.add.f32 [tilespmem:s18], [sflag:$0x2], $0x20, s30, s14, $0xb8;
	[tilespmem:$0x18E00] =	vst v63  }
0xa0: {  	_ =	swait.ge [sflag:s25], $0x1000  }
0xa1: {  	[sflag:s25] =	ssyncset.done $0x0  }
0xa2: {  	s30 =	sadd.s32 $0x2A00, s31;
	[sflag:s25] =	ssyncadd.s32 $0xFFFFF000  }
0xa3: {  	[spmem:s2] =	stream.indirect.scatter.add.f32 [tilespmem:s19], [sflag:$0x2], $0x20, s30, s14, $0xb8;
	[tilespmem:$0x18E00] =	vst v63  }
0xa4: {  	_ =	swait.ge [sflag:s25], $0x1000  }
0xa5: {  	[sflag:s25] =	ssyncset.done $0x0  }
0xa6: {  	s30 =	sadd.s32 $0x2A80, s31;
	[sflag:s25] =	ssyncadd.s32 $0xFFFFF000  }
0xa7: {  	[spmem:s2] =	stream.indirect.scatter.add.f32 [tilespmem:s20], [sflag:$0x2], $0x20, s30, s14, $0xb8;
	[tilespmem:$0x18E00] =	vst v63  }
0xa8: {  	_ =	swait.ge [sflag:s25], $0x1000  }
0xa9: {  	[sflag:s25] =	ssyncset.done $0x0  }
0xaa: {  	s30 =	sadd.s32 $0x2B00, s31;
	[sflag:s25] =	ssyncadd.s32 $0xFFFFF000  }
0xab: {  	[spmem:s2] =	stream.indirect.scatter.add.f32 [tilespmem:s21], [sflag:$0x2], $0x20, s30, s14, $0xb8;
	[tilespmem:$0x18E00] =	vst v63  }
0xac: {  	_ =	swait.ge [sflag:s25], $0x1000  }
0xad: {  	[sflag:s25] =	ssyncset.done $0x0  }
0xae: {  	s30 =	sadd.s32 $0x2B80, s31;
	[sflag:s25] =	ssyncadd.s32 $0xFFFFF000  }
0xaf: {  	[spmem:s2] =	stream.indirect.scatter.add.f32 [tilespmem:s22], [sflag:$0x2], $0x20, s30, s14, $0xb8;
	[tilespmem:$0x18E00] =	vst v63  }
0xb0: {  	_ =	swait.ge [sflag:s25], $0x1000  }
0xb1: {  	[sflag:s25] =	ssyncset.done $0x0  }
0xb2: {  	s30 =	sadd.s32 $0x2C00, s31;
	[sflag:s25] =	ssyncadd.s32 $0xFFFFF000  }
0xb3: {  	[spmem:s2] =	stream.indirect.scatter.add.f32 [tilespmem:s23], [sflag:$0x2], $0x20, s30, s14, $0xb8;
	[tilespmem:$0x18E00] =	vst v63  }
0xb4: {  	_ =	swait.ge [sflag:s25], $0x1000  }
0xb5: {  	[sflag:s25] =	ssyncset.done $0x0  }
0xb6: {  	s30 =	sadd.s32 $0x2C80, s31;
	[sflag:s25] =	ssyncadd.s32 $0xFFFFF000  }
0xb7: {  	[spmem:s2] =	stream.indirect.scatter.add.f32 [tilespmem:s24], [sflag:$0x2], $0x20, s30, s14, $0xb8;
	[tilespmem:$0x18E00] =	vst v63  }
0xb8: {  	_ =	swait.ge [sflag:s26], $0x1000  }
0xb9: {  	[sflag:s26] =	ssyncset.done $0x0  }
0xba: {  	[sflag:s26] =	ssyncadd.s32 $0xFFFFF000  }
0xbb: {  	_ =	swait.ge [sflag:s26], $0x1000  }
0xbc: {  	[sflag:s26] =	ssyncset.done $0x0  }
0xbd: {  	[sflag:s26] =	ssyncadd.s32 $0xFFFFF000  }
0xbe: {  	_ =	swait.ge [sflag:s26], $0x1000  }
0xbf: {  	[sflag:s26] =	ssyncset.done $0x0  }
0xc0: {  	[sflag:s26] =	ssyncadd.s32 $0xFFFFF000  }
0xc1: {  	_ =	swait.ge [sflag:s26], $0x1000  }
0xc2: {  	[sflag:s26] =	ssyncset.done $0x0  }
0xc3: {  	[sflag:s26] =	ssyncadd.s32 $0xFFFFF000  }
0xc4: {  	_ =	swait.ge [sflag:s26], $0x1000  }
0xc5: {  	[sflag:s26] =	ssyncset.done $0x0  }
0xc6: {  	[sflag:s26] =	ssyncadd.s32 $0xFFFFF000  }
0xc7: {  	_ =	swait.ge [sflag:s26], $0x1000  }
0xc8: {  	[sflag:s26] =	ssyncset.done $0x0  }
0xc9: {  	[sflag:s26] =	ssyncadd.s32 $0xFFFFF000  }
0xca: {  	_ =	swait.ge [sflag:s26], $0x1000  }
0xcb: {  	[sflag:s26] =	ssyncset.done $0x0  }
0xcc: {  	[sflag:s26] =	ssyncadd.s32 $0xFFFFF000  }
0xcd: {  	_ =	swait.ge [sflag:s26], $0x1000  }
0xce: {  	[sflag:s26] =	ssyncset.done $0x0  }
0xcf: {  	[sflag:s26] =	ssyncadd.s32 $0xFFFFF000  }
.Ltmp0:
0xd0: {  	_ =	swait.ge [sflag:s26], $0x1000;
	(pc) =	sbr.rel @p0 .LBB2_2-.Ltmp0, $4  }
0xd1: {  	[sflag:s26] =	ssyncset.done $0x0  }
0xd2: {  	[sflag:s26] =	ssyncadd.s32 $0xFFFFF000  }
0xd3: {  	_ =	swait.ge [sflag:s26], $0x1000  }
0xd4: {  	s30 =	smov.u32 s1;
	[sflag:s26] =	ssyncset.done $0x0  }
0xd5: {  	s29 =	sshra.s32 s29, $0x2;
	[sflag:s26] =	ssyncadd.s32 $0xFFFFF000  }
0xd6: {  	[tilespmem:s15], [sflag:$0x1] =	stream.indirect.gather [hbm4b:s4+s14], $0x20, s29, s14, $0xb8;
	[tilespmem:$0x18E00] =	vst v63  }
0xd7: {  	s1 =	sadd.s32 $0x80, s29  }
0xd8: {  	[tilespmem:s16], [sflag:$0x1] =	stream.indirect.gather [hbm4b:s4+s14], $0x20, s1, s14, $0xb8;
	[tilespmem:$0x18E00] =	vst v63  }
0xd9: {  	s30 =	sadd.s32 $0x100, s29  }
0xda: {  	[tilespmem:s17], [sflag:$0x1] =	stream.indirect.gather [hbm4b:s4+s14], $0x20, s30, s14, $0xb8;
	[tilespmem:$0x18E00] =	vst v63  }
0xdb: {  	s31 =	sadd.s32 $0x180, s29  }
0xdc: {  	[tilespmem:s18], [sflag:$0x1] =	stream.indirect.gather [hbm4b:s4+s14], $0x20, s31, s14, $0xb8;
	[tilespmem:$0x18E00] =	vst v63  }
0xdd: {  	s30 =	sadd.s32 $0x200, s29  }
0xde: {  	[tilespmem:s19], [sflag:$0x1] =	stream.indirect.gather [hbm4b:s4+s14], $0x20, s30, s14, $0xb8;
	[tilespmem:$0x18E00] =	vst v63  }
0xdf: {  	s31 =	sadd.s32 $0x280, s29  }
0xe0: {  	[tilespmem:s20], [sflag:$0x1] =	stream.indirect.gather [hbm4b:s4+s14], $0x20, s31, s14, $0xb8;
	[tilespmem:$0x18E00] =	vst v63  }
0xe1: {  	s30 =	sadd.s32 $0x300, s29  }
0xe2: {  	[tilespmem:s21], [sflag:$0x1] =	stream.indirect.gather [hbm4b:s4+s14], $0x20, s30, s14, $0xb8;
	[tilespmem:$0x18E00] =	vst v63  }
0xe3: {  	s31 =	sadd.s32 $0x380, s29  }
0xe4: {  	[tilespmem:s22], [sflag:$0x1] =	stream.indirect.gather [hbm4b:s4+s14], $0x20, s31, s14, $0xb8;
	[tilespmem:$0x18E00] =	vst v63  }
0xe5: {  	s30 =	sadd.s32 $0x400, s29  }
0xe6: {  	[tilespmem:s23], [sflag:$0x1] =	stream.indirect.gather [hbm4b:s4+s14], $0x20, s30, s14, $0xb8;
	[tilespmem:$0x18E00] =	vst v63  }
0xe7: {  	s31 =	sadd.s32 $0x480, s29  }
0xe8: {  	[tilespmem:s24], [sflag:$0x1] =	stream.indirect.gather [hbm4b:s4+s14], $0x20, s31, s14, $0xb8;
	[tilespmem:$0x18E00] =	vst v63  }
0xe9: {  	_ =	swait.ge [sflag:s25], $0x1000  }
0xea: {  	[sflag:s25] =	ssyncset.done $0x0  }
0xeb: {  	s30 =	sadd.s32 $0x2800, s29;
	[sflag:s25] =	ssyncadd.s32 $0xFFFFF000  }
0xec: {  	[spmem:s2] =	stream.indirect.scatter.add.f32 [tilespmem:s15], [sflag:$0x2], $0x20, s30, s14, $0xb8;
	[tilespmem:$0x18E00] =	vst v63  }
0xed: {  	_ =	swait.ge [sflag:s25], $0x1000  }
0xee: {  	[sflag:s25] =	ssyncset.done $0x0  }
0xef: {  	s31 =	sadd.s32 $0x2880, s29;
	[sflag:s25] =	ssyncadd.s32 $0xFFFFF000  }
0xf0: {  	[spmem:s2] =	stream.indirect.scatter.add.f32 [tilespmem:s16], [sflag:$0x2], $0x20, s31, s14, $0xb8;
	[tilespmem:$0x18E00] =	vst v63  }
0xf1: {  	_ =	swait.ge [sflag:s25], $0x1000  }
0xf2: {  	[sflag:s25] =	ssyncset.done $0x0  }
0xf3: {  	s30 =	sadd.s32 $0x2900, s29;
	[sflag:s25] =	ssyncadd.s32 $0xFFFFF000  }
0xf4: {  	[spmem:s2] =	stream.indirect.scatter.add.f32 [tilespmem:s17], [sflag:$0x2], $0x20, s30, s14, $0xb8;
	[tilespmem:$0x18E00] =	vst v63  }
0xf5: {  	_ =	swait.ge [sflag:s25], $0x1000  }
0xf6: {  	[sflag:s25] =	ssyncset.done $0x0  }
0xf7: {  	s31 =	sadd.s32 $0x2980, s29;
	[sflag:s25] =	ssyncadd.s32 $0xFFFFF000  }
0xf8: {  	[spmem:s2] =	stream.indirect.scatter.add.f32 [tilespmem:s18], [sflag:$0x2], $0x20, s31, s14, $0xb8;
	[tilespmem:$0x18E00] =	vst v63  }
0xf9: {  	_ =	swait.ge [sflag:s25], $0x1000  }
0xfa: {  	[sflag:s25] =	ssyncset.done $0x0  }
0xfb: {  	s30 =	sadd.s32 $0x2A00, s29;
	[sflag:s25] =	ssyncadd.s32 $0xFFFFF000  }
0xfc: {  	[spmem:s2] =	stream.indirect.scatter.add.f32 [tilespmem:s19], [sflag:$0x2], $0x20, s30, s14, $0xb8;
	[tilespmem:$0x18E00] =	vst v63  }
0xfd: {  	_ =	swait.ge [sflag:s25], $0x1000  }
0xfe: {  	[sflag:s25] =	ssyncset.done $0x0  }
0xff: {  	s31 =	sadd.s32 $0x2A80, s29;
	[sflag:s25] =	ssyncadd.s32 $0xFFFFF000  }
0x100: {  	[spmem:s2] =	stream.indirect.scatter.add.f32 [tilespmem:s20], [sflag:$0x2], $0x20, s31, s14, $0xb8;
	[tilespmem:$0x18E00] =	vst v63  }
0x101: {  	_ =	swait.ge [sflag:s25], $0x1000  }
0x102: {  	[sflag:s25] =	ssyncset.done $0x0  }
0x103: {  	s30 =	sadd.s32 $0x2B00, s29;
	[sflag:s25] =	ssyncadd.s32 $0xFFFFF000  }
0x104: {  	[spmem:s2] =	stream.indirect.scatter.add.f32 [tilespmem:s21], [sflag:$0x2], $0x20, s30, s14, $0xb8;
	[tilespmem:$0x18E00] =	vst v63  }
0x105: {  	_ =	swait.ge [sflag:s25], $0x1000  }
0x106: {  	[sflag:s25] =	ssyncset.done $0x0  }
0x107: {  	s31 =	sadd.s32 $0x2B80, s29;
	[sflag:s25] =	ssyncadd.s32 $0xFFFFF000  }
0x108: {  	[spmem:s2] =	stream.indirect.scatter.add.f32 [tilespmem:s22], [sflag:$0x2], $0x20, s31, s14, $0xb8;
	[tilespmem:$0x18E00] =	vst v63  }
0x109: {  	_ =	swait.ge [sflag:s25], $0x1000  }
0x10a: {  	[sflag:s25] =	ssyncset.done $0x0  }
0x10b: {  	s30 =	sadd.s32 $0x2C00, s29;
	[sflag:s25] =	ssyncadd.s32 $0xFFFFF000  }
0x10c: {  	[spmem:s2] =	stream.indirect.scatter.add.f32 [tilespmem:s23], [sflag:$0x2], $0x20, s30, s14, $0xb8;
	[tilespmem:$0x18E00] =	vst v63  }
0x10d: {  	_ =	swait.ge [sflag:s25], $0x1000  }
0x10e: {  	[sflag:s25] =	ssyncset.done $0x0  }
0x10f: {  	s31 =	sadd.s32 $0x2C80, s29;
	[sflag:s25] =	ssyncadd.s32 $0xFFFFF000  }
0x110: {  	[spmem:s2] =	stream.indirect.scatter.add.f32 [tilespmem:s24], [sflag:$0x2], $0x20, s31, s14, $0xb8;
	[tilespmem:$0x18E00] =	vst v63  }
0x111: {  	_ =	swait.ge [sflag:s26], $0x1000  }
0x112: {  	[sflag:s26] =	ssyncset.done $0x0  }
0x113: {  	[sflag:s26] =	ssyncadd.s32 $0xFFFFF000  }
0x114: {  	_ =	swait.ge [sflag:s26], $0x1000  }
0x115: {  	[sflag:s26] =	ssyncset.done $0x0  }
0x116: {  	[sflag:s26] =	ssyncadd.s32 $0xFFFFF000  }
0x117: {  	_ =	swait.ge [sflag:s26], $0x1000  }
0x118: {  	[sflag:s26] =	ssyncset.done $0x0  }
0x119: {  	[sflag:s26] =	ssyncadd.s32 $0xFFFFF000  }
0x11a: {  	_ =	swait.ge [sflag:s26], $0x1000  }
0x11b: {  	[sflag:s26] =	ssyncset.done $0x0  }
0x11c: {  	[sflag:s26] =	ssyncadd.s32 $0xFFFFF000  }
0x11d: {  	_ =	swait.ge [sflag:s26], $0x1000  }
0x11e: {  	[sflag:s26] =	ssyncset.done $0x0  }
0x11f: {  	[sflag:s26] =	ssyncadd.s32 $0xFFFFF000  }
0x120: {  	_ =	swait.ge [sflag:s26], $0x1000  }
0x121: {  	[sflag:s26] =	ssyncset.done $0x0  }
0x122: {  	[sflag:s26] =	ssyncadd.s32 $0xFFFFF000  }
0x123: {  	_ =	swait.ge [sflag:s26], $0x1000  }
0x124: {  	[sflag:s26] =	ssyncset.done $0x0  }
0x125: {  	[sflag:s26] =	ssyncadd.s32 $0xFFFFF000  }
0x126: {  	_ =	swait.ge [sflag:s26], $0x1000  }
0x127: {  	[sflag:s26] =	ssyncset.done $0x0  }
0x128: {  	[sflag:s26] =	ssyncadd.s32 $0xFFFFF000  }
0x129: {  	_ =	swait.ge [sflag:s26], $0x1000  }
0x12a: {  	[sflag:s26] =	ssyncset.done $0x0  }
0x12b: {  	[sflag:s26] =	ssyncadd.s32 $0xFFFFF000  }
0x12c: {  	_ =	swait.ge [sflag:s26], $0x1000  }
0x12d: {  	[sflag:s26] =	ssyncset.done $0x0  }
0x12e: {  	[sflag:s26] =	ssyncadd.s32 $0xFFFFF000  }
0x12f: {  	[bflag:$0x0] =	sbarrier.arrive $0xFFFF  }
0x130: {  	[tilespmem:s11], [sflag:$0x3] =	stream.linear.gather [spmem:s6], $0x4F00, $0x38;
	[tilespmem:$0x18E00] =	vst v63  }
0x131: {  	s28 =	sadd.s32 $0x1, s28;
	_ =	swait.ge [sflag:s12], $0x4F00  }
0x132: {  	p0 =	sne.s32 s28, s10;
	[sflag:s12] =	ssyncset.done $0x0  }
.Ltmp1:
0x133: {  	[sflag:s12] =	ssyncadd.s32 $0xFFFFB100;
	(pc) =	sbr.rel @p0 .LBB2_1-.Ltmp1, $4  }
0x134: {  	[hbm4b:s9+s3] =	stream.linear.scatter [tilespmem:s11], [sflag:$0x3], $0x4F00, $0x38;
	[tilespmem:$0x18E00] =	vst v63  }
0x135: {  	_ =	swait.ge [sflag:s12], $0x4F00  }
0x136: {  	[sflag:s12] =	ssyncset.done $0x0  }
0x137: {  	[sflag:s12] =	ssyncadd.s32 $0xFFFFB100  }
0x138: {  	_ =	sfence.sel $0x180000  }
0x139: {  	[bflag:$0x0] =	sbarrier.arrive $0xFFFF  }
0x13a: {  	_ =	strace $0x9000004A  }
0x13b: {  	[bflag:$0x2] =	sbarrier.arrive $0xFFFF  }
0x13c: {  	p0 =	sne.s32 s0, $0x0;
	s0 =	rddreg [dreg:$0x3]  }
0x13d: {  	s0 =	sadd.s32 @!p0 $0x100000, s0  }
0x13e: {  	[sflag:s0] =	ssyncadd.tile.s32 @!p0 $0x1;
	_ =	shalt  }
.Lfunc_end2:
_tile_overlayer_lowered:
.L_overlay_start_2:
0x13f: {  	(tag) =	ssettag $0x2  }
0x140: {  	s0 =	rddreg [dreg:$0x0];
	s2 =	stileid.u32  }
0x141: {  	s1 =	rddreg [dreg:$0x1];
	p0 =	sne.s32 s2, $0x0  }
0x142: {  	s3 =	rddreg [dreg:$0x2];
	[bflag:$0x3] =	sbarrier.arrive $0xFFFF;
	s2 =	simm.s32 @!p0 $0x1C03  }
0x143: {  	[timem:s3], [sflag:s2] =	dma.local @!p0 [hbm:s0], s1  }
0x144: {  	s0 =	simm.s32 @!p0 $0x3  }
0x145: {  	_ =	swait.ge @!p0 [sflag:s0], s1  }
0x146: {  	s1 =	ssub.s32 @!p0 $0x0, s1;
	[sflag:s0] =	ssyncset.done @!p0 $0x0  }
0x147: {  	[sflag:s0] =	ssyncadd.s32 @!p0 s1  }
0x148: {  	[bflag:$0x3] =	sbarrier.arrive $0xFFFF  }
0x149: {  	_ =	shalt  }

// kernel: kernel.8.cloned.1.call-start
scs
__scs_entry_jumppad:
0x0: {  	(pc) =	sbr.rel $0x88, $3  }
0x1: {  	(tag) =	ssettag $0x0;
	lr =	simm.s32 $0x1  }
0x2: {  	[smem:$0x3F98] =	sst lr;
	_ =	strace $0xD0000000  }
0x3: {  	_ = 	snop  }
0x4: {  	_ = 	snop  }
0x5: {  	_ = 	snop  }
0x6: {  	_ = 	snop  }
0x7: {  	_ = 	snop  }
__scs_overlays_trampoline_lowered:
0x8: {  	[smem:$0x3FA7] =	sst s0  }
0x9: {  	[smem:$0x3FA8] =	sst s1  }
0xa: {  	[smem:$0x3FA9] =	sst s2  }
0xb: {  	[smem:$0x3FAA] =	sst s3  }
0xc: {  	[smem:$0x3FAB] =	sst s4  }
0xd: {  	[smem:$0x3FAC] =	sst s5  }
0xe: {  	[smem:$0x3FAD] =	sst s6  }
0xf: {  	[smem:$0x3FAE] =	sst s7  }
0x10: {  	[smem:$0x3FAF] =	sst s8  }
0x11: {  	[smem:$0x3FB0] =	sst s9;
	s0 =	simm.s32 @!p0 $0x0  }
0x12: {  	s1 =	sld [smem:$0x3F96];
	s0 =	simm.s32 @p0 $0x1  }
0x13: {  	[smem:$0x3FB1] =	sst s0;
	s0 =	simm.s32 @!p1 $0x0  }
0x14: {  	s2 =	sld [smem:$0x3F95];
	s0 =	simm.s32 @p1 $0x1  }
0x15: {  	[smem:$0x3FB2] =	sst s0;
	s0 =	simm.s32 @!p2 $0x0  }
0x16: {  	s3 =	sld [smem:$0x3FDB];
	s0 =	simm.s32 @p2 $0x1  }
0x17: {  	s4 =	simm.s32 $0x1BF5;
	[smem:$0x3FB4] =	sst s0  }
0x18: {  	s0 =	sld [smem:$0x3F97];
	_ =	swait.ge [sflag:s4], $0x0  }
0x19: {  	s7 =	sld [smem:$0x3F98]  }
0x1a: {  	s8 =	sadd.s32 $0xFFFFE003, lr  }
0x1b: {  	s9 =	sadd.s32 $0xFFFFFEF7, lr;
	s5 =	simm.s32 $0xFFFFFFFF;
	p2 =	slt.u32 s8, $0xFFFFF086  }
0x1c: {  	p1 =	slt.u32 s9, $0xF7A;
	s5 =	simm.s32 @!p2 $0x0  }
0x1d: {  	s5 =	simm.s32 @p1 $0x1;
	p0 =	seq.s32 s7, s2  }
0x1e: {  	s7 =	smul.u32 @!p0 $0xF7A, s2;
	p2 =	seq.s32 @!p0 s5, $0x0  }
0x1f: {  	s9 =	smul.u32 $0xF7A, s1;
	s8 =	simm.s32 @!p0 $0x1BF5;
	p2 =	por !p2, p0  }
0x20: {  	[sflag:s8] =	ssyncset.s32 @!p0 $0xFFFFF086;
	s6 =	sadd.s32 @!p0 s3, s7;
	s7 =	simm.s32 @!p0 $0x108  }
0x21: {  	s3 =	sadd.s32 s3, s9;
	s6 =	sadd.s32 @!p0 $0x88, s6;
	s7 =	simm.s32 @p2 $0x1082  }
0x22: {  	[simem:s7], [sflag:s8] =	dma.local @!p0 [hbm:s6], $0xF7A  }
0x23: {  	s9 =	sor.u32 $0xD0000000, s2;
	s6 =	simm.s32 $0x108;
	_ =	swait.ge @!p0 [sflag:s8], $0x0  }
0x24: {  	s3 =	sadd.s32 $0x88, s3;
	s6 =	simm.s32 @!p1 $0x1082;
	[sflag:s4] =	ssyncset.s32 $0xFFFFF086  }
0x25: {  	[simem:s6], [sflag:s4] =	dma.local [hbm:s3], $0xF7A  }
0x26: {  	[smem:$0x3F98] =	sst s1;
	(tag) =	ssettag s2;
	_ =	strace s9  }
0x27: {  	s1 =	sld [smem:$0x3FA8]  }
0x28: {  	s2 =	sld [smem:$0x3FA9]  }
0x29: {  	s4 =	sld [smem:$0x3FAB]  }
0x2a: {  	p0 =	seq.s32 s5, $0x0;
	s5 =	sld [smem:$0x3FAC]  }
0x2b: {  	s6 =	sld [smem:$0x3FAD]  }
0x2c: {  	s7 =	sld [smem:$0x3FAE]  }
0x2d: {  	s3 =	simm.s32 $0x108;
	s8 =	sld [smem:$0x3FAF]  }
0x2e: {  	s3 =	simm.s32 @!p0 $0x1082;
	s9 =	sld [smem:$0x3FB0]  }
0x2f: {  	lr =	sadd.s32 s0, s3;
	s0 =	sld [smem:$0x3FA7]  }
0x30: {  	s3 =	sld [smem:$0x3FAA]  }
0x31: {  	[smem:$0x3FB3] =	sst s10  }
0x32: {  	s10 =	sld [smem:$0x3FB1];
	_ =	sdelay $0x3  }
0x33: {  	p0 =	seq.s32 s10, $0x1;
	s10 =	sld [smem:$0x3FB3];
	_ =	sdelay $0x3  }
0x34: {  	[smem:$0x3FB3] =	sst s10  }
0x35: {  	s10 =	sld [smem:$0x3FB2];
	_ =	sdelay $0x3  }
0x36: {  	p1 =	seq.s32 s10, $0x1;
	s10 =	sld [smem:$0x3FB3];
	_ =	sdelay $0x3  }
0x37: {  	[smem:$0x3FB3] =	sst s10  }
0x38: {  	s10 =	sld [smem:$0x3FB4]  }
0x39: {  	_ = 	snop;
	(pc) =	sbr.ind lr, $3  }
0x3a: {  	_ = 	snop  }
0x3b: {  	_ = 	snop  }
0x3c: {  	p2 =	seq.s32 s10, $0x1;
	s10 =	sld [smem:$0x3FB3]  }
0x3d: {  	_ =	shalt  }
0x3e: {  	_ =	shalt  }
0x3f: {  	_ =	shalt  }
0x40: {  	_ =	shalt  }
0x41: {  	_ =	shalt  }
0x42: {  	_ =	shalt  }
0x43: {  	_ =	shalt  }
0x44: {  	_ =	shalt  }
0x45: {  	_ =	shalt  }
0x46: {  	_ =	shalt  }
0x47: {  	_ =	shalt  }
0x48: {  	_ =	shalt  }
0x49: {  	_ =	shalt  }
0x4a: {  	_ =	shalt  }
0x4b: {  	_ =	shalt  }
0x4c: {  	_ =	shalt  }
0x4d: {  	_ =	shalt  }
0x4e: {  	_ =	shalt  }
0x4f: {  	_ =	shalt  }
0x50: {  	_ =	shalt  }
0x51: {  	_ =	shalt  }
0x52: {  	_ =	shalt  }
0x53: {  	_ =	shalt  }
0x54: {  	_ =	shalt  }
0x55: {  	_ =	shalt  }
0x56: {  	_ =	shalt  }
0x57: {  	_ =	shalt  }
0x58: {  	_ =	shalt  }
0x59: {  	_ =	shalt  }
0x5a: {  	_ =	shalt  }
0x5b: {  	_ =	shalt  }
0x5c: {  	_ =	shalt  }
0x5d: {  	_ =	shalt  }
0x5e: {  	_ =	shalt  }
0x5f: {  	_ =	shalt  }
0x60: {  	_ =	shalt  }
0x61: {  	_ =	shalt  }
0x62: {  	_ =	shalt  }
0x63: {  	_ =	shalt  }
0x64: {  	_ =	shalt  }
0x65: {  	_ =	shalt  }
0x66: {  	_ =	shalt  }
0x67: {  	_ =	shalt  }
0x68: {  	_ =	shalt  }
0x69: {  	_ =	shalt  }
0x6a: {  	_ =	shalt  }
0x6b: {  	_ =	shalt  }
0x6c: {  	_ =	shalt  }
0x6d: {  	_ =	shalt  }
0x6e: {  	_ =	shalt  }
0x6f: {  	_ =	shalt  }
0x70: {  	_ =	shalt  }
0x71: {  	_ =	shalt  }
0x72: {  	_ =	shalt  }
0x73: {  	_ =	shalt  }
0x74: {  	_ =	shalt  }
0x75: {  	_ =	shalt  }
0x76: {  	_ =	shalt  }
0x77: {  	_ =	shalt  }
0x78: {  	_ =	shalt  }
0x79: {  	_ =	shalt  }
0x7a: {  	_ =	shalt  }
0x7b: {  	_ =	shalt  }
0x7c: {  	_ =	shalt  }
0x7d: {  	_ =	shalt  }
0x7e: {  	_ =	shalt  }
0x7f: {  	_ =	shalt  }
0x80: {  	_ =	shalt  }
0x81: {  	_ =	shalt  }
0x82: {  	_ =	shalt  }
0x83: {  	_ =	shalt  }
0x84: {  	_ =	shalt  }
0x85: {  	_ =	shalt  }
0x86: {  	_ =	shalt  }
0x87: {  	_ =	shalt  }
.Lfunc_end0:
.L_simem_size_0:
called_computation_lowered:
.L_overlay_start_0:
0x88: {  	s2 =	sld [smem:$0x3FD9]  }
0x89: {  	s3 =	sld [smem:$0x3FFE];
	_ =	sdelay $0x1  }
0x8a: {  	s1 =	srdreg.scid  }
0x8b: {  	s0 =	sand.u32 $0x1, s1  }
0x8c: {  	s17 =	sshll.u32 s0, $0xA;
	s2 =	sadd.s32 s3, s2  }
0x8d: {  	s2 =	sadd.s32 s2, s17  }
0x8e: {  	[smem:$0x3FBF] =	sst s2  }
0x8f: {  	_ = 	snop  }
0x90: {  	s2 =	sld [smem:$0x3FD0];
	(tm) =	ssettm $0x1  }
0x91: {  	s18 =	sld [smem:$0x3FFB];
	_ =	sdelay $0x3  }
0x92: {  	_ =	strace s18  }
0x93: {  	s3 =	sld [smem:$0x3FFC];
	_ =	sdelay $0x3  }
0x94: {  	_ =	strace s3  }
0x95: {  	s3 =	sld [smem:$0x3FFD];
	_ =	sdelay $0x3  }
0x96: {  	_ =	strace s3  }
0x97: {  	_ =	strace $0x8FFFFFFF  }
0x98: {  	s19 =	sld [smem:$0x3FDB];
	_ =	sdelay $0x1  }
0x99: {  	s4 =	simm.s32 $_scs_section_size  }
0x9a: {  	s5 =	simm.s32 $_size__tile_overlayer_lowered;
	s6 =	simm.s32 $_tile_overlayer_lowered  }
0x9b: {  	s22 =	simm.s32 $0x1BFF;
	s21 =	sshll.u32 s6, $0x1;
	s3 =	sadd.s32 s4, s19  }
0x9c: {  	s7 =	simm.s32 $0x0;
	s20 =	sshll.u32 s5, $0x1;
	s5 =	sadd.s32 s21, s3  }
0x9d: {  	[timem:s7], [sflag:s22] =	dma.local [hbm:s5], s20  }
0x9e: {  	_ =	swait.ge [sflag:s22], s20  }
0x9f: {  	s4 =	ssub.s32 $0x0, s20;
	[sflag:s22] =	ssyncset.done $0x0  }
0xa0: {  	[sflag:s22] =	ssyncadd.s32 s4;
	_ =	sdelay $0x1  }
0xa1: {  	s23 =	simm.s32 $0x1B8B  }
0xa2: {  	_ =	swait.ge [sflag:s23], $0x1  }
0xa3: {  	[sflag:s23] =	ssyncset.done $0x0  }
0xa4: {  	s25 =	simm.s32 $0x1B8E;
	s24 =	sld [smem:$0x3FFE];
	[sflag:s23] =	ssyncadd.s32 $0xFFFFFFFF  }
0xa5: {  	s26 =	simm.s32 $execute0_lowered;
	[smem:$0x3FD2] =	sst s25  }
0xa6: {  	s5 =	sshll.u32 s26, $0x1;
	_ =	strace $0x80000046;
	[dreg:$0x1] =	wrdreg $0xFFFFFFFF  }
0xa7: {  	s28 =	simm.s32 $_size_execute0_lowered;
	s3 =	sadd.s32 s3, s5;
	[dreg:$0x0] =	wrdreg $0x0  }
0xa8: {  	s5 =	sshll.u32 s28, $0x1;
	[dreg:$0x2] =	wrdreg s3  }
0xa9: {  	[dreg:$0x3] =	wrdreg s5  }
0xaa: {  	[dreg:$0x4] =	wrdreg $0xC0  }
0xab: {  	_ =	task [dreg:s7], $0x5FFFF  }
0xac: {  	[dreg:$0x1] =	wrdreg $0xFFFFFFFF  }
0xad: {  	[dreg:$0x0] =	wrdreg $0x60  }
0xae: {  	[dreg:$0x2] =	wrdreg s24  }
0xaf: {  	[dreg:$0x3] =	wrdreg s2  }
0xb0: {  	[dreg:$0x4] =	wrdreg $0x13F000  }
0xb1: {  	[dreg:$0x5] =	wrdreg $0x9  }
0xb2: {  	_ =	task.clear_ibuf [dreg:s7], $0x6FFFF;
	_ =	strace $0x90000046  }
0xb3: {  	s29 =	simm.s32 $0x9;
	_ =	strace $0x80000048  }
0xb4: {  	_ =	swait.ge [sflag:s29], $0x1  }
0xb5: {  	[sflag:s29] =	ssyncadd.s32 $0xFFFFFFFF  }
0xb6: {  	_ =	strace $0x90000048  }
0xb7: {  	_ =	sfence  }
0xb8: {  	s30 =	sld [smem:$0x0];
	_ =	sdelay $0x2  }
0xb9: {  	s31 =	sshll.u32 s1, $0xD;
	s1 =	sshrl.u32 s1, $0x2  }
0xba: {  	s3 =	sand.u32 $0x4000, s31;
	s1 =	sadd.s32 s1, s30  }
0xbb: {  	s0 =	sor.u32 s3, s0;
	s1 =	sshll.u32 s1, $0x11  }
0xbc: {  	s0 =	sor.u32 s1, s0  }
0xbd: {  	s0 =	sadd.s32 $0x8F2B, s0  }
0xbe: {  	[sflag:s0] =	ssyncadd.remote.s32 $0x1  }
0xbf: {  	_ =	sfence.sel $0xFFFF  }
0xc0: {  	[dreg:$0x0] =	wrdreg $0xFFFFFFFF;
	(pc) =	sbr.abs _section_cstart, $3  }
0xc1: {  	[dreg:$0x1] =	wrdreg $0xFFFFFFFF  }
0xc2: {  	_ =	task.clear_ibuf [dreg:s7], $0x2FFFF;
	_ =	strace $0x9FFFFFFF  }
0xc3: {  	(tm) =	ssettm $0x7FFFFFFF  }
tec
execute0_lowered:
.L_overlay_start_1:
0x0: {  	(tag) =	ssettag $0x1  }
0x1: {  	s1 =	rddreg [dreg:$0x0]  }
0x2: {  	s9 =	rddreg [dreg:$0x1]  }
0x3: {  	s3 =	srdreg.scid;
	s0 =	stileid.u32  }
0x4: {  	s2 =	rddreg [dreg:$0x2];
	s12 =	simm.s32 $0x3;
	s13 =	simm.s32 $0x2800  }
0x5: {  	s14 =	simm.s32 $0x80;
	s15 =	simm.s32 $0x5000;
	s16 =	simm.s32 $0x6000  }
0x6: {  	s17 =	simm.s32 $0x7000;
	s18 =	simm.s32 $0x8000;
	s19 =	simm.s32 $0x9000  }
0x7: {  	s20 =	simm.s32 $0xA000;
	s21 =	simm.s32 $0xB000;
	s22 =	simm.s32 $0xC000  }
0x8: {  	s23 =	simm.s32 $0xD000;
	s24 =	simm.s32 $0xE000;
	s25 =	simm.s32 $0x1  }
0x9: {  	s26 =	simm.s32 $0x2;
	s5 =	sand.u32 $0x1, s3;
	s4 =	sshll.u32 s0, $0x1  }
0xa: {  	s3 =	simm.s32 $0x0;
	s7 =	smul.u32 $0x4F00, s0;
	s4 =	sor.u32 s5, s4  }
0xb: {  	[smem:$0x7FF] =	sst s3;
	s8 =	ssub.s32 $0x2, s5;
	s5 =	smul.u32 $0x4F000, s5  }
0xc: {  	s28 =	simm.s32 $0x0;
	s6 =	smul.u32 $0x500, s4;
	_ =	strace $0x80000047  }
0xd: {  	s4 =	sadd.s32 $0x28C00, s1;
	s29 =	sshrl.u32 s7, $0x3;
	s11 =	sshrl.u32 s8, $0x1  }
0xe: {  	s11 =	ssub.s32 s8, s11;
	s30 =	sadd.s32 s7, s5;
	s10 =	sadd.s32 s6, s1  }
0xf: {  	s1 =	sadd.s32 s29, s1;
	s6 =	sadd.s32 s7, s2;
	s31 =	sshrl.u32 s30, $0x3  }
0x10: {  	s5 =	sadd.s32 $0x8AE00, s1;
	s7 =	sadd.s32 $0x80E00, s10;
	s8 =	sadd.s32 $0x76E00, s10  }
0x11: {  	s9 =	sadd.s32 s9, s31;
	s10 =	smax.u32 s11, $0x1;
	s11 =	simm.s32 $0xF000  }
.LBB2_1:
0x12: {  	[tilespmem:s11], [sflag:$0x3] =	stream.linear.gather [hbm4b:s5+s3], $0x4F00, $0x38;
	[tilespmem:$0x18E00] =	vst v63  }
0x13: {  	_ =	swait.ge [sflag:s12], $0x4F00  }
0x14: {  	[sflag:s12] =	ssyncset.done $0x0  }
0x15: {  	[sflag:s12] =	ssyncadd.s32 $0xFFFFB100  }
0x16: {  	[spmem:s6] =	stream.linear.scatter [tilespmem:s11], [sflag:$0x3], $0x4F00, $0x38;
	[tilespmem:$0x18E00] =	vst v63  }
0x17: {  	_ =	swait.ge [sflag:s12], $0x4F00  }
0x18: {  	[sflag:s12] =	ssyncset.done $0x0  }
0x19: {  	[sflag:s12] =	ssyncadd.s32 $0xFFFFB100  }
0x1a: {  	[tilespmem:s3], [sflag:$0x3] =	stream.linear.gather [hbm4b:s7+s3], $0x2800, $0x38;
	[tilespmem:$0x18E00] =	vst v63  }
0x1b: {  	_ =	swait.ge [sflag:s12], $0x2800  }
0x1c: {  	[sflag:s12] =	ssyncset.done $0x0  }
0x1d: {  	[sflag:s12] =	ssyncadd.s32 $0xFFFFD800  }
0x1e: {  	[tilespmem:s13], [sflag:$0x3] =	stream.linear.gather [hbm4b:s8+s3], $0x2800, $0x38;
	[tilespmem:$0x18E00] =	vst v63  }
0x1f: {  	_ =	swait.ge [sflag:s12], $0x2800  }
0x20: {  	[sflag:s12] =	ssyncset.done $0x0  }
0x21: {  	[sflag:s12] =	ssyncadd.s32 $0xFFFFD800  }
0x22: {  	s1 =	simm.s32 $0x0;
	[bflag:$0x0] =	sbarrier.arrive $0xFFFF  }
0x23: {  	[tilespmem:s15], [sflag:$0x1] =	stream.indirect.gather [hbm4b:s4+s14], $0x20, s1, s14, $0xb8;
	[tilespmem:$0x18E00] =	vst v63  }
0x24: {  	s31 =	simm.s32 $0x80  }
0x25: {  	[tilespmem:s16], [sflag:$0x1] =	stream.indirect.gather [hbm4b:s4+s14], $0x20, s31, s14, $0xb8;
	[tilespmem:$0x18E00] =	vst v63  }
0x26: {  	s31 =	simm.s32 $0x100  }
0x27: {  	[tilespmem:s17], [sflag:$0x1] =	stream.indirect.gather [hbm4b:s4+s14], $0x20, s31, s14, $0xb8;
	[tilespmem:$0x18E00] =	vst v63  }
0x28: {  	s31 =	simm.s32 $0x180  }
0x29: {  	[tilespmem:s18], [sflag:$0x1] =	stream.indirect.gather [hbm4b:s4+s14], $0x20, s31, s14, $0xb8;
	[tilespmem:$0x18E00] =	vst v63  }
0x2a: {  	s31 =	simm.s32 $0x200  }
0x2b: {  	[tilespmem:s19], [sflag:$0x1] =	stream.indirect.gather [hbm4b:s4+s14], $0x20, s31, s14, $0xb8;
	[tilespmem:$0x18E00] =	vst v63  }
0x2c: {  	s31 =	simm.s32 $0x280  }
0x2d: {  	[tilespmem:s20], [sflag:$0x1] =	stream.indirect.gather [hbm4b:s4+s14], $0x20, s31, s14, $0xb8;
	[tilespmem:$0x18E00] =	vst v63  }
0x2e: {  	s31 =	simm.s32 $0x300  }
0x2f: {  	[tilespmem:s21], [sflag:$0x1] =	stream.indirect.gather [hbm4b:s4+s14], $0x20, s31, s14, $0xb8;
	[tilespmem:$0x18E00] =	vst v63  }
0x30: {  	s31 =	simm.s32 $0x380  }
0x31: {  	[tilespmem:s22], [sflag:$0x1] =	stream.indirect.gather [hbm4b:s4+s14], $0x20, s31, s14, $0xb8;
	[tilespmem:$0x18E00] =	vst v63  }
0x32: {  	s31 =	simm.s32 $0x400  }
0x33: {  	[tilespmem:s23], [sflag:$0x1] =	stream.indirect.gather [hbm4b:s4+s14], $0x20, s31, s14, $0xb8;
	[tilespmem:$0x18E00] =	vst v63  }
0x34: {  	s31 =	simm.s32 $0x480  }
0x35: {  	[tilespmem:s24], [sflag:$0x1] =	stream.indirect.gather [hbm4b:s4+s14], $0x20, s31, s14, $0xb8;
	[tilespmem:$0x18E00] =	vst v63  }
0x36: {  	_ =	swait.ge [sflag:s25], $0x1000  }
0x37: {  	[sflag:s25] =	ssyncset.done $0x0  }
0x38: {  	s31 =	simm.s32 $0x2800;
	[sflag:s25] =	ssyncadd.s32 $0xFFFFF000  }
0x39: {  	[spmem:s2] =	stream.indirect.scatter.add.f32 [tilespmem:s15], [sflag:$0x2], $0x20, s31, s14, $0xb8;
	[tilespmem:$0x18E00] =	vst v63  }
0x3a: {  	_ =	swait.ge [sflag:s25], $0x1000  }
0x3b: {  	[sflag:s25] =	ssyncset.done $0x0  }
0x3c: {  	s31 =	simm.s32 $0x2880;
	[sflag:s25] =	ssyncadd.s32 $0xFFFFF000  }
0x3d: {  	[spmem:s2] =	stream.indirect.scatter.add.f32 [tilespmem:s16], [sflag:$0x2], $0x20, s31, s14, $0xb8;
	[tilespmem:$0x18E00] =	vst v63  }
0x3e: {  	_ =	swait.ge [sflag:s25], $0x1000  }
0x3f: {  	[sflag:s25] =	ssyncset.done $0x0  }
0x40: {  	s31 =	simm.s32 $0x2900;
	[sflag:s25] =	ssyncadd.s32 $0xFFFFF000  }
0x41: {  	[spmem:s2] =	stream.indirect.scatter.add.f32 [tilespmem:s17], [sflag:$0x2], $0x20, s31, s14, $0xb8;
	[tilespmem:$0x18E00] =	vst v63  }
0x42: {  	_ =	swait.ge [sflag:s25], $0x1000  }
0x43: {  	[sflag:s25] =	ssyncset.done $0x0  }
0x44: {  	s31 =	simm.s32 $0x2980;
	[sflag:s25] =	ssyncadd.s32 $0xFFFFF000  }
0x45: {  	[spmem:s2] =	stream.indirect.scatter.add.f32 [tilespmem:s18], [sflag:$0x2], $0x20, s31, s14, $0xb8;
	[tilespmem:$0x18E00] =	vst v63  }
0x46: {  	_ =	swait.ge [sflag:s25], $0x1000  }
0x47: {  	[sflag:s25] =	ssyncset.done $0x0  }
0x48: {  	s31 =	simm.s32 $0x2A00;
	[sflag:s25] =	ssyncadd.s32 $0xFFFFF000  }
0x49: {  	[spmem:s2] =	stream.indirect.scatter.add.f32 [tilespmem:s19], [sflag:$0x2], $0x20, s31, s14, $0xb8;
	[tilespmem:$0x18E00] =	vst v63  }
0x4a: {  	_ =	swait.ge [sflag:s25], $0x1000  }
0x4b: {  	[sflag:s25] =	ssyncset.done $0x0  }
0x4c: {  	s31 =	simm.s32 $0x2A80;
	[sflag:s25] =	ssyncadd.s32 $0xFFFFF000  }
0x4d: {  	[spmem:s2] =	stream.indirect.scatter.add.f32 [tilespmem:s20], [sflag:$0x2], $0x20, s31, s14, $0xb8;
	[tilespmem:$0x18E00] =	vst v63  }
0x4e: {  	_ =	swait.ge [sflag:s25], $0x1000  }
0x4f: {  	[sflag:s25] =	ssyncset.done $0x0  }
0x50: {  	s31 =	simm.s32 $0x2B00;
	[sflag:s25] =	ssyncadd.s32 $0xFFFFF000  }
0x51: {  	[spmem:s2] =	stream.indirect.scatter.add.f32 [tilespmem:s21], [sflag:$0x2], $0x20, s31, s14, $0xb8;
	[tilespmem:$0x18E00] =	vst v63  }
0x52: {  	_ =	swait.ge [sflag:s25], $0x1000  }
0x53: {  	[sflag:s25] =	ssyncset.done $0x0  }
0x54: {  	s31 =	simm.s32 $0x2B80;
	[sflag:s25] =	ssyncadd.s32 $0xFFFFF000  }
0x55: {  	[spmem:s2] =	stream.indirect.scatter.add.f32 [tilespmem:s22], [sflag:$0x2], $0x20, s31, s14, $0xb8;
	[tilespmem:$0x18E00] =	vst v63  }
0x56: {  	_ =	swait.ge [sflag:s25], $0x1000  }
0x57: {  	[sflag:s25] =	ssyncset.done $0x0  }
0x58: {  	s31 =	simm.s32 $0x2C00;
	[sflag:s25] =	ssyncadd.s32 $0xFFFFF000  }
0x59: {  	[spmem:s2] =	stream.indirect.scatter.add.f32 [tilespmem:s23], [sflag:$0x2], $0x20, s31, s14, $0xb8;
	[tilespmem:$0x18E00] =	vst v63  }
0x5a: {  	_ =	swait.ge [sflag:s25], $0x1000  }
0x5b: {  	[sflag:s25] =	ssyncset.done $0x0  }
0x5c: {  	s31 =	simm.s32 $0x2C80;
	[sflag:s25] =	ssyncadd.s32 $0xFFFFF000  }
0x5d: {  	[spmem:s2] =	stream.indirect.scatter.add.f32 [tilespmem:s24], [sflag:$0x2], $0x20, s31, s14, $0xb8;
	[tilespmem:$0x18E00] =	vst v63  }
0x5e: {  	_ =	swait.ge [sflag:s26], $0x1000  }
0x5f: {  	[sflag:s26] =	ssyncset.done $0x0  }
0x60: {  	[sflag:s26] =	ssyncadd.s32 $0xFFFFF000  }
0x61: {  	_ =	swait.ge [sflag:s26], $0x1000  }
0x62: {  	[sflag:s26] =	ssyncset.done $0x0  }
0x63: {  	[sflag:s26] =	ssyncadd.s32 $0xFFFFF000  }
0x64: {  	_ =	swait.ge [sflag:s26], $0x1000  }
0x65: {  	[sflag:s26] =	ssyncset.done $0x0  }
0x66: {  	[sflag:s26] =	ssyncadd.s32 $0xFFFFF000  }
0x67: {  	_ =	swait.ge [sflag:s26], $0x1000  }
0x68: {  	[sflag:s26] =	ssyncset.done $0x0  }
0x69: {  	[sflag:s26] =	ssyncadd.s32 $0xFFFFF000  }
0x6a: {  	_ =	swait.ge [sflag:s26], $0x1000  }
0x6b: {  	[sflag:s26] =	ssyncset.done $0x0  }
0x6c: {  	[sflag:s26] =	ssyncadd.s32 $0xFFFFF000  }
0x6d: {  	_ =	swait.ge [sflag:s26], $0x1000  }
0x6e: {  	[sflag:s26] =	ssyncset.done $0x0  }
0x6f: {  	[sflag:s26] =	ssyncadd.s32 $0xFFFFF000  }
0x70: {  	_ =	swait.ge [sflag:s26], $0x1000  }
0x71: {  	[sflag:s26] =	ssyncset.done $0x0  }
0x72: {  	[sflag:s26] =	ssyncadd.s32 $0xFFFFF000  }
0x73: {  	_ =	swait.ge [sflag:s26], $0x1000  }
0x74: {  	[sflag:s26] =	ssyncset.done $0x0  }
0x75: {  	[sflag:s26] =	ssyncadd.s32 $0xFFFFF000  }
0x76: {  	_ =	swait.ge [sflag:s26], $0x1000  }
0x77: {  	[sflag:s26] =	ssyncset.done $0x0  }
0x78: {  	[sflag:s26] =	ssyncadd.s32 $0xFFFFF000  }
0x79: {  	_ =	swait.ge [sflag:s26], $0x1000  }
0x7a: {  	s29 =	simm.s32 $0x1400;
	s30 =	simm.s32 $0x2800;
	[sflag:s26] =	ssyncset.done $0x0  }
.LBB2_2:
0x7b: {  	s31 =	sshra.s32 s29, $0x2  }
0x7c: {  	[sflag:s26] =	ssyncadd.s32 $0xFFFFF000;
	s29 =	smov.u32 s30;
	s1 =	sadd.s32 $0x1400, s30  }
0x7d: {  	[tilespmem:s15], [sflag:$0x1] =	stream.indirect.gather [hbm4b:s4+s14], $0x20, s31, s14, $0xb8;
	[tilespmem:$0x18E00] =	vst v63  }
0x7e: {  	p0 =	sne.s32 s30, $0x8C00;
	s30 =	sadd.s32 $0x80, s31  }
0x7f: {  	[tilespmem:s16], [sflag:$0x1] =	stream.indirect.gather [hbm4b:s4+s14], $0x20, s30, s14, $0xb8;
	[tilespmem:$0x18E00] =	vst v63  }
0x80: {  	s30 =	sadd.s32 $0x100, s31  }
0x81: {  	[tilespmem:s17], [sflag:$0x1] =	stream.indirect.gather [hbm4b:s4+s14], $0x20, s30, s14, $0xb8;
	[tilespmem:$0x18E00] =	vst v63  }
0x82: {  	s30 =	sadd.s32 $0x180, s31  }
0x83: {  	[tilespmem:s18], [sflag:$0x1] =	stream.indirect.gather [hbm4b:s4+s14], $0x20, s30, s14, $0xb8;
	[tilespmem:$0x18E00] =	vst v63  }
0x84: {  	s30 =	sadd.s32 $0x200, s31  }
0x85: {  	[tilespmem:s19], [sflag:$0x1] =	stream.indirect.gather [hbm4b:s4+s14], $0x20, s30, s14, $0xb8;
	[tilespmem:$0x18E00] =	vst v63  }
0x86: {  	s30 =	sadd.s32 $0x280, s31  }
0x87: {  	[tilespmem:s20], [sflag:$0x1] =	stream.indirect.gather [hbm4b:s4+s14], $0x20, s30, s14, $0xb8;
	[tilespmem:$0x18E00] =	vst v63  }
0x88: {  	s30 =	sadd.s32 $0x300, s31  }
0x89: {  	[tilespmem:s21], [sflag:$0x1] =	stream.indirect.gather [hbm4b:s4+s14], $0x20, s30, s14, $0xb8;
	[tilespmem:$0x18E00] =	vst v63  }
0x8a: {  	s30 =	sadd.s32 $0x380, s31  }
0x8b: {  	[tilespmem:s22], [sflag:$0x1] =	stream.indirect.gather [hbm4b:s4+s14], $0x20, s30, s14, $0xb8;
	[tilespmem:$0x18E00] =	vst v63  }
0x8c: {  	s30 =	sadd.s32 $0x400, s31  }
0x8d: {  	[tilespmem:s23], [sflag:$0x1] =	stream.indirect.gather [hbm4b:s4+s14], $0x20, s30, s14, $0xb8;
	[tilespmem:$0x18E00] =	vst v63  }
0x8e: {  	s30 =	sadd.s32 $0x480, s31  }
0x8f: {  	[tilespmem:s24], [sflag:$0x1] =	stream.indirect.gather [hbm4b:s4+s14], $0x20, s30, s14, $0xb8;
	[tilespmem:$0x18E00] =	vst v63  }
0x90: {  	_ =	swait.ge [sflag:s25], $0x1000  }
0x91: {  	[sflag:s25] =	ssyncset.done $0x0  }
0x92: {  	s30 =	sadd.s32 $0x2800, s31;
	[sflag:s25] =	ssyncadd.s32 $0xFFFFF000  }
0x93: {  	[spmem:s2] =	stream.indirect.scatter.add.f32 [tilespmem:s15], [sflag:$0x2], $0x20, s30, s14, $0xb8;
	[tilespmem:$0x18E00] =	vst v63  }
0x94: {  	_ =	swait.ge [sflag:s25], $0x1000  }
0x95: {  	[sflag:s25] =	ssyncset.done $0x0  }
0x96: {  	s30 =	sadd.s32 $0x2880, s31;
	[sflag:s25] =	ssyncadd.s32 $0xFFFFF000  }
0x97: {  	[spmem:s2] =	stream.indirect.scatter.add.f32 [tilespmem:s16], [sflag:$0x2], $0x20, s30, s14, $0xb8;
	[tilespmem:$0x18E00] =	vst v63  }
0x98: {  	_ =	swait.ge [sflag:s25], $0x1000  }
0x99: {  	[sflag:s25] =	ssyncset.done $0x0  }
0x9a: {  	s30 =	sadd.s32 $0x2900, s31;
	[sflag:s25] =	ssyncadd.s32 $0xFFFFF000  }
0x9b: {  	[spmem:s2] =	stream.indirect.scatter.add.f32 [tilespmem:s17], [sflag:$0x2], $0x20, s30, s14, $0xb8;
	[tilespmem:$0x18E00] =	vst v63  }
0x9c: {  	_ =	swait.ge [sflag:s25], $0x1000  }
0x9d: {  	[sflag:s25] =	ssyncset.done $0x0  }
0x9e: {  	s30 =	sadd.s32 $0x2980, s31;
	[sflag:s25] =	ssyncadd.s32 $0xFFFFF000  }
0x9f: {  	[spmem:s2] =	stream.indirect.scatter.add.f32 [tilespmem:s18], [sflag:$0x2], $0x20, s30, s14, $0xb8;
	[tilespmem:$0x18E00] =	vst v63  }
0xa0: {  	_ =	swait.ge [sflag:s25], $0x1000  }
0xa1: {  	[sflag:s25] =	ssyncset.done $0x0  }
0xa2: {  	s30 =	sadd.s32 $0x2A00, s31;
	[sflag:s25] =	ssyncadd.s32 $0xFFFFF000  }
0xa3: {  	[spmem:s2] =	stream.indirect.scatter.add.f32 [tilespmem:s19], [sflag:$0x2], $0x20, s30, s14, $0xb8;
	[tilespmem:$0x18E00] =	vst v63  }
0xa4: {  	_ =	swait.ge [sflag:s25], $0x1000  }
0xa5: {  	[sflag:s25] =	ssyncset.done $0x0  }
0xa6: {  	s30 =	sadd.s32 $0x2A80, s31;
	[sflag:s25] =	ssyncadd.s32 $0xFFFFF000  }
0xa7: {  	[spmem:s2] =	stream.indirect.scatter.add.f32 [tilespmem:s20], [sflag:$0x2], $0x20, s30, s14, $0xb8;
	[tilespmem:$0x18E00] =	vst v63  }
0xa8: {  	_ =	swait.ge [sflag:s25], $0x1000  }
0xa9: {  	[sflag:s25] =	ssyncset.done $0x0  }
0xaa: {  	s30 =	sadd.s32 $0x2B00, s31;
	[sflag:s25] =	ssyncadd.s32 $0xFFFFF000  }
0xab: {  	[spmem:s2] =	stream.indirect.scatter.add.f32 [tilespmem:s21], [sflag:$0x2], $0x20, s30, s14, $0xb8;
	[tilespmem:$0x18E00] =	vst v63  }
0xac: {  	_ =	swait.ge [sflag:s25], $0x1000  }
0xad: {  	[sflag:s25] =	ssyncset.done $0x0  }
0xae: {  	s30 =	sadd.s32 $0x2B80, s31;
	[sflag:s25] =	ssyncadd.s32 $0xFFFFF000  }
0xaf: {  	[spmem:s2] =	stream.indirect.scatter.add.f32 [tilespmem:s22], [sflag:$0x2], $0x20, s30, s14, $0xb8;
	[tilespmem:$0x18E00] =	vst v63  }
0xb0: {  	_ =	swait.ge [sflag:s25], $0x1000  }
0xb1: {  	[sflag:s25] =	ssyncset.done $0x0  }
0xb2: {  	s30 =	sadd.s32 $0x2C00, s31;
	[sflag:s25] =	ssyncadd.s32 $0xFFFFF000  }
0xb3: {  	[spmem:s2] =	stream.indirect.scatter.add.f32 [tilespmem:s23], [sflag:$0x2], $0x20, s30, s14, $0xb8;
	[tilespmem:$0x18E00] =	vst v63  }
0xb4: {  	_ =	swait.ge [sflag:s25], $0x1000  }
0xb5: {  	[sflag:s25] =	ssyncset.done $0x0  }
0xb6: {  	s30 =	sadd.s32 $0x2C80, s31;
	[sflag:s25] =	ssyncadd.s32 $0xFFFFF000  }
0xb7: {  	[spmem:s2] =	stream.indirect.scatter.add.f32 [tilespmem:s24], [sflag:$0x2], $0x20, s30, s14, $0xb8;
	[tilespmem:$0x18E00] =	vst v63  }
0xb8: {  	_ =	swait.ge [sflag:s26], $0x1000  }
0xb9: {  	[sflag:s26] =	ssyncset.done $0x0  }
0xba: {  	[sflag:s26] =	ssyncadd.s32 $0xFFFFF000  }
0xbb: {  	_ =	swait.ge [sflag:s26], $0x1000  }
0xbc: {  	[sflag:s26] =	ssyncset.done $0x0  }
0xbd: {  	[sflag:s26] =	ssyncadd.s32 $0xFFFFF000  }
0xbe: {  	_ =	swait.ge [sflag:s26], $0x1000  }
0xbf: {  	[sflag:s26] =	ssyncset.done $0x0  }
0xc0: {  	[sflag:s26] =	ssyncadd.s32 $0xFFFFF000  }
0xc1: {  	_ =	swait.ge [sflag:s26], $0x1000  }
0xc2: {  	[sflag:s26] =	ssyncset.done $0x0  }
0xc3: {  	[sflag:s26] =	ssyncadd.s32 $0xFFFFF000  }
0xc4: {  	_ =	swait.ge [sflag:s26], $0x1000  }
0xc5: {  	[sflag:s26] =	ssyncset.done $0x0  }
0xc6: {  	[sflag:s26] =	ssyncadd.s32 $0xFFFFF000  }
0xc7: {  	_ =	swait.ge [sflag:s26], $0x1000  }
0xc8: {  	[sflag:s26] =	ssyncset.done $0x0  }
0xc9: {  	[sflag:s26] =	ssyncadd.s32 $0xFFFFF000  }
0xca: {  	_ =	swait.ge [sflag:s26], $0x1000  }
0xcb: {  	[sflag:s26] =	ssyncset.done $0x0  }
0xcc: {  	[sflag:s26] =	ssyncadd.s32 $0xFFFFF000  }
0xcd: {  	_ =	swait.ge [sflag:s26], $0x1000  }
0xce: {  	[sflag:s26] =	ssyncset.done $0x0  }
0xcf: {  	[sflag:s26] =	ssyncadd.s32 $0xFFFFF000  }
.Ltmp0:
0xd0: {  	_ =	swait.ge [sflag:s26], $0x1000;
	(pc) =	sbr.rel @p0 .LBB2_2-.Ltmp0, $4  }
0xd1: {  	[sflag:s26] =	ssyncset.done $0x0  }
0xd2: {  	[sflag:s26] =	ssyncadd.s32 $0xFFFFF000  }
0xd3: {  	_ =	swait.ge [sflag:s26], $0x1000  }
0xd4: {  	s30 =	smov.u32 s1;
	[sflag:s26] =	ssyncset.done $0x0  }
0xd5: {  	s29 =	sshra.s32 s29, $0x2;
	[sflag:s26] =	ssyncadd.s32 $0xFFFFF000  }
0xd6: {  	[tilespmem:s15], [sflag:$0x1] =	stream.indirect.gather [hbm4b:s4+s14], $0x20, s29, s14, $0xb8;
	[tilespmem:$0x18E00] =	vst v63  }
0xd7: {  	s1 =	sadd.s32 $0x80, s29  }
0xd8: {  	[tilespmem:s16], [sflag:$0x1] =	stream.indirect.gather [hbm4b:s4+s14], $0x20, s1, s14, $0xb8;
	[tilespmem:$0x18E00] =	vst v63  }
0xd9: {  	s30 =	sadd.s32 $0x100, s29  }
0xda: {  	[tilespmem:s17], [sflag:$0x1] =	stream.indirect.gather [hbm4b:s4+s14], $0x20, s30, s14, $0xb8;
	[tilespmem:$0x18E00] =	vst v63  }
0xdb: {  	s31 =	sadd.s32 $0x180, s29  }
0xdc: {  	[tilespmem:s18], [sflag:$0x1] =	stream.indirect.gather [hbm4b:s4+s14], $0x20, s31, s14, $0xb8;
	[tilespmem:$0x18E00] =	vst v63  }
0xdd: {  	s30 =	sadd.s32 $0x200, s29  }
0xde: {  	[tilespmem:s19], [sflag:$0x1] =	stream.indirect.gather [hbm4b:s4+s14], $0x20, s30, s14, $0xb8;
	[tilespmem:$0x18E00] =	vst v63  }
0xdf: {  	s31 =	sadd.s32 $0x280, s29  }
0xe0: {  	[tilespmem:s20], [sflag:$0x1] =	stream.indirect.gather [hbm4b:s4+s14], $0x20, s31, s14, $0xb8;
	[tilespmem:$0x18E00] =	vst v63  }
0xe1: {  	s30 =	sadd.s32 $0x300, s29  }
0xe2: {  	[tilespmem:s21], [sflag:$0x1] =	stream.indirect.gather [hbm4b:s4+s14], $0x20, s30, s14, $0xb8;
	[tilespmem:$0x18E00] =	vst v63  }
0xe3: {  	s31 =	sadd.s32 $0x380, s29  }
0xe4: {  	[tilespmem:s22], [sflag:$0x1] =	stream.indirect.gather [hbm4b:s4+s14], $0x20, s31, s14, $0xb8;
	[tilespmem:$0x18E00] =	vst v63  }
0xe5: {  	s30 =	sadd.s32 $0x400, s29  }
0xe6: {  	[tilespmem:s23], [sflag:$0x1] =	stream.indirect.gather [hbm4b:s4+s14], $0x20, s30, s14, $0xb8;
	[tilespmem:$0x18E00] =	vst v63  }
0xe7: {  	s31 =	sadd.s32 $0x480, s29  }
0xe8: {  	[tilespmem:s24], [sflag:$0x1] =	stream.indirect.gather [hbm4b:s4+s14], $0x20, s31, s14, $0xb8;
	[tilespmem:$0x18E00] =	vst v63  }
0xe9: {  	_ =	swait.ge [sflag:s25], $0x1000  }
0xea: {  	[sflag:s25] =	ssyncset.done $0x0  }
0xeb: {  	s30 =	sadd.s32 $0x2800, s29;
	[sflag:s25] =	ssyncadd.s32 $0xFFFFF000  }
0xec: {  	[spmem:s2] =	stream.indirect.scatter.add.f32 [tilespmem:s15], [sflag:$0x2], $0x20, s30, s14, $0xb8;
	[tilespmem:$0x18E00] =	vst v63  }
0xed: {  	_ =	swait.ge [sflag:s25], $0x1000  }
0xee: {  	[sflag:s25] =	ssyncset.done $0x0  }
0xef: {  	s31 =	sadd.s32 $0x2880, s29;
	[sflag:s25] =	ssyncadd.s32 $0xFFFFF000  }
0xf0: {  	[spmem:s2] =	stream.indirect.scatter.add.f32 [tilespmem:s16], [sflag:$0x2], $0x20, s31, s14, $0xb8;
	[tilespmem:$0x18E00] =	vst v63  }
0xf1: {  	_ =	swait.ge [sflag:s25], $0x1000  }
0xf2: {  	[sflag:s25] =	ssyncset.done $0x0  }
0xf3: {  	s30 =	sadd.s32 $0x2900, s29;
	[sflag:s25] =	ssyncadd.s32 $0xFFFFF000  }
0xf4: {  	[spmem:s2] =	stream.indirect.scatter.add.f32 [tilespmem:s17], [sflag:$0x2], $0x20, s30, s14, $0xb8;
	[tilespmem:$0x18E00] =	vst v63  }
0xf5: {  	_ =	swait.ge [sflag:s25], $0x1000  }
0xf6: {  	[sflag:s25] =	ssyncset.done $0x0  }
0xf7: {  	s31 =	sadd.s32 $0x2980, s29;
	[sflag:s25] =	ssyncadd.s32 $0xFFFFF000  }
0xf8: {  	[spmem:s2] =	stream.indirect.scatter.add.f32 [tilespmem:s18], [sflag:$0x2], $0x20, s31, s14, $0xb8;
	[tilespmem:$0x18E00] =	vst v63  }
0xf9: {  	_ =	swait.ge [sflag:s25], $0x1000  }
0xfa: {  	[sflag:s25] =	ssyncset.done $0x0  }
0xfb: {  	s30 =	sadd.s32 $0x2A00, s29;
	[sflag:s25] =	ssyncadd.s32 $0xFFFFF000  }
0xfc: {  	[spmem:s2] =	stream.indirect.scatter.add.f32 [tilespmem:s19], [sflag:$0x2], $0x20, s30, s14, $0xb8;
	[tilespmem:$0x18E00] =	vst v63  }
0xfd: {  	_ =	swait.ge [sflag:s25], $0x1000  }
0xfe: {  	[sflag:s25] =	ssyncset.done $0x0  }
0xff: {  	s31 =	sadd.s32 $0x2A80, s29;
	[sflag:s25] =	ssyncadd.s32 $0xFFFFF000  }
0x100: {  	[spmem:s2] =	stream.indirect.scatter.add.f32 [tilespmem:s20], [sflag:$0x2], $0x20, s31, s14, $0xb8;
	[tilespmem:$0x18E00] =	vst v63  }
0x101: {  	_ =	swait.ge [sflag:s25], $0x1000  }
0x102: {  	[sflag:s25] =	ssyncset.done $0x0  }
0x103: {  	s30 =	sadd.s32 $0x2B00, s29;
	[sflag:s25] =	ssyncadd.s32 $0xFFFFF000  }
0x104: {  	[spmem:s2] =	stream.indirect.scatter.add.f32 [tilespmem:s21], [sflag:$0x2], $0x20, s30, s14, $0xb8;
	[tilespmem:$0x18E00] =	vst v63  }
0x105: {  	_ =	swait.ge [sflag:s25], $0x1000  }
0x106: {  	[sflag:s25] =	ssyncset.done $0x0  }
0x107: {  	s31 =	sadd.s32 $0x2B80, s29;
	[sflag:s25] =	ssyncadd.s32 $0xFFFFF000  }
0x108: {  	[spmem:s2] =	stream.indirect.scatter.add.f32 [tilespmem:s22], [sflag:$0x2], $0x20, s31, s14, $0xb8;
	[tilespmem:$0x18E00] =	vst v63  }
0x109: {  	_ =	swait.ge [sflag:s25], $0x1000  }
0x10a: {  	[sflag:s25] =	ssyncset.done $0x0  }
0x10b: {  	s30 =	sadd.s32 $0x2C00, s29;
	[sflag:s25] =	ssyncadd.s32 $0xFFFFF000  }
0x10c: {  	[spmem:s2] =	stream.indirect.scatter.add.f32 [tilespmem:s23], [sflag:$0x2], $0x20, s30, s14, $0xb8;
	[tilespmem:$0x18E00] =	vst v63  }
0x10d: {  	_ =	swait.ge [sflag:s25], $0x1000  }
0x10e: {  	[sflag:s25] =	ssyncset.done $0x0  }
0x10f: {  	s31 =	sadd.s32 $0x2C80, s29;
	[sflag:s25] =	ssyncadd.s32 $0xFFFFF000  }
0x110: {  	[spmem:s2] =	stream.indirect.scatter.add.f32 [tilespmem:s24], [sflag:$0x2], $0x20, s31, s14, $0xb8;
	[tilespmem:$0x18E00] =	vst v63  }
0x111: {  	_ =	swait.ge [sflag:s26], $0x1000  }
0x112: {  	[sflag:s26] =	ssyncset.done $0x0  }
0x113: {  	[sflag:s26] =	ssyncadd.s32 $0xFFFFF000  }
0x114: {  	_ =	swait.ge [sflag:s26], $0x1000  }
0x115: {  	[sflag:s26] =	ssyncset.done $0x0  }
0x116: {  	[sflag:s26] =	ssyncadd.s32 $0xFFFFF000  }
0x117: {  	_ =	swait.ge [sflag:s26], $0x1000  }
0x118: {  	[sflag:s26] =	ssyncset.done $0x0  }
0x119: {  	[sflag:s26] =	ssyncadd.s32 $0xFFFFF000  }
0x11a: {  	_ =	swait.ge [sflag:s26], $0x1000  }
0x11b: {  	[sflag:s26] =	ssyncset.done $0x0  }
0x11c: {  	[sflag:s26] =	ssyncadd.s32 $0xFFFFF000  }
0x11d: {  	_ =	swait.ge [sflag:s26], $0x1000  }
0x11e: {  	[sflag:s26] =	ssyncset.done $0x0  }
0x11f: {  	[sflag:s26] =	ssyncadd.s32 $0xFFFFF000  }
0x120: {  	_ =	swait.ge [sflag:s26], $0x1000  }
0x121: {  	[sflag:s26] =	ssyncset.done $0x0  }
0x122: {  	[sflag:s26] =	ssyncadd.s32 $0xFFFFF000  }
0x123: {  	_ =	swait.ge [sflag:s26], $0x1000  }
0x124: {  	[sflag:s26] =	ssyncset.done $0x0  }
0x125: {  	[sflag:s26] =	ssyncadd.s32 $0xFFFFF000  }
0x126: {  	_ =	swait.ge [sflag:s26], $0x1000  }
0x127: {  	[sflag:s26] =	ssyncset.done $0x0  }
0x128: {  	[sflag:s26] =	ssyncadd.s32 $0xFFFFF000  }
0x129: {  	_ =	swait.ge [sflag:s26], $0x1000  }
0x12a: {  	[sflag:s26] =	ssyncset.done $0x0  }
0x12b: {  	[sflag:s26] =	ssyncadd.s32 $0xFFFFF000  }
0x12c: {  	_ =	swait.ge [sflag:s26], $0x1000  }
0x12d: {  	[sflag:s26] =	ssyncset.done $0x0  }
0x12e: {  	[sflag:s26] =	ssyncadd.s32 $0xFFFFF000  }
0x12f: {  	[bflag:$0x0] =	sbarrier.arrive $0xFFFF  }
0x130: {  	[tilespmem:s11], [sflag:$0x3] =	stream.linear.gather [spmem:s6], $0x4F00, $0x38;
	[tilespmem:$0x18E00] =	vst v63  }
0x131: {  	s28 =	sadd.s32 $0x1, s28;
	_ =	swait.ge [sflag:s12], $0x4F00  }
0x132: {  	p0 =	sne.s32 s28, s10;
	[sflag:s12] =	ssyncset.done $0x0  }
.Ltmp1:
0x133: {  	[sflag:s12] =	ssyncadd.s32 $0xFFFFB100;
	(pc) =	sbr.rel @p0 .LBB2_1-.Ltmp1, $4  }
0x134: {  	[hbm4b:s9+s3] =	stream.linear.scatter [tilespmem:s11], [sflag:$0x3], $0x4F00, $0x38;
	[tilespmem:$0x18E00] =	vst v63  }
0x135: {  	_ =	swait.ge [sflag:s12], $0x4F00  }
0x136: {  	[sflag:s12] =	ssyncset.done $0x0  }
0x137: {  	[sflag:s12] =	ssyncadd.s32 $0xFFFFB100  }
0x138: {  	_ =	sfence.sel $0x180000  }
0x139: {  	[bflag:$0x0] =	sbarrier.arrive $0xFFFF  }
0x13a: {  	_ =	strace $0x90000047  }
0x13b: {  	[bflag:$0x2] =	sbarrier.arrive $0xFFFF  }
0x13c: {  	p0 =	sne.s32 s0, $0x0;
	s0 =	rddreg [dreg:$0x3]  }
0x13d: {  	s0 =	sadd.s32 @!p0 $0x100000, s0  }
0x13e: {  	[sflag:s0] =	ssyncadd.tile.s32 @!p0 $0x1;
	_ =	shalt  }
.Lfunc_end2:
_tile_overlayer_lowered:
.L_overlay_start_2:
0x13f: {  	(tag) =	ssettag $0x2  }
0x140: {  	s0 =	rddreg [dreg:$0x0];
	s2 =	stileid.u32  }
0x141: {  	s1 =	rddreg [dreg:$0x1];
	p0 =	sne.s32 s2, $0x0  }
0x142: {  	s3 =	rddreg [dreg:$0x2];
	[bflag:$0x3] =	sbarrier.arrive $0xFFFF;
	s2 =	simm.s32 @!p0 $0x1C03  }
0x143: {  	[timem:s3], [sflag:s2] =	dma.local @!p0 [hbm:s0], s1  }
0x144: {  	s0 =	simm.s32 @!p0 $0x3  }
0x145: {  	_ =	swait.ge @!p0 [sflag:s0], s1  }
0x146: {  	s1 =	ssub.s32 @!p0 $0x0, s1;
	[sflag:s0] =	ssyncset.done @!p0 $0x0  }
0x147: {  	[sflag:s0] =	ssyncadd.s32 @!p0 s1  }
0x148: {  	[bflag:$0x3] =	sbarrier.arrive $0xFFFF  }
0x149: {  	_ =	shalt  }

</sc_bundles>
